<compile_context>
chip_gen: v7x
topology: tpu7x:2x2x1
jax: 0.10.2.dev20260603
libtpu: 0.0.44.dev20260713+nightly
codegen_flags: <defaults>
</compile_context>

<pallas_src>
import dataclasses
import functools

import jax
import jax.numpy as jnp
from jax import lax
from jax.experimental import pallas as pl
from jax.experimental.pallas import tpu as pltpu
from jax.experimental.pallas import tpu_sc as plsc

N = 10000
E = 320000
P = 320000
DH = 128
NRBF = 16
RMAX = 1.4142135623730951
C2S2 = 2.0 * (RMAX / 15.0) * (RMAX / 15.0)
INV2S2 = 56.25

NPAD = 10240
NW = 32
CH = 128
NCH = 80
EPW = CH * NCH
EPAD = NW * EPW
NACC = 10112
BN = 1024
BE = 2048
NBE = EPAD // BE
GPB = BE // CH

_P_HI = None



def _sc_compiler_params():
    cp = pltpu.CompilerParams()
    if "needs_layout_passes" in pltpu.CompilerParams.__dataclass_fields__:
        cp = dataclasses.replace(cp, needs_layout_passes=False)
    return cp


@functools.cache
def _get_sc_gather2():
    mesh = plsc.VectorSubcoreMesh(core_axis_name="c", subcore_axis_name="s")

    @functools.partial(
        pl.kernel,
        mesh=mesh,
        compiler_params=_sc_compiler_params(),
        out_type=(jax.ShapeDtypeStruct((EPAD, DH), jnp.float32),
                  jax.ShapeDtypeStruct((NBE * 8 * BE,), jnp.float32)),
        scratch_types=[
            pltpu.VMEM((NCH, CH), jnp.int32),
            pltpu.VMEM((NCH, CH), jnp.int32),
            pltpu.VMEM((CH, DH), jnp.float32),
            pltpu.VMEM((CH, DH), jnp.float32),
            pltpu.VMEM((CH, DH), jnp.float32),
            pltpu.VMEM((CH, DH), jnp.float32),
            pltpu.VMEM((NPAD,), jnp.float32),
            pltpu.VMEM((NPAD,), jnp.float32),
            pltpu.VMEM((NPAD,), jnp.float32),
            pltpu.VMEM((CH,), jnp.float32),
            pltpu.VMEM((CH,), jnp.float32),
            pltpu.VMEM((CH,), jnp.float32),
            pltpu.VMEM((CH // 2,), jnp.int32),
            pltpu.VMEM_SHARED((16 * CH // 2, DH), jnp.float32),
            pltpu.SemaphoreType.DMA,
            pltpu.SemaphoreType.DMA,
            pltpu.SemaphoreType.DMA,
            pltpu.SemaphoreType.DMA,
        ],
    )
    def sc_gather2(tab_a, tab_b, idx_a, idx_b, x0, x1, x2,
                   out_s, geo_out,
                   ia_v, ib_v, buf_a0, buf_a1, buf_b0, buf_b1,
                   x0_v, x1_v, x2_v, d2_v, za_v, zb_v, ident_v, sbuf,
                   s_a0, s_a1, s_b0, s_b1):
        wid = lax.axis_index("s") * 2 + lax.axis_index("c")
        pltpu.sync_copy(idx_a.at[wid], ia_v)
        pltpu.sync_copy(idx_b.at[wid], ib_v)
        pltpu.sync_copy(x0, x0_v)
        pltpu.sync_copy(x1, x1_v)
        pltpu.sync_copy(x2, x2_v)

        sid = lax.axis_index("s")
        half = CH // 2

        @pl.loop(0, half // 16)
        def _(j):
            ident_v[pl.ds(j * 16, 16)] = (lax.iota(jnp.int32, 16) + j * 16
                                          + sid * half)
        buf_a = (buf_a0, buf_a1)
        buf_b = (buf_b0, buf_b1)
        sem_a = (s_a0, s_a1)
        sem_b = (s_b0, s_b1)
        base0 = wid * EPW

        def start(c, b):
            pltpu.async_copy(tab_a.at[ia_v.at[c]], buf_a[b], sem_a[b])
            pltpu.async_copy(tab_b.at[ib_v.at[c]], buf_b[b], sem_b[b])

        def geom(c):
            @pl.loop(0, CH // 16)
            def _(j):
                iav = ia_v[c, pl.ds(j * 16, 16)]
                ibv = ib_v[c, pl.ds(j * 16, 16)]
                xa0 = plsc.load_gather(x0_v, [iav])
                xb0 = plsc.load_gather(x0_v, [ibv])
                xa1 = plsc.load_gather(x1_v, [iav])
                xb1 = plsc.load_gather(x1_v, [ibv])
                d0 = xa0 - xb0
                d1 = xa1 - xb1
                d2_v[pl.ds(j * 16, 16)] = d0 * d0 + d1 * d1
                za_v[pl.ds(j * 16, 16)] = plsc.load_gather(x2_v, [iav])
                zb_v[pl.ds(j * 16, 16)] = plsc.load_gather(x2_v, [ibv])
            t0 = base0 + c * CH
            blk = t0 // BE
            off = t0 % BE
            gbase = blk * (8 * BE) + off
            pltpu.sync_copy(d2_v, geo_out.at[pl.ds(gbase, CH)])
            pltpu.sync_copy(za_v, geo_out.at[pl.ds(gbase + BE, CH)])
            pltpu.sync_copy(zb_v, geo_out.at[pl.ds(gbase + 2 * BE, CH)])

        def finish(c, b):
            pltpu.make_async_copy(tab_a.at[ia_v.at[c]], buf_a[b], sem_a[b]).wait()
            pltpu.make_async_copy(tab_b.at[ib_v.at[c]], buf_b[b], sem_b[b]).wait()
            for hh in (0, 1):
                pltpu.sync_copy(buf_a[b].at[pl.ds(hh * half, half)],
                                sbuf.at[pl.ds(sid * half, half)])
                pltpu.sync_copy(buf_b[b].at[pl.ds(hh * half, half)],
                                sbuf.at[ident_v], add=True)
                pltpu.sync_copy(
                    sbuf.at[pl.ds(sid * half, half)],
                    out_s.at[pl.ds(base0 + c * CH + hh * half, half)])

        start(0, 0)

        @pl.loop(0, NCH, step=2)
        def _(c):
            start(c + 1, 1)
            geom(c)
            finish(c, 0)

            @pl.when(c + 2 < NCH)
            def _():
                start(c + 2, 0)

            geom(c + 1)
            finish(c + 1, 1)

    return sc_gather2


def _sc_gather2(tab_a, tab_b, idx_a, idx_b, x0, x1, x2):
    return _get_sc_gather2()(tab_a, tab_b, idx_a, idx_b, x0, x1, x2)


@functools.cache
def _get_sc_scatter():
    mesh = plsc.VectorSubcoreMesh(core_axis_name="c", subcore_axis_name="s")

    @functools.partial(
        pl.kernel,
        mesh=mesh,
        out_type=jax.ShapeDtypeStruct((2, NACC, DH), jnp.float32),
        scratch_types=[
            pltpu.VMEM((NCH, CH), jnp.int32),
            pltpu.VMEM((CH, DH), jnp.float32),
            pltpu.VMEM((CH, DH), jnp.float32),
            pltpu.VMEM_SHARED((NACC, DH), jnp.float32),
            pltpu.SemaphoreType.DMA,
            pltpu.SemaphoreType.DMA,
        ],
    )
    def sc_scatter(e_hbm, idx_d, z128, agg_out,
                   id_v, eb0, eb1, acc, s0, s1):
        cid = lax.axis_index("c")
        sid = lax.axis_index("s")
        wid = sid * 2 + cid
        rows = NACC // 16
        pltpu.sync_copy(idx_d.at[wid], id_v)
        pltpu.sync_copy(z128, acc.at[pl.ds(sid * rows, rows)])
        plsc.subcore_barrier()

        base0 = wid * EPW
        ebuf = (eb0, eb1)
        sems = (s0, s1)

        def start(c, b):
            pltpu.async_copy(e_hbm.at[pl.ds(base0 + c * CH, CH)], ebuf[b],
                             sems[b])

        def finish(c, b):
            pltpu.make_async_copy(
                e_hbm.at[pl.ds(base0 + c * CH, CH)], ebuf[b], sems[b]).wait()
            pltpu.sync_copy(ebuf[b], acc.at[id_v.at[c]], add=True)

        start(0, 0)

        @pl.loop(0, NCH, step=2)
        def _(c):
            start(c + 1, 1)
            finish(c, 0)

            @pl.when(c + 2 < NCH)
            def _():
                start(c + 2, 0)

            finish(c + 1, 1)

        plsc.subcore_barrier()
        pltpu.sync_copy(acc.at[pl.ds(sid * rows, rows)],
                        agg_out.at[cid, pl.ds(sid * rows, rows)])

    return sc_scatter


def _sc_scatter(e_hbm, idx_d, z128):
    return _get_sc_scatter()(e_hbm, idx_d, z128)



def _prologue_body(x_ref, w1_ref, b1_ref, w2_ref, b2_ref, wa_ref, wb_ref,
                   b1m_ref, h_ref, ts_ref, td_ref):
    x = x_ref[...]
    h1 = jnp.maximum(
        jnp.dot(x, w1_ref[...], preferred_element_type=jnp.float32,
                precision=_P_HI) + b1_ref[...], 0.0)
    h = jnp.dot(h1, w2_ref[...], preferred_element_type=jnp.float32,
                precision=_P_HI) + b2_ref[...]
    h_ref[...] = h
    ts_ref[...] = jnp.dot(h, wa_ref[...], preferred_element_type=jnp.float32,
                          precision=_P_HI)
    td_ref[...] = (jnp.dot(h, wb_ref[...], preferred_element_type=jnp.float32,
                           precision=_P_HI) + b1m_ref[...])


def _edge_body(mu_ref, w1c_ref, w2_ref, b2_ref, s_ref, geo_ref, e_ref):
    geo = jnp.transpose(geo_ref[0])
    r = jnp.sqrt(geo[:, 0:1] + 1e-8)
    t = r - mu_ref[...]
    rbf = jnp.exp(-(t * t) / C2S2)
    g = jnp.dot(rbf, w1c_ref[...], preferred_element_type=jnp.float32)
    m1 = jnp.maximum(s_ref[...] + g, 0.0)
    e_ref[...] = jnp.dot(m1, w2_ref[...],
                         preferred_element_type=jnp.float32) + b2_ref[...]


def _node_body(h_ref, a0_ref, a1_ref,
               pw1a_ref, pw1b_ref, pb1_ref,
               pw2_ref, pb2_ref, lng_ref, lnb_ref, ea_ref, eb_ref, eb1_ref,
               au_ref, av_ref):
    h = h_ref[...]
    agg = a0_ref[...] + a1_ref[...]
    t1 = jnp.maximum(
        jnp.dot(h, pw1a_ref[...], preferred_element_type=jnp.float32,
                precision=_P_HI)
        + jnp.dot(agg, pw1b_ref[...], preferred_element_type=jnp.float32,
                  precision=_P_HI)
        + pb1_ref[...], 0.0)
    h_up = jnp.dot(t1, pw2_ref[...], preferred_element_type=jnp.float32,
                   precision=_P_HI) + pb2_ref[...]
    y = h + h_up
    mu = jnp.mean(y, axis=1, keepdims=True)
    var = jnp.mean((y - mu) ** 2, axis=1, keepdims=True)
    hn = (y - mu) / jnp.sqrt(var + 1e-5) * lng_ref[...] + lnb_ref[...]
    au_ref[...] = jnp.dot(hn, ea_ref[...], preferred_element_type=jnp.float32,
                          precision=_P_HI)
    av_ref[...] = (jnp.dot(hn, eb_ref[...], preferred_element_type=jnp.float32,
                           precision=_P_HI) + eb1_ref[...])


def _pair_body(w4_ref, w2r_ref, b2_ref, s_ref, geo_ref, o_ref):
    geo = jnp.transpose(geo_ref[0])
    dist = jnp.sqrt(geo[:, 0:1] + 1e-8)
    ru = geo[:, 1:2]
    rv = geo[:, 2:3]
    rp = jnp.concatenate([ru, rv, dist, jnp.abs(ru - rv)], axis=1)
    g = jnp.dot(rp, w4_ref[...], preferred_element_type=jnp.float32)
    z = jnp.maximum(s_ref[...] + g, 0.0)
    o_ref[...] = jnp.dot(z, w2r_ref[...],
                         preferred_element_type=jnp.float32) + b2_ref[...]


def _sds(shape):
    return jax.ShapeDtypeStruct(shape, jnp.float32)


_prologue = pl.pallas_call(
    _prologue_body,
    grid=(NPAD // BN,),
    in_specs=[
        pl.BlockSpec((BN, 3), lambda i: (i, 0)),
        pl.BlockSpec((3, DH), lambda i: (0, 0)),
        pl.BlockSpec((1, DH), lambda i: (0, 0)),
        pl.BlockSpec((DH, DH), lambda i: (0, 0)),
        pl.BlockSpec((1, DH), lambda i: (0, 0)),
        pl.BlockSpec((DH, DH), lambda i: (0, 0)),
        pl.BlockSpec((DH, DH), lambda i: (0, 0)),
        pl.BlockSpec((1, DH), lambda i: (0, 0)),
    ],
    out_specs=[
        pl.BlockSpec((BN, DH), lambda i: (i, 0)),
        pl.BlockSpec((BN, DH), lambda i: (i, 0)),
        pl.BlockSpec((BN, DH), lambda i: (i, 0)),
    ],
    out_shape=(_sds((NPAD, DH)), _sds((NPAD, DH)), _sds((NPAD, DH))),
)

_edge_mlp = pl.pallas_call(
    _edge_body,
    grid=(NBE,),
    in_specs=[
        pl.BlockSpec((1, NRBF), lambda i: (0, 0)),
        pl.BlockSpec((NRBF, DH), lambda i: (0, 0)),
        pl.BlockSpec((DH, DH), lambda i: (0, 0)),
        pl.BlockSpec((1, DH), lambda i: (0, 0)),
        pl.BlockSpec((BE, DH), lambda i: (i, 0)),
        pl.BlockSpec((1, 8, BE), lambda i: (i, 0, 0)),
    ],
    out_specs=pl.BlockSpec((BE, DH), lambda i: (i, 0)),
    out_shape=_sds((EPAD, DH)),
)

_node_update = pl.pallas_call(
    _node_body,
    grid=(NPAD // BN,),
    in_specs=[
        pl.BlockSpec((BN, DH), lambda i: (i, 0)),
        pl.BlockSpec((BN, DH), lambda i: (i, 0)),
        pl.BlockSpec((BN, DH), lambda i: (i, 0)),
        pl.BlockSpec((DH, DH), lambda i: (0, 0)),
        pl.BlockSpec((DH, DH), lambda i: (0, 0)),
        pl.BlockSpec((1, DH), lambda i: (0, 0)),
        pl.BlockSpec((DH, DH), lambda i: (0, 0)),
        pl.BlockSpec((1, DH), lambda i: (0, 0)),
        pl.BlockSpec((1, DH), lambda i: (0, 0)),
        pl.BlockSpec((1, DH), lambda i: (0, 0)),
        pl.BlockSpec((DH, DH), lambda i: (0, 0)),
        pl.BlockSpec((DH, DH), lambda i: (0, 0)),
        pl.BlockSpec((1, DH), lambda i: (0, 0)),
    ],
    out_specs=[
        pl.BlockSpec((BN, DH), lambda i: (i, 0)),
        pl.BlockSpec((BN, DH), lambda i: (i, 0)),
    ],
    out_shape=(_sds((NPAD, DH)), _sds((NPAD, DH))),
)

_pair_head = pl.pallas_call(
    _pair_body,
    grid=(NBE,),
    in_specs=[
        pl.BlockSpec((4, DH), lambda i: (0, 0)),
        pl.BlockSpec((DH, 1), lambda i: (0, 0)),
        pl.BlockSpec((1, 1), lambda i: (0, 0)),
        pl.BlockSpec((BE, DH), lambda i: (i, 0)),
        pl.BlockSpec((1, 8, BE), lambda i: (i, 0, 0)),
    ],
    out_specs=pl.BlockSpec((BE, 1), lambda i: (i, 0)),
    out_shape=_sds((EPAD, 1)),
)


def kernel(xyr01, msg_edge_index, cand_pairs_uv,
           node_in_w1, node_in_b1, node_in_w2, node_in_b2,
           phi_m_w1, phi_m_b1, phi_m_w2, phi_m_b2,
           phi_h_w1, phi_h_b1, phi_h_w2, phi_h_b2,
           ln_g, ln_b,
           eh_w1, eh_b1, eh_w2, eh_b2):
    f32 = jnp.float32
    i32 = jnp.int32
    x = xyr01.astype(f32)
    xp = jnp.zeros((NPAD, 3), f32).at[:N].set(x)
    x0 = xp[:, 0]
    x1 = xp[:, 1]
    x2 = xp[:, 2]

    src = msg_edge_index[0].astype(i32)
    dst = msg_edge_index[1].astype(i32)
    u = cand_pairs_uv[:, 0].astype(i32)
    v = cand_pairs_uv[:, 1].astype(i32)
    pad = EPAD - E
    zpad_i = jnp.zeros((pad,), i32)
    srcp = jnp.concatenate([src, zpad_i]).reshape(NW, NCH, CH)
    dstp = jnp.concatenate([dst, jnp.full((pad,), N, i32)]).reshape(NW, NCH, CH)
    up = jnp.concatenate([u, zpad_i]).reshape(NW, NCH, CH)
    vp = jnp.concatenate([v, zpad_i]).reshape(NW, NCH, CH)

    wa = phi_m_w1[0:DH]
    wb = phi_m_w1[DH:2 * DH]
    w1c = phi_m_w1[2 * DH:]
    mu_row = jnp.linspace(0.0, RMAX, NRBF, dtype=f32).reshape(1, NRBF)

    h, ts_tab, td_tab = _prologue(
        xp, node_in_w1, node_in_b1.reshape(1, DH), node_in_w2,
        node_in_b2.reshape(1, DH), wa, wb, phi_m_b1.reshape(1, DH))

    s_e, geo_e = _sc_gather2(ts_tab, td_tab, srcp, dstp, x0, x1, x2)
    geo_e = geo_e.reshape(NBE, 8, BE)

    e = _edge_mlp(mu_row, w1c, phi_m_w2, phi_m_b2.reshape(1, DH),
                  s_e, geo_e)

    z128 = jnp.zeros((NACC // 16, DH), f32)
    agg2 = _sc_scatter(e, dstp, z128)

    npad2 = ((0, 0), (0, NPAD - NACC), (0, 0))
    agg2 = jnp.pad(agg2, npad2)

    au_tab, av_tab = _node_update(
        h, agg2[0], agg2[1],
        phi_h_w1[0:DH], phi_h_w1[DH:2 * DH], phi_h_b1.reshape(1, DH),
        phi_h_w2, phi_h_b2.reshape(1, DH),
        ln_g.reshape(1, DH), ln_b.reshape(1, DH),
        eh_w1[0:DH], eh_w1[DH:2 * DH], eh_b1.reshape(1, DH))

    s_p, geo_p = _sc_gather2(au_tab, av_tab, up, vp, x0, x1, x2)
    geo_p = geo_p.reshape(NBE, 8, BE)

    out = _pair_head(eh_w1[2 * DH:], eh_w2,
                     eh_b2.reshape(1, 1), s_p, geo_p)
    return out[:P, 0]

# --- scband reference (transcript-rebuilt; emitter-appended) ---
"""Pipeline reference for scband-diffusion-graph-generator-62809601736828 (READ-ONLY COPY).

The authoritative reference and input builder live on the scoring server;
editing this copy changes nothing except your own understanding.
"""

import jax, jax.numpy as jnp
import numpy as np

N = 10000
E = 320000
P = 320000
D_H = 128
N_RBF = 16
R_MAX = float(np.sqrt(2.0))


def _mlp(x, w1, b1, w2, b2):
    return jnp.maximum(x @ w1 + b1, 0.0) @ w2 + b2


def _layernorm(x, g, b, eps=1e-5):
    mu = x.mean(-1, keepdims=True)
    var = ((x - mu) ** 2).mean(-1, keepdims=True)
    return (x - mu) / jnp.sqrt(var + eps) * g + b


def _rbf(r):
    mu = jnp.linspace(0.0, R_MAX, N_RBF)
    sigma = R_MAX / (N_RBF - 1)
    return jnp.exp(-((r[:, None] - mu[None, :]) ** 2) / (2.0 * sigma * sigma))


def setup_inputs(seed: int = 0):
    key = jax.random.key(seed)
    ks = jax.random.split(key, 16)

    def glorot(k, fi, fo):
        lim = float(np.sqrt(6.0 / (fi + fo)))
        return jax.random.uniform(k, (fi, fo), jnp.float32, -lim, lim)

    inp = {}
    inp["xyr01"] = jax.random.uniform(ks[0], (N, 3), jnp.float32)
    inp["msg_edge_index"] = jax.random.randint(ks[1], (2, E), 0, N)
    inp["cand_pairs_uv"] = jax.random.randint(ks[2], (P, 2), 0, N)
    inp["node_in_w1"] = glorot(ks[3], 3, D_H)
    inp["node_in_b1"] = jnp.zeros((D_H,), jnp.float32)
    inp["node_in_w2"] = glorot(ks[4], D_H, D_H)
    inp["node_in_b2"] = jnp.zeros((D_H,), jnp.float32)
    inp["phi_m_w1"] = glorot(ks[5], 2 * D_H + N_RBF, D_H)
    inp["phi_m_b1"] = jnp.zeros((D_H,), jnp.float32)
    inp["phi_m_w2"] = glorot(ks[6], D_H, D_H)
    inp["phi_m_b2"] = jnp.zeros((D_H,), jnp.float32)
    inp["phi_h_w1"] = glorot(ks[7], 2 * D_H, D_H)
    inp["phi_h_b1"] = jnp.zeros((D_H,), jnp.float32)
    inp["phi_h_w2"] = glorot(ks[8], D_H, D_H)
    inp["phi_h_b2"] = jnp.zeros((D_H,), jnp.float32)
    inp["ln_g"] = jnp.ones((D_H,), jnp.float32)
    inp["ln_b"] = jnp.zeros((D_H,), jnp.float32)
    inp["eh_w1"] = glorot(ks[9], 2 * D_H + 4, D_H)
    inp["eh_b1"] = jnp.zeros((D_H,), jnp.float32)
    inp["eh_w2"] = glorot(ks[10], D_H, 1)
    inp["eh_b2"] = jnp.zeros((1,), jnp.float32)
    return inp


def reference(xyr01, msg_edge_index, cand_pairs_uv,
              node_in_w1, node_in_b1, node_in_w2, node_in_b2,
              phi_m_w1, phi_m_b1, phi_m_w2, phi_m_b2,
              phi_h_w1, phi_h_b1, phi_h_w2, phi_h_b2,
              ln_g, ln_b,
              eh_w1, eh_b1, eh_w2, eh_b2):
    # EdgeGenerator.forward of DiffusionGraphGenerator (n_layers//2 = 1 MPNN layer)
    x = xyr01
    h = _mlp(x.astype(jnp.float32), node_in_w1, node_in_b1, node_in_w2, node_in_b2)
    src = msg_edge_index[0]
    dst = msg_edge_index[1]
    edge_weight = jnp.ones((E,), jnp.float32)
    # WeightedInvariantMPNNLayer
    dx = x[src, :2] - x[dst, :2]
    r = jnp.sqrt((dx ** 2).sum(-1) + 1e-8)
    rbf = _rbf(r)
    m_in = jnp.concatenate([h[src], h[dst], rbf], axis=-1)
    m = _mlp(m_in, phi_m_w1, phi_m_b1, phi_m_w2, phi_m_b2)
    m = m * edge_weight[:, None]
    agg = jax.ops.segment_sum(m, dst, num_segments=N)
    h_up = _mlp(jnp.concatenate([h, agg], axis=-1), phi_h_w1, phi_h_b1, phi_h_w2, phi_h_b2)
    h = _layernorm(h + h_up, ln_g, ln_b)
    # edge head over candidate pairs
    u = cand_pairs_uv[:, 0]
    v = cand_pairs_uv[:, 1]
    dxy = x[u, :2] - x[v, :2]
    dist = jnp.sqrt((dxy ** 2).sum(-1, keepdims=True) + 1e-8)
    r_pair = jnp.concatenate([x[u, 2:3], x[v, 2:3], dist, jnp.abs(x[u, 2:3] - x[v, 2:3])], axis=-1)
    logits = _mlp(jnp.concatenate([h[u], h[v], r_pair], axis=-1), eh_w1, eh_b1, eh_w2, eh_b2)[:, 0]
    return logits

if __name__ == "__main__":
    import jax
    _d = setup_inputs()
    print(jax.jit(kernel)(*tuple(_d.values())))

</pallas_src>

<mosaic_0001>
#map = affine_map<(d0, d1) -> (0, 0)>
#map1 = affine_map<(d0, d1) -> (0, 0, 0)>
module attributes {stable_mosaic.version = 14 : i64} {
  func.func @sc_scatter(%arg0: i32, %arg1: i32, %arg2: memref<327680x128xf32, #tpu.memory_space<hbm>>, %arg3: memref<32x80x128xi32, #tpu.memory_space<hbm>>, %arg4: memref<632x128xf32, #tpu.memory_space<hbm>>, %arg5: memref<2x10112x128xf32, #tpu.memory_space<hbm>>, %arg6: memref<80x128xi32, #tpu.memory_space<vmem>>, %arg7: memref<128x128xf32, #tpu.memory_space<vmem>>, %arg8: memref<128x128xf32, #tpu.memory_space<vmem>>, %arg9: memref<10112x128xf32, #tpu.memory_space<vmem_shared>>, %arg10: memref<!tpu.dma_semaphore, #tpu.memory_space<semaphore_mem>>, %arg11: memref<!tpu.dma_semaphore, #tpu.memory_space<semaphore_mem>>) attributes {dimension_semantics = [#tpu.dimension_semantics<core_parallel>, #tpu.dimension_semantics<subcore_parallel>], iteration_bounds = array<i64: 2, 16>, scalar_prefetch = 0 : i64, scratch_operands = 6 : i64, tpu.core_type = #tpu.core_type<sc_vector_subcore>, window_params = [{transform_indices = #map}, {transform_indices = #map1}, {transform_indices = #map}, {transform_indices = #map1}]} {
    %mul3A = arith.constant 2 : i32
    %mul3A_0 = arith.muli %arg1, %mul3A : i32
    %add3A = arith.addi %mul3A_0, %arg0 : i32
    "tpu.region"() ({
      %run_scoped3A = tpu.sem_alloc : memref<!tpu.dma_semaphore, #tpu.memory_space<semaphore_mem>>
      %dma_start3A_19 = arith.constant 0 : i32
      %dma_start3A_20 = arith.constant 0 : i32
      %dma_start3A_21 = tpu.memref_slice %arg3[%add3A, %dma_start3A_19, %dma_start3A_20] : memref<32x80x128xi32, #tpu.memory_space<hbm>> -> memref<1x80x128xi32, #tpu.memory_space<hbm>>
      %dma_start3A_22 = tpu.memref_squeeze %dma_start3A_21 : memref<1x80x128xi32, #tpu.memory_space<hbm>> -> memref<80x128xi32, #tpu.memory_space<hbm>>
      %dma_start3A_23 = arith.constant 0 : i32
      %dma_start3A_24 = arith.constant 0 : i32
      %dma_start3A_25 = tpu.memref_slice %arg3[%add3A, %dma_start3A_23, %dma_start3A_24] : memref<32x80x128xi32, #tpu.memory_space<hbm>> -> memref<1x80x128xi32, #tpu.memory_space<hbm>>
      %dma_start3A_26 = tpu.memref_squeeze %dma_start3A_25 : memref<1x80x128xi32, #tpu.memory_space<hbm>> -> memref<80x128xi32, #tpu.memory_space<hbm>>
      tpu.enqueue_dma source(%dma_start3A_26 : memref<80x128xi32, #tpu.memory_space<hbm>>) target(%arg6 : memref<80x128xi32, #tpu.memory_space<vmem>>) target_semaphore(%run_scoped3A : memref<!tpu.dma_semaphore, #tpu.memory_space<semaphore_mem>>)
      %dma_wait3A = arith.constant 0 : i32
      %dma_wait3A_27 = arith.constant 0 : i32
      %dma_wait3A_28 = tpu.memref_slice %arg3[%add3A, %dma_wait3A, %dma_wait3A_27] : memref<32x80x128xi32, #tpu.memory_space<hbm>> -> memref<1x80x128xi32, #tpu.memory_space<hbm>>
      %dma_wait3A_29 = tpu.memref_squeeze %dma_wait3A_28 : memref<1x80x128xi32, #tpu.memory_space<hbm>> -> memref<80x128xi32, #tpu.memory_space<hbm>>
      %dma_wait3A_30 = arith.constant 0 : i32
      %dma_wait3A_31 = arith.constant 0 : i32
      %dma_wait3A_32 = tpu.memref_slice %arg3[%add3A, %dma_wait3A_30, %dma_wait3A_31] : memref<32x80x128xi32, #tpu.memory_space<hbm>> -> memref<1x80x128xi32, #tpu.memory_space<hbm>>
      %dma_wait3A_33 = tpu.memref_squeeze %dma_wait3A_32 : memref<1x80x128xi32, #tpu.memory_space<hbm>> -> memref<80x128xi32, #tpu.memory_space<hbm>>
      tpu.wait_dma2 semaphore(%run_scoped3A : memref<!tpu.dma_semaphore, #tpu.memory_space<semaphore_mem>>) src(%dma_wait3A_33 : memref<80x128xi32, #tpu.memory_space<hbm>>) dst(%arg6 : memref<80x128xi32, #tpu.memory_space<vmem>>)
      tpu.yield
    }) : () -> ()
    %mul3A_1 = arith.constant 632 : i32
    %mul3A_2 = arith.muli %arg1, %mul3A_1 : i32
    "tpu.region"() ({
      %run_scoped3A = tpu.sem_alloc : memref<!tpu.dma_semaphore, #tpu.memory_space<semaphore_mem>>
      %dma_start3A_19 = arith.constant 0 : i32
      %dma_start3A_20 = tpu.memref_slice %arg9[%mul3A_2, %dma_start3A_19] : memref<10112x128xf32, #tpu.memory_space<vmem_shared>> -> memref<632x128xf32, #tpu.memory_space<vmem_shared>>
      tpu.enqueue_dma source(%arg4 : memref<632x128xf32, #tpu.memory_space<hbm>>) target(%dma_start3A_20 : memref<632x128xf32, #tpu.memory_space<vmem_shared>>) target_semaphore(%run_scoped3A : memref<!tpu.dma_semaphore, #tpu.memory_space<semaphore_mem>>)
      %dma_wait3A = arith.constant 0 : i32
      %dma_wait3A_21 = tpu.memref_slice %arg9[%mul3A_2, %dma_wait3A] : memref<10112x128xf32, #tpu.memory_space<vmem_shared>> -> memref<632x128xf32, #tpu.memory_space<vmem_shared>>
      tpu.wait_dma2 semaphore(%run_scoped3A : memref<!tpu.dma_semaphore, #tpu.memory_space<semaphore_mem>>) src(%arg4 : memref<632x128xf32, #tpu.memory_space<hbm>>) dst(%dma_wait3A_21 : memref<632x128xf32, #tpu.memory_space<vmem_shared>>)
      tpu.yield
    }) : () -> ()
    %barrier3A = arith.constant 0 : index
    tpu.barrier barrier_id(%barrier3A)
    %mul3A_3 = arith.constant 10240 : i32
    %mul3A_4 = arith.muli %add3A, %mul3A_3 : i32
    %add3A_5 = arith.constant 0 : i32
    %add3A_6 = arith.addi %mul3A_4, %add3A_5 : i32
    %dma_start3A = arith.constant 0 : i32
    %dma_start3A_7 = tpu.memref_slice %arg2[%add3A_6, %dma_start3A] : memref<327680x128xf32, #tpu.memory_space<hbm>> -> memref<128x128xf32, #tpu.memory_space<hbm>>
    %dma_start3A_8 = arith.constant 0 : i32
    %dma_start3A_9 = tpu.memref_slice %arg2[%add3A_6, %dma_start3A_8] : memref<327680x128xf32, #tpu.memory_space<hbm>> -> memref<128x128xf32, #tpu.memory_space<hbm>>
    tpu.enqueue_dma source(%dma_start3A_9 : memref<128x128xf32, #tpu.memory_space<hbm>>) target(%arg7 : memref<128x128xf32, #tpu.memory_space<vmem>>) target_semaphore(%arg10 : memref<!tpu.dma_semaphore, #tpu.memory_space<semaphore_mem>>)
    %scan3A = arith.constant 0 : i32
    %scan3A_10 = arith.constant 40 : i32
    %scan3A_11 = arith.addi %scan3A, %scan3A_10 : i32
    %scan3A_12 = arith.constant 1 : i32
    scf.for %scan3A_19 = %scan3A to %scan3A_11 step %scan3A_12  : i32 {
      %mul3A_20 = arith.constant 2 : i32
      %mul3A_21 = arith.muli %scan3A_19, %mul3A_20 : i32
      %add3A_22 = arith.constant 0 : i32
      %add3A_23 = arith.addi %add3A_22, %mul3A_21 : i32
      %add3A_24 = arith.constant 1 : i32
      %add3A_25 = arith.addi %add3A_23, %add3A_24 : i32
      %mul3A_26 = arith.constant 128 : i32
      %mul3A_27 = arith.muli %add3A_25, %mul3A_26 : i32
      %add3A_28 = arith.addi %mul3A_4, %mul3A_27 : i32
      %dma_start3A_29 = arith.constant 0 : i32
      %dma_start3A_30 = tpu.memref_slice %arg2[%add3A_28, %dma_start3A_29] : memref<327680x128xf32, #tpu.memory_space<hbm>> -> memref<128x128xf32, #tpu.memory_space<hbm>>
      %dma_start3A_31 = arith.constant 0 : i32
      %dma_start3A_32 = tpu.memref_slice %arg2[%add3A_28, %dma_start3A_31] : memref<327680x128xf32, #tpu.memory_space<hbm>> -> memref<128x128xf32, #tpu.memory_space<hbm>>
      tpu.enqueue_dma source(%dma_start3A_32 : memref<128x128xf32, #tpu.memory_space<hbm>>) target(%arg8 : memref<128x128xf32, #tpu.memory_space<vmem>>) target_semaphore(%arg11 : memref<!tpu.dma_semaphore, #tpu.memory_space<semaphore_mem>>)
      %mul3A_33 = arith.constant 128 : i32
      %mul3A_34 = arith.muli %add3A_23, %mul3A_33 : i32
      %add3A_35 = arith.addi %mul3A_4, %mul3A_34 : i32
      %dma_wait3A = arith.constant 0 : i32
      %dma_wait3A_36 = tpu.memref_slice %arg2[%add3A_35, %dma_wait3A] : memref<327680x128xf32, #tpu.memory_space<hbm>> -> memref<128x128xf32, #tpu.memory_space<hbm>>
      %dma_wait3A_37 = arith.constant 0 : i32
      %dma_wait3A_38 = tpu.memref_slice %arg2[%add3A_35, %dma_wait3A_37] : memref<327680x128xf32, #tpu.memory_space<hbm>> -> memref<128x128xf32, #tpu.memory_space<hbm>>
      tpu.wait_dma2 semaphore(%arg10 : memref<!tpu.dma_semaphore, #tpu.memory_space<semaphore_mem>>) src(%dma_wait3A_38 : memref<128x128xf32, #tpu.memory_space<hbm>>) dst(%arg7 : memref<128x128xf32, #tpu.memory_space<vmem>>)
      "tpu.region"() ({
        %run_scoped3A = tpu.sem_alloc : memref<!tpu.dma_semaphore, #tpu.memory_space<semaphore_mem>>
        %dma_start3A_52 = arith.constant 0 : i32
        %dma_start3A_53 = tpu.memref_slice %arg6[%add3A_23, %dma_start3A_52] : memref<80x128xi32, #tpu.memory_space<vmem>> -> memref<1x128xi32, #tpu.memory_space<vmem>>
        %dma_start3A_54 = tpu.memref_squeeze %dma_start3A_53 : memref<1x128xi32, #tpu.memory_space<vmem>> -> memref<128xi32, #tpu.memory_space<vmem>>
        %dma_start3A_55 = arith.constant 0 : i32
        %dma_start3A_56 = arith.constant 0 : i32
        %dma_start3A_57 = tpu.memref_slice %arg9[%dma_start3A_55, %dma_start3A_56] : memref<10112x128xf32, #tpu.memory_space<vmem_shared>> -> memref<10112x128xf32, #tpu.memory_space<vmem_shared>>
        tpu.enqueue_indirect_dma source(%arg7 : memref<128x128xf32, #tpu.memory_space<vmem>>) target(%dma_start3A_57 : memref<10112x128xf32, #tpu.memory_space<vmem_shared>>) offsets(%dma_start3A_54 : memref<128xi32, #tpu.memory_space<vmem>>) semaphore(%run_scoped3A : memref<!tpu.dma_semaphore, #tpu.memory_space<semaphore_mem>>) {add = true}
        %dma_wait3A_58 = arith.constant 0 : i32
        %dma_wait3A_59 = tpu.memref_slice %arg6[%add3A_23, %dma_wait3A_58] : memref<80x128xi32, #tpu.memory_space<vmem>> -> memref<1x128xi32, #tpu.memory_space<vmem>>
        %dma_wait3A_60 = tpu.memref_squeeze %dma_wait3A_59 : memref<1x128xi32, #tpu.memory_space<vmem>> -> memref<128xi32, #tpu.memory_space<vmem>>
        %dma_wait3A_61 = arith.constant 0 : i32
        %dma_wait3A_62 = arith.constant 0 : i32
        %dma_wait3A_63 = tpu.memref_slice %arg9[%dma_wait3A_61, %dma_wait3A_62] : memref<10112x128xf32, #tpu.memory_space<vmem_shared>> -> memref<10112x128xf32, #tpu.memory_space<vmem_shared>>
        tpu.wait_indirect_dma semaphore(%run_scoped3A : memref<!tpu.dma_semaphore, #tpu.memory_space<semaphore_mem>>) src(%arg7 : memref<128x128xf32, #tpu.memory_space<vmem>>) dst(%dma_wait3A_63 : memref<10112x128xf32, #tpu.memory_space<vmem_shared>>)
        tpu.yield
      }) : () -> ()
      %add3A_39 = arith.constant 2 : i32
      %add3A_40 = arith.addi %add3A_23, %add3A_39 : i32
      %lt3A = arith.constant 80 : i32
      %lt3A_41 = arith.cmpi slt, %add3A_40, %lt3A : i32
      %convert_element_type3A = arith.extui %lt3A_41 : i1 to i32
      %cond3A = arith.constant 0 : i32
      %cond3A_42 = arith.cmpi ne, %convert_element_type3A, %cond3A : i32
      scf.if %cond3A_42 {
        %add3A_52 = arith.constant 2 : i32
        %add3A_53 = arith.addi %add3A_23, %add3A_52 : i32
        %mul3A_54 = arith.constant 128 : i32
        %mul3A_55 = arith.muli %add3A_53, %mul3A_54 : i32
        %add3A_56 = arith.addi %mul3A_4, %mul3A_55 : i32
        %dma_start3A_57 = arith.constant 0 : i32
        %dma_start3A_58 = tpu.memref_slice %arg2[%add3A_56, %dma_start3A_57] : memref<327680x128xf32, #tpu.memory_space<hbm>> -> memref<128x128xf32, #tpu.memory_space<hbm>>
        %dma_start3A_59 = arith.constant 0 : i32
        %dma_start3A_60 = tpu.memref_slice %arg2[%add3A_56, %dma_start3A_59] : memref<327680x128xf32, #tpu.memory_space<hbm>> -> memref<128x128xf32, #tpu.memory_space<hbm>>
        tpu.enqueue_dma source(%dma_start3A_60 : memref<128x128xf32, #tpu.memory_space<hbm>>) target(%arg7 : memref<128x128xf32, #tpu.memory_space<vmem>>) target_semaphore(%arg10 : memref<!tpu.dma_semaphore, #tpu.memory_space<semaphore_mem>>)
      } else {
      }
      %add3A_43 = arith.constant 1 : i32
      %add3A_44 = arith.addi %add3A_23, %add3A_43 : i32
      %mul3A_45 = arith.constant 128 : i32
      %mul3A_46 = arith.muli %add3A_44, %mul3A_45 : i32
      %add3A_47 = arith.addi %mul3A_4, %mul3A_46 : i32
      %dma_wait3A_48 = arith.constant 0 : i32
      %dma_wait3A_49 = tpu.memref_slice %arg2[%add3A_47, %dma_wait3A_48] : memref<327680x128xf32, #tpu.memory_space<hbm>> -> memref<128x128xf32, #tpu.memory_space<hbm>>
      %dma_wait3A_50 = arith.constant 0 : i32
      %dma_wait3A_51 = tpu.memref_slice %arg2[%add3A_47, %dma_wait3A_50] : memref<327680x128xf32, #tpu.memory_space<hbm>> -> memref<128x128xf32, #tpu.memory_space<hbm>>
      tpu.wait_dma2 semaphore(%arg11 : memref<!tpu.dma_semaphore, #tpu.memory_space<semaphore_mem>>) src(%dma_wait3A_51 : memref<128x128xf32, #tpu.memory_space<hbm>>) dst(%arg8 : memref<128x128xf32, #tpu.memory_space<vmem>>)
      "tpu.region"() ({
        %run_scoped3A = tpu.sem_alloc : memref<!tpu.dma_semaphore, #tpu.memory_space<semaphore_mem>>
        %dma_start3A_52 = arith.constant 0 : i32
        %dma_start3A_53 = tpu.memref_slice %arg6[%add3A_44, %dma_start3A_52] : memref<80x128xi32, #tpu.memory_space<vmem>> -> memref<1x128xi32, #tpu.memory_space<vmem>>
        %dma_start3A_54 = tpu.memref_squeeze %dma_start3A_53 : memref<1x128xi32, #tpu.memory_space<vmem>> -> memref<128xi32, #tpu.memory_space<vmem>>
        %dma_start3A_55 = arith.constant 0 : i32
        %dma_start3A_56 = arith.constant 0 : i32
        %dma_start3A_57 = tpu.memref_slice %arg9[%dma_start3A_55, %dma_start3A_56] : memref<10112x128xf32, #tpu.memory_space<vmem_shared>> -> memref<10112x128xf32, #tpu.memory_space<vmem_shared>>
        tpu.enqueue_indirect_dma source(%arg8 : memref<128x128xf32, #tpu.memory_space<vmem>>) target(%dma_start3A_57 : memref<10112x128xf32, #tpu.memory_space<vmem_shared>>) offsets(%dma_start3A_54 : memref<128xi32, #tpu.memory_space<vmem>>) semaphore(%run_scoped3A : memref<!tpu.dma_semaphore, #tpu.memory_space<semaphore_mem>>) {add = true}
        %dma_wait3A_58 = arith.constant 0 : i32
        %dma_wait3A_59 = tpu.memref_slice %arg6[%add3A_44, %dma_wait3A_58] : memref<80x128xi32, #tpu.memory_space<vmem>> -> memref<1x128xi32, #tpu.memory_space<vmem>>
        %dma_wait3A_60 = tpu.memref_squeeze %dma_wait3A_59 : memref<1x128xi32, #tpu.memory_space<vmem>> -> memref<128xi32, #tpu.memory_space<vmem>>
        %dma_wait3A_61 = arith.constant 0 : i32
        %dma_wait3A_62 = arith.constant 0 : i32
        %dma_wait3A_63 = tpu.memref_slice %arg9[%dma_wait3A_61, %dma_wait3A_62] : memref<10112x128xf32, #tpu.memory_space<vmem_shared>> -> memref<10112x128xf32, #tpu.memory_space<vmem_shared>>
        tpu.wait_indirect_dma semaphore(%run_scoped3A : memref<!tpu.dma_semaphore, #tpu.memory_space<semaphore_mem>>) src(%arg8 : memref<128x128xf32, #tpu.memory_space<vmem>>) dst(%dma_wait3A_63 : memref<10112x128xf32, #tpu.memory_space<vmem_shared>>)
        tpu.yield
      }) : () -> ()
    }
    %scan3A_13 = arith.constant 40 : i32
    %barrier3A_14 = arith.constant 0 : index
    tpu.barrier barrier_id(%barrier3A_14)
    %mul3A_15 = arith.constant 632 : i32
    %mul3A_16 = arith.muli %arg1, %mul3A_15 : i32
    %mul3A_17 = arith.constant 632 : i32
    %mul3A_18 = arith.muli %arg1, %mul3A_17 : i32
    "tpu.region"() ({
      %run_scoped3A = tpu.sem_alloc : memref<!tpu.dma_semaphore, #tpu.memory_space<semaphore_mem>>
      %dma_start3A_19 = arith.constant 0 : i32
      %dma_start3A_20 = tpu.memref_slice %arg5[%arg0, %mul3A_18, %dma_start3A_19] : memref<2x10112x128xf32, #tpu.memory_space<hbm>> -> memref<1x632x128xf32, #tpu.memory_space<hbm>>
      %dma_start3A_21 = tpu.memref_squeeze %dma_start3A_20 : memref<1x632x128xf32, #tpu.memory_space<hbm>> -> memref<632x128xf32, #tpu.memory_space<hbm>>
      %dma_start3A_22 = arith.constant 0 : i32
      %dma_start3A_23 = tpu.memref_slice %arg9[%mul3A_16, %dma_start3A_22] : memref<10112x128xf32, #tpu.memory_space<vmem_shared>> -> memref<632x128xf32, #tpu.memory_space<vmem_shared>>
      tpu.enqueue_dma source(%dma_start3A_23 : memref<632x128xf32, #tpu.memory_space<vmem_shared>>) target(%dma_start3A_21 : memref<632x128xf32, #tpu.memory_space<hbm>>) target_semaphore(%run_scoped3A : memref<!tpu.dma_semaphore, #tpu.memory_space<semaphore_mem>>)
      %dma_wait3A = arith.constant 0 : i32
      %dma_wait3A_24 = tpu.memref_slice %arg5[%arg0, %mul3A_18, %dma_wait3A] : memref<2x10112x128xf32, #tpu.memory_space<hbm>> -> memref<1x632x128xf32, #tpu.memory_space<hbm>>
      %dma_wait3A_25 = tpu.memref_squeeze %dma_wait3A_24 : memref<1x632x128xf32, #tpu.memory_space<hbm>> -> memref<632x128xf32, #tpu.memory_space<hbm>>
      %dma_wait3A_26 = arith.constant 0 : i32
      %dma_wait3A_27 = tpu.memref_slice %arg9[%mul3A_16, %dma_wait3A_26] : memref<10112x128xf32, #tpu.memory_space<vmem_shared>> -> memref<632x128xf32, #tpu.memory_space<vmem_shared>>
      tpu.wait_dma2 semaphore(%run_scoped3A : memref<!tpu.dma_semaphore, #tpu.memory_space<semaphore_mem>>) src(%dma_wait3A_27 : memref<632x128xf32, #tpu.memory_space<vmem_shared>>) dst(%dma_wait3A_25 : memref<632x128xf32, #tpu.memory_space<hbm>>)
      tpu.yield
    }) : () -> ()
    return
  }
}

#map = affine_map<(d0, d1) -> (0, 0)>
#map1 = affine_map<(d0, d1) -> (0, 0, 0)>
#map2 = affine_map<(d0, d1) -> (0)>
module attributes {stable_mosaic.version = 14 : i64} {
  func.func @sc_gather2(%arg0: i32, %arg1: i32, %arg2: memref<10240x128xf32, #tpu.memory_space<hbm>>, %arg3: memref<10240x128xf32, #tpu.memory_space<hbm>>, %arg4: memref<32x80x128xi32, #tpu.memory_space<hbm>>, %arg5: memref<32x80x128xi32, #tpu.memory_space<hbm>>, %arg6: memref<10240xf32, #tpu.memory_space<hbm>>, %arg7: memref<10240xf32, #tpu.memory_space<hbm>>, %arg8: memref<10240xf32, #tpu.memory_space<hbm>>, %arg9: memref<327680x128xf32, #tpu.memory_space<hbm>>, %arg10: memref<2621440xf32, #tpu.memory_space<hbm>>, %arg11: memref<80x128xi32, #tpu.memory_space<vmem>>, %arg12: memref<80x128xi32, #tpu.memory_space<vmem>>, %arg13: memref<128x128xf32, #tpu.memory_space<vmem>>, %arg14: memref<128x128xf32, #tpu.memory_space<vmem>>, %arg15: memref<128x128xf32, #tpu.memory_space<vmem>>, %arg16: memref<128x128xf32, #tpu.memory_space<vmem>>, %arg17: memref<10240xf32, #tpu.memory_space<vmem>>, %arg18: memref<10240xf32, #tpu.memory_space<vmem>>, %arg19: memref<10240xf32, #tpu.memory_space<vmem>>, %arg20: memref<128xf32, #tpu.memory_space<vmem>>, %arg21: memref<128xf32, #tpu.memory_space<vmem>>, %arg22: memref<128xf32, #tpu.memory_space<vmem>>, %arg23: memref<64xi32, #tpu.memory_space<vmem>>, %arg24: memref<1024x128xf32, #tpu.memory_space<vmem_shared>>, %arg25: memref<!tpu.dma_semaphore, #tpu.memory_space<semaphore_mem>>, %arg26: memref<!tpu.dma_semaphore, #tpu.memory_space<semaphore_mem>>, %arg27: memref<!tpu.dma_semaphore, #tpu.memory_space<semaphore_mem>>, %arg28: memref<!tpu.dma_semaphore, #tpu.memory_space<semaphore_mem>>) attributes {dimension_semantics = [#tpu.dimension_semantics<core_parallel>, #tpu.dimension_semantics<subcore_parallel>], iteration_bounds = array<i64: 2, 16>, scalar_prefetch = 0 : i64, scratch_operands = 18 : i64, tpu.core_type = #tpu.core_type<sc_vector_subcore>, window_params = [{transform_indices = #map}, {transform_indices = #map}, {transform_indices = #map1}, {transform_indices = #map1}, {transform_indices = #map2}, {transform_indices = #map2}, {transform_indices = #map2}, {transform_indices = #map}, {transform_indices = #map2}]} {
    %mul3A = arith.constant 2 : i32
    %mul3A_0 = arith.muli %arg1, %mul3A : i32
    %add3A = arith.addi %mul3A_0, %arg0 : i32
    "tpu.region"() ({
      %run_scoped3A = tpu.sem_alloc : memref<!tpu.dma_semaphore, #tpu.memory_space<semaphore_mem>>
      %dma_start3A_25 = arith.constant 0 : i32
      %dma_start3A_26 = arith.constant 0 : i32
      %dma_start3A_27 = tpu.memref_slice %arg4[%add3A, %dma_start3A_25, %dma_start3A_26] : memref<32x80x128xi32, #tpu.memory_space<hbm>> -> memref<1x80x128xi32, #tpu.memory_space<hbm>>
      %dma_start3A_28 = tpu.memref_squeeze %dma_start3A_27 : memref<1x80x128xi32, #tpu.memory_space<hbm>> -> memref<80x128xi32, #tpu.memory_space<hbm>>
      %dma_start3A_29 = arith.constant 0 : i32
      %dma_start3A_30 = arith.constant 0 : i32
      %dma_start3A_31 = tpu.memref_slice %arg4[%add3A, %dma_start3A_29, %dma_start3A_30] : memref<32x80x128xi32, #tpu.memory_space<hbm>> -> memref<1x80x128xi32, #tpu.memory_space<hbm>>
      %dma_start3A_32 = tpu.memref_squeeze %dma_start3A_31 : memref<1x80x128xi32, #tpu.memory_space<hbm>> -> memref<80x128xi32, #tpu.memory_space<hbm>>
      tpu.enqueue_dma source(%dma_start3A_32 : memref<80x128xi32, #tpu.memory_space<hbm>>) target(%arg11 : memref<80x128xi32, #tpu.memory_space<vmem>>) target_semaphore(%run_scoped3A : memref<!tpu.dma_semaphore, #tpu.memory_space<semaphore_mem>>)
      %dma_wait3A = arith.constant 0 : i32
      %dma_wait3A_33 = arith.constant 0 : i32
      %dma_wait3A_34 = tpu.memref_slice %arg4[%add3A, %dma_wait3A, %dma_wait3A_33] : memref<32x80x128xi32, #tpu.memory_space<hbm>> -> memref<1x80x128xi32, #tpu.memory_space<hbm>>
      %dma_wait3A_35 = tpu.memref_squeeze %dma_wait3A_34 : memref<1x80x128xi32, #tpu.memory_space<hbm>> -> memref<80x128xi32, #tpu.memory_space<hbm>>
      %dma_wait3A_36 = arith.constant 0 : i32
      %dma_wait3A_37 = arith.constant 0 : i32
      %dma_wait3A_38 = tpu.memref_slice %arg4[%add3A, %dma_wait3A_36, %dma_wait3A_37] : memref<32x80x128xi32, #tpu.memory_space<hbm>> -> memref<1x80x128xi32, #tpu.memory_space<hbm>>
      %dma_wait3A_39 = tpu.memref_squeeze %dma_wait3A_38 : memref<1x80x128xi32, #tpu.memory_space<hbm>> -> memref<80x128xi32, #tpu.memory_space<hbm>>
      tpu.wait_dma2 semaphore(%run_scoped3A : memref<!tpu.dma_semaphore, #tpu.memory_space<semaphore_mem>>) src(%dma_wait3A_39 : memref<80x128xi32, #tpu.memory_space<hbm>>) dst(%arg11 : memref<80x128xi32, #tpu.memory_space<vmem>>)
      tpu.yield
    }) : () -> ()
    "tpu.region"() ({
      %run_scoped3A = tpu.sem_alloc : memref<!tpu.dma_semaphore, #tpu.memory_space<semaphore_mem>>
      %dma_start3A_25 = arith.constant 0 : i32
      %dma_start3A_26 = arith.constant 0 : i32
      %dma_start3A_27 = tpu.memref_slice %arg5[%add3A, %dma_start3A_25, %dma_start3A_26] : memref<32x80x128xi32, #tpu.memory_space<hbm>> -> memref<1x80x128xi32, #tpu.memory_space<hbm>>
      %dma_start3A_28 = tpu.memref_squeeze %dma_start3A_27 : memref<1x80x128xi32, #tpu.memory_space<hbm>> -> memref<80x128xi32, #tpu.memory_space<hbm>>
      %dma_start3A_29 = arith.constant 0 : i32
      %dma_start3A_30 = arith.constant 0 : i32
      %dma_start3A_31 = tpu.memref_slice %arg5[%add3A, %dma_start3A_29, %dma_start3A_30] : memref<32x80x128xi32, #tpu.memory_space<hbm>> -> memref<1x80x128xi32, #tpu.memory_space<hbm>>
      %dma_start3A_32 = tpu.memref_squeeze %dma_start3A_31 : memref<1x80x128xi32, #tpu.memory_space<hbm>> -> memref<80x128xi32, #tpu.memory_space<hbm>>
      tpu.enqueue_dma source(%dma_start3A_32 : memref<80x128xi32, #tpu.memory_space<hbm>>) target(%arg12 : memref<80x128xi32, #tpu.memory_space<vmem>>) target_semaphore(%run_scoped3A : memref<!tpu.dma_semaphore, #tpu.memory_space<semaphore_mem>>)
      %dma_wait3A = arith.constant 0 : i32
      %dma_wait3A_33 = arith.constant 0 : i32
      %dma_wait3A_34 = tpu.memref_slice %arg5[%add3A, %dma_wait3A, %dma_wait3A_33] : memref<32x80x128xi32, #tpu.memory_space<hbm>> -> memref<1x80x128xi32, #tpu.memory_space<hbm>>
      %dma_wait3A_35 = tpu.memref_squeeze %dma_wait3A_34 : memref<1x80x128xi32, #tpu.memory_space<hbm>> -> memref<80x128xi32, #tpu.memory_space<hbm>>
      %dma_wait3A_36 = arith.constant 0 : i32
      %dma_wait3A_37 = arith.constant 0 : i32
      %dma_wait3A_38 = tpu.memref_slice %arg5[%add3A, %dma_wait3A_36, %dma_wait3A_37] : memref<32x80x128xi32, #tpu.memory_space<hbm>> -> memref<1x80x128xi32, #tpu.memory_space<hbm>>
      %dma_wait3A_39 = tpu.memref_squeeze %dma_wait3A_38 : memref<1x80x128xi32, #tpu.memory_space<hbm>> -> memref<80x128xi32, #tpu.memory_space<hbm>>
      tpu.wait_dma2 semaphore(%run_scoped3A : memref<!tpu.dma_semaphore, #tpu.memory_space<semaphore_mem>>) src(%dma_wait3A_39 : memref<80x128xi32, #tpu.memory_space<hbm>>) dst(%arg12 : memref<80x128xi32, #tpu.memory_space<vmem>>)
      tpu.yield
    }) : () -> ()
    "tpu.region"() ({
      %run_scoped3A = tpu.sem_alloc : memref<!tpu.dma_semaphore, #tpu.memory_space<semaphore_mem>>
      tpu.enqueue_dma source(%arg6 : memref<10240xf32, #tpu.memory_space<hbm>>) target(%arg17 : memref<10240xf32, #tpu.memory_space<vmem>>) target_semaphore(%run_scoped3A : memref<!tpu.dma_semaphore, #tpu.memory_space<semaphore_mem>>)
      tpu.wait_dma2 semaphore(%run_scoped3A : memref<!tpu.dma_semaphore, #tpu.memory_space<semaphore_mem>>) src(%arg6 : memref<10240xf32, #tpu.memory_space<hbm>>) dst(%arg17 : memref<10240xf32, #tpu.memory_space<vmem>>)
      tpu.yield
    }) : () -> ()
    "tpu.region"() ({
      %run_scoped3A = tpu.sem_alloc : memref<!tpu.dma_semaphore, #tpu.memory_space<semaphore_mem>>
      tpu.enqueue_dma source(%arg7 : memref<10240xf32, #tpu.memory_space<hbm>>) target(%arg18 : memref<10240xf32, #tpu.memory_space<vmem>>) target_semaphore(%run_scoped3A : memref<!tpu.dma_semaphore, #tpu.memory_space<semaphore_mem>>)
      tpu.wait_dma2 semaphore(%run_scoped3A : memref<!tpu.dma_semaphore, #tpu.memory_space<semaphore_mem>>) src(%arg7 : memref<10240xf32, #tpu.memory_space<hbm>>) dst(%arg18 : memref<10240xf32, #tpu.memory_space<vmem>>)
      tpu.yield
    }) : () -> ()
    "tpu.region"() ({
      %run_scoped3A = tpu.sem_alloc : memref<!tpu.dma_semaphore, #tpu.memory_space<semaphore_mem>>
      tpu.enqueue_dma source(%arg8 : memref<10240xf32, #tpu.memory_space<hbm>>) target(%arg19 : memref<10240xf32, #tpu.memory_space<vmem>>) target_semaphore(%run_scoped3A : memref<!tpu.dma_semaphore, #tpu.memory_space<semaphore_mem>>)
      tpu.wait_dma2 semaphore(%run_scoped3A : memref<!tpu.dma_semaphore, #tpu.memory_space<semaphore_mem>>) src(%arg8 : memref<10240xf32, #tpu.memory_space<hbm>>) dst(%arg19 : memref<10240xf32, #tpu.memory_space<vmem>>)
      tpu.yield
    }) : () -> ()
    %scan3A = arith.constant 0 : i32
    %scan3A_1 = arith.constant 4 : i32
    %scan3A_2 = arith.addi %scan3A, %scan3A_1 : i32
    %scan3A_3 = arith.constant 1 : i32
    scf.for %scan3A_25 = %scan3A to %scan3A_2 step %scan3A_3  : i32 {
      %mul3A_26 = arith.constant 1 : i32
      %mul3A_27 = arith.muli %scan3A_25, %mul3A_26 : i32
      %add3A_28 = arith.constant 0 : i32
      %add3A_29 = arith.addi %add3A_28, %mul3A_27 : i32
      %iota3A = tpu.iota {dimensions = array<i32: 0>} : vector<16xi32>
      %mul3A_30 = arith.constant 16 : i32
      %mul3A_31 = arith.muli %add3A_29, %mul3A_30 : i32
      %add3A_32 = vector.broadcast %mul3A_31 : i32 to vector<16xi32>
      %add3A_33 = arith.addi %iota3A, %add3A_32 : vector<16xi32>
      %mul3A_34 = arith.constant 64 : i32
      %mul3A_35 = arith.muli %arg1, %mul3A_34 : i32
      %add3A_36 = vector.broadcast %mul3A_35 : i32 to vector<16xi32>
      %add3A_37 = arith.addi %add3A_33, %add3A_36 : vector<16xi32>
      %mul3A_38 = arith.constant 16 : i32
      %mul3A_39 = arith.muli %add3A_29, %mul3A_38 : i32
      %swap3A = arith.index_cast %mul3A_39 : i32 to index
      %swap3A_40 = tpu.vector_load %arg23[%swap3A] {strides = array<i32>} : memref<64xi32, #tpu.memory_space<vmem>>, vector<16xi32>,
      tpu.vector_store %arg23[%swap3A], %add3A_37 {strides = array<i32>} : memref<64xi32, #tpu.memory_space<vmem>>, vector<16xi32>,
    }
    %scan3A_4 = arith.constant 4 : i32
    %mul3A_5 = arith.constant 10240 : i32
    %mul3A_6 = arith.muli %add3A, %mul3A_5 : i32
    %dma_start3A = arith.constant 0 : i32
    %dma_start3A_7 = arith.constant 0 : i32
    %dma_start3A_8 = tpu.memref_slice %arg11[%dma_start3A, %dma_start3A_7] : memref<80x128xi32, #tpu.memory_space<vmem>> -> memref<1x128xi32, #tpu.memory_space<vmem>>
    %dma_start3A_9 = tpu.memref_squeeze %dma_start3A_8 : memref<1x128xi32, #tpu.memory_space<vmem>> -> memref<128xi32, #tpu.memory_space<vmem>>
    %dma_start3A_10 = arith.constant 0 : i32
    %dma_start3A_11 = arith.constant 0 : i32
    %dma_start3A_12 = tpu.memref_slice %arg2[%dma_start3A_10, %dma_start3A_11] : memref<10240x128xf32, #tpu.memory_space<hbm>> -> memref<10240x128xf32, #tpu.memory_space<hbm>>
    tpu.enqueue_indirect_dma source(%dma_start3A_12 : memref<10240x128xf32, #tpu.memory_space<hbm>>) target(%arg13 : memref<128x128xf32, #tpu.memory_space<vmem>>) offsets(%dma_start3A_9 : memref<128xi32, #tpu.memory_space<vmem>>) semaphore(%arg25 : memref<!tpu.dma_semaphore, #tpu.memory_space<semaphore_mem>>)
    %dma_start3A_13 = arith.constant 0 : i32
    %dma_start3A_14 = arith.constant 0 : i32
    %dma_start3A_15 = tpu.memref_slice %arg12[%dma_start3A_13, %dma_start3A_14] : memref<80x128xi32, #tpu.memory_space<vmem>> -> memref<1x128xi32, #tpu.memory_space<vmem>>
    %dma_start3A_16 = tpu.memref_squeeze %dma_start3A_15 : memref<1x128xi32, #tpu.memory_space<vmem>> -> memref<128xi32, #tpu.memory_space<vmem>>
    %dma_start3A_17 = arith.constant 0 : i32
    %dma_start3A_18 = arith.constant 0 : i32
    %dma_start3A_19 = tpu.memref_slice %arg3[%dma_start3A_17, %dma_start3A_18] : memref<10240x128xf32, #tpu.memory_space<hbm>> -> memref<10240x128xf32, #tpu.memory_space<hbm>>
    tpu.enqueue_indirect_dma source(%dma_start3A_19 : memref<10240x128xf32, #tpu.memory_space<hbm>>) target(%arg15 : memref<128x128xf32, #tpu.memory_space<vmem>>) offsets(%dma_start3A_16 : memref<128xi32, #tpu.memory_space<vmem>>) semaphore(%arg27 : memref<!tpu.dma_semaphore, #tpu.memory_space<semaphore_mem>>)
    %scan3A_20 = arith.constant 0 : i32
    %scan3A_21 = arith.constant 40 : i32
    %scan3A_22 = arith.addi %scan3A_20, %scan3A_21 : i32
    %scan3A_23 = arith.constant 1 : i32
    scf.for %scan3A_25 = %scan3A_20 to %scan3A_22 step %scan3A_23  : i32 {
      %mul3A_26 = arith.constant 2 : i32
      %mul3A_27 = arith.muli %scan3A_25, %mul3A_26 : i32
      %add3A_28 = arith.constant 0 : i32
      %add3A_29 = arith.addi %add3A_28, %mul3A_27 : i32
      %add3A_30 = arith.constant 1 : i32
      %add3A_31 = arith.addi %add3A_29, %add3A_30 : i32
      %dma_start3A_32 = arith.constant 0 : i32
      %dma_start3A_33 = tpu.memref_slice %arg11[%add3A_31, %dma_start3A_32] : memref<80x128xi32, #tpu.memory_space<vmem>> -> memref<1x128xi32, #tpu.memory_space<vmem>>
      %dma_start3A_34 = tpu.memref_squeeze %dma_start3A_33 : memref<1x128xi32, #tpu.memory_space<vmem>> -> memref<128xi32, #tpu.memory_space<vmem>>
      %dma_start3A_35 = arith.constant 0 : i32
      %dma_start3A_36 = arith.constant 0 : i32
      %dma_start3A_37 = tpu.memref_slice %arg2[%dma_start3A_35, %dma_start3A_36] : memref<10240x128xf32, #tpu.memory_space<hbm>> -> memref<10240x128xf32, #tpu.memory_space<hbm>>
      tpu.enqueue_indirect_dma source(%dma_start3A_37 : memref<10240x128xf32, #tpu.memory_space<hbm>>) target(%arg14 : memref<128x128xf32, #tpu.memory_space<vmem>>) offsets(%dma_start3A_34 : memref<128xi32, #tpu.memory_space<vmem>>) semaphore(%arg26 : memref<!tpu.dma_semaphore, #tpu.memory_space<semaphore_mem>>)
      %dma_start3A_38 = arith.constant 0 : i32
      %dma_start3A_39 = tpu.memref_slice %arg12[%add3A_31, %dma_start3A_38] : memref<80x128xi32, #tpu.memory_space<vmem>> -> memref<1x128xi32, #tpu.memory_space<vmem>>
      %dma_start3A_40 = tpu.memref_squeeze %dma_start3A_39 : memref<1x128xi32, #tpu.memory_space<vmem>> -> memref<128xi32, #tpu.memory_space<vmem>>
      %dma_start3A_41 = arith.constant 0 : i32
      %dma_start3A_42 = arith.constant 0 : i32
      %dma_start3A_43 = tpu.memref_slice %arg3[%dma_start3A_41, %dma_start3A_42] : memref<10240x128xf32, #tpu.memory_space<hbm>> -> memref<10240x128xf32, #tpu.memory_space<hbm>>
      tpu.enqueue_indirect_dma source(%dma_start3A_43 : memref<10240x128xf32, #tpu.memory_space<hbm>>) target(%arg16 : memref<128x128xf32, #tpu.memory_space<vmem>>) offsets(%dma_start3A_40 : memref<128xi32, #tpu.memory_space<vmem>>) semaphore(%arg28 : memref<!tpu.dma_semaphore, #tpu.memory_space<semaphore_mem>>)
      %scan3A_44 = arith.constant 0 : i32
      %scan3A_45 = arith.constant 8 : i32
      %scan3A_46 = arith.addi %scan3A_44, %scan3A_45 : i32
      %scan3A_47 = arith.constant 1 : i32
      scf.for %scan3A_212 = %scan3A_44 to %scan3A_46 step %scan3A_47  : i32 {
        %mul3A_213 = arith.constant 1 : i32
        %mul3A_214 = arith.muli %scan3A_212, %mul3A_213 : i32
        %add3A_215 = arith.constant 0 : i32
        %add3A_216 = arith.addi %add3A_215, %mul3A_214 : i32
        %mul3A_217 = arith.constant 16 : i32
        %mul3A_218 = arith.muli %add3A_216, %mul3A_217 : i32
        %get3A = arith.index_cast %add3A_29 : i32 to index
        %get3A_219 = arith.index_cast %mul3A_218 : i32 to index
        %get3A_220 = tpu.vector_load %arg11[%get3A, %get3A_219] {strides = array<i32>} : memref<80x128xi32, #tpu.memory_space<vmem>>, vector<16xi32>,
        %mul3A_221 = arith.constant 16 : i32
        %mul3A_222 = arith.muli %add3A_216, %mul3A_221 : i32
        %get3A_223 = arith.index_cast %add3A_29 : i32 to index
        %get3A_224 = arith.index_cast %mul3A_222 : i32 to index
        %get3A_225 = tpu.vector_load %arg12[%get3A_223, %get3A_224] {strides = array<i32>} : memref<80x128xi32, #tpu.memory_space<vmem>>, vector<16xi32>,
        %gather3A = tpu.vector_load_idx %arg17[%get3A_220] : memref<10240xf32, #tpu.memory_space<vmem>>[vector<16xi32>], vector<16xf32>,
        %gather3A_226 = tpu.vector_load_idx %arg17[%get3A_225] : memref<10240xf32, #tpu.memory_space<vmem>>[vector<16xi32>], vector<16xf32>,
        %gather3A_227 = tpu.vector_load_idx %arg18[%get3A_220] : memref<10240xf32, #tpu.memory_space<vmem>>[vector<16xi32>], vector<16xf32>,
        %gather3A_228 = tpu.vector_load_idx %arg18[%get3A_225] : memref<10240xf32, #tpu.memory_space<vmem>>[vector<16xi32>], vector<16xf32>,
        %sub3A_229 = arith.subf %gather3A, %gather3A_226 : vector<16xf32>
        %sub3A_230 = arith.subf %gather3A_227, %gather3A_228 : vector<16xf32>
        %mul3A_231 = arith.mulf %sub3A_229, %sub3A_229 : vector<16xf32>
        %mul3A_232 = arith.mulf %sub3A_230, %sub3A_230 : vector<16xf32>
        %add3A_233 = arith.addf %mul3A_231, %mul3A_232 : vector<16xf32>
        %mul3A_234 = arith.constant 16 : i32
        %mul3A_235 = arith.muli %add3A_216, %mul3A_234 : i32
        %swap3A = arith.index_cast %mul3A_235 : i32 to index
        %swap3A_236 = tpu.vector_load %arg20[%swap3A] {strides = array<i32>} : memref<128xf32, #tpu.memory_space<vmem>>, vector<16xf32>,
        tpu.vector_store %arg20[%swap3A], %add3A_233 {strides = array<i32>} : memref<128xf32, #tpu.memory_space<vmem>>, vector<16xf32>,
        %gather3A_237 = tpu.vector_load_idx %arg19[%get3A_220] : memref<10240xf32, #tpu.memory_space<vmem>>[vector<16xi32>], vector<16xf32>,
        %mul3A_238 = arith.constant 16 : i32
        %mul3A_239 = arith.muli %add3A_216, %mul3A_238 : i32
        %swap3A_240 = arith.index_cast %mul3A_239 : i32 to index
        %swap3A_241 = tpu.vector_load %arg21[%swap3A_240] {strides = array<i32>} : memref<128xf32, #tpu.memory_space<vmem>>, vector<16xf32>,
        tpu.vector_store %arg21[%swap3A_240], %gather3A_237 {strides = array<i32>} : memref<128xf32, #tpu.memory_space<vmem>>, vector<16xf32>,
        %gather3A_242 = tpu.vector_load_idx %arg19[%get3A_225] : memref<10240xf32, #tpu.memory_space<vmem>>[vector<16xi32>], vector<16xf32>,
        %mul3A_243 = arith.constant 16 : i32
        %mul3A_244 = arith.muli %add3A_216, %mul3A_243 : i32
        %swap3A_245 = arith.index_cast %mul3A_244 : i32 to index
        %swap3A_246 = tpu.vector_load %arg22[%swap3A_245] {strides = array<i32>} : memref<128xf32, #tpu.memory_space<vmem>>, vector<16xf32>,
        tpu.vector_store %arg22[%swap3A_245], %gather3A_242 {strides = array<i32>} : memref<128xf32, #tpu.memory_space<vmem>>, vector<16xf32>,
      }
      %scan3A_48 = arith.constant 8 : i32
      %mul3A_49 = arith.constant 128 : i32
      %mul3A_50 = arith.muli %add3A_29, %mul3A_49 : i32
      %add3A_51 = arith.addi %mul3A_6, %mul3A_50 : i32
      %jit3A = arith.constant 2048 : i32
      %div3A = arith.divsi %add3A_51, %jit3A : i32
      %sign3A = arith.constant 0 : i32
      %sign3A_52 = arith.cmpi sgt, %add3A_51, %sign3A : i32
      %sign3A_53 = arith.extui %sign3A_52 : i1 to i32
      %sign3A_54 = arith.constant 0 : i32
      %sign3A_55 = arith.cmpi slt, %add3A_51, %sign3A_54 : i32
      %sign3A_56 = arith.extui %sign3A_55 : i1 to i32
      %sign3A_57 = arith.subi %sign3A_53, %sign3A_56 : i32
      %sign3A_58 = arith.constant 0 : i32
      %sign3A_59 = arith.cmpi sgt, %jit3A, %sign3A_58 : i32
      %sign3A_60 = arith.extui %sign3A_59 : i1 to i32
      %sign3A_61 = arith.constant 0 : i32
      %sign3A_62 = arith.cmpi slt, %jit3A, %sign3A_61 : i32
      %sign3A_63 = arith.extui %sign3A_62 : i1 to i32
      %sign3A_64 = arith.subi %sign3A_60, %sign3A_63 : i32
      %ne3A = arith.cmpi ne, %sign3A_57, %sign3A_64 : i32
      %rem3A = arith.remsi %add3A_51, %jit3A : i32
      %ne3A_65 = arith.constant 0 : i32
      %ne3A_66 = arith.cmpi ne, %rem3A, %ne3A_65 : i32
      %and3A = arith.andi %ne3A, %ne3A_66 : i1
      %sub3A = arith.constant 1 : i32
      %sub3A_67 = arith.subi %div3A, %sub3A : i32
      %select_n3A = arith.select %and3A, %sub3A_67, %div3A : i32
      %jit3A_68 = arith.constant 2048 : i32
      %eq3A = arith.constant 0 : i32
      %eq3A_69 = arith.cmpi eq, %jit3A_68, %eq3A : i32
      %jit3A_70 = arith.constant 1 : i32
      %select_n3A_71 = arith.select %eq3A_69, %jit3A_70, %jit3A_68 : i32
      %rem3A_72 = arith.remsi %add3A_51, %select_n3A_71 : i32
      %ne3A_73 = arith.constant 0 : i32
      %ne3A_74 = arith.cmpi ne, %rem3A_72, %ne3A_73 : i32
      %lt3A = arith.constant 0 : i32
      %lt3A_75 = arith.cmpi slt, %rem3A_72, %lt3A : i32
      %lt3A_76 = arith.constant 0 : i32
      %lt3A_77 = arith.cmpi slt, %select_n3A_71, %lt3A_76 : i32
      %ne3A_78 = arith.xori %lt3A_75, %lt3A_77 : i1
      %and3A_79 = arith.andi %ne3A_78, %ne3A_74 : i1
      %add3A_80 = arith.addi %rem3A_72, %select_n3A_71 : i32
      %select_n3A_81 = arith.select %and3A_79, %add3A_80, %rem3A_72 : i32
      %mul3A_82 = arith.constant 16384 : i32
      %mul3A_83 = arith.muli %select_n3A, %mul3A_82 : i32
      %add3A_84 = arith.addi %mul3A_83, %select_n3A_81 : i32
      "tpu.region"() ({
        %run_scoped3A = tpu.sem_alloc : memref<!tpu.dma_semaphore, #tpu.memory_space<semaphore_mem>>
        %dma_start3A_212 = tpu.memref_slice %arg10[%add3A_84] : memref<2621440xf32, #tpu.memory_space<hbm>> -> memref<128xf32, #tpu.memory_space<hbm>>
        %dma_start3A_213 = tpu.memref_slice %arg10[%add3A_84] : memref<2621440xf32, #tpu.memory_space<hbm>> -> memref<128xf32, #tpu.memory_space<hbm>>
        tpu.enqueue_dma source(%arg20 : memref<128xf32, #tpu.memory_space<vmem>>) target(%dma_start3A_213 : memref<128xf32, #tpu.memory_space<hbm>>) target_semaphore(%run_scoped3A : memref<!tpu.dma_semaphore, #tpu.memory_space<semaphore_mem>>)
        %dma_wait3A_214 = tpu.memref_slice %arg10[%add3A_84] : memref<2621440xf32, #tpu.memory_space<hbm>> -> memref<128xf32, #tpu.memory_space<hbm>>
        %dma_wait3A_215 = tpu.memref_slice %arg10[%add3A_84] : memref<2621440xf32, #tpu.memory_space<hbm>> -> memref<128xf32, #tpu.memory_space<hbm>>
        tpu.wait_dma2 semaphore(%run_scoped3A : memref<!tpu.dma_semaphore, #tpu.memory_space<semaphore_mem>>) src(%arg20 : memref<128xf32, #tpu.memory_space<vmem>>) dst(%dma_wait3A_215 : memref<128xf32, #tpu.memory_space<hbm>>)
        tpu.yield
      }) : () -> ()
      %add3A_85 = arith.constant 2048 : i32
      %add3A_86 = arith.addi %add3A_84, %add3A_85 : i32
      "tpu.region"() ({
        %run_scoped3A = tpu.sem_alloc : memref<!tpu.dma_semaphore, #tpu.memory_space<semaphore_mem>>
        %dma_start3A_212 = tpu.memref_slice %arg10[%add3A_86] : memref<2621440xf32, #tpu.memory_space<hbm>> -> memref<128xf32, #tpu.memory_space<hbm>>
        %dma_start3A_213 = tpu.memref_slice %arg10[%add3A_86] : memref<2621440xf32, #tpu.memory_space<hbm>> -> memref<128xf32, #tpu.memory_space<hbm>>
        tpu.enqueue_dma source(%arg21 : memref<128xf32, #tpu.memory_space<vmem>>) target(%dma_start3A_213 : memref<128xf32, #tpu.memory_space<hbm>>) target_semaphore(%run_scoped3A : memref<!tpu.dma_semaphore, #tpu.memory_space<semaphore_mem>>)
        %dma_wait3A_214 = tpu.memref_slice %arg10[%add3A_86] : memref<2621440xf32, #tpu.memory_space<hbm>> -> memref<128xf32, #tpu.memory_space<hbm>>
        %dma_wait3A_215 = tpu.memref_slice %arg10[%add3A_86] : memref<2621440xf32, #tpu.memory_space<hbm>> -> memref<128xf32, #tpu.memory_space<hbm>>
        tpu.wait_dma2 semaphore(%run_scoped3A : memref<!tpu.dma_semaphore, #tpu.memory_space<semaphore_mem>>) src(%arg21 : memref<128xf32, #tpu.memory_space<vmem>>) dst(%dma_wait3A_215 : memref<128xf32, #tpu.memory_space<hbm>>)
        tpu.yield
      }) : () -> ()
      %add3A_87 = arith.constant 4096 : i32
      %add3A_88 = arith.addi %add3A_84, %add3A_87 : i32
      "tpu.region"() ({
        %run_scoped3A = tpu.sem_alloc : memref<!tpu.dma_semaphore, #tpu.memory_space<semaphore_mem>>
        %dma_start3A_212 = tpu.memref_slice %arg10[%add3A_88] : memref<2621440xf32, #tpu.memory_space<hbm>> -> memref<128xf32, #tpu.memory_space<hbm>>
        %dma_start3A_213 = tpu.memref_slice %arg10[%add3A_88] : memref<2621440xf32, #tpu.memory_space<hbm>> -> memref<128xf32, #tpu.memory_space<hbm>>
        tpu.enqueue_dma source(%arg22 : memref<128xf32, #tpu.memory_space<vmem>>) target(%dma_start3A_213 : memref<128xf32, #tpu.memory_space<hbm>>) target_semaphore(%run_scoped3A : memref<!tpu.dma_semaphore, #tpu.memory_space<semaphore_mem>>)
        %dma_wait3A_214 = tpu.memref_slice %arg10[%add3A_88] : memref<2621440xf32, #tpu.memory_space<hbm>> -> memref<128xf32, #tpu.memory_space<hbm>>
        %dma_wait3A_215 = tpu.memref_slice %arg10[%add3A_88] : memref<2621440xf32, #tpu.memory_space<hbm>> -> memref<128xf32, #tpu.memory_space<hbm>>
        tpu.wait_dma2 semaphore(%run_scoped3A : memref<!tpu.dma_semaphore, #tpu.memory_space<semaphore_mem>>) src(%arg22 : memref<128xf32, #tpu.memory_space<vmem>>) dst(%dma_wait3A_215 : memref<128xf32, #tpu.memory_space<hbm>>)
        tpu.yield
      }) : () -> ()
      %dma_wait3A = arith.constant 0 : i32
      %dma_wait3A_89 = tpu.memref_slice %arg11[%add3A_29, %dma_wait3A] : memref<80x128xi32, #tpu.memory_space<vmem>> -> memref<1x128xi32, #tpu.memory_space<vmem>>
      %dma_wait3A_90 = tpu.memref_squeeze %dma_wait3A_89 : memref<1x128xi32, #tpu.memory_space<vmem>> -> memref<128xi32, #tpu.memory_space<vmem>>
      %dma_wait3A_91 = arith.constant 0 : i32
      %dma_wait3A_92 = arith.constant 0 : i32
      %dma_wait3A_93 = tpu.memref_slice %arg2[%dma_wait3A_91, %dma_wait3A_92] : memref<10240x128xf32, #tpu.memory_space<hbm>> -> memref<10240x128xf32, #tpu.memory_space<hbm>>
      tpu.wait_indirect_dma semaphore(%arg25 : memref<!tpu.dma_semaphore, #tpu.memory_space<semaphore_mem>>) src(%dma_wait3A_93 : memref<10240x128xf32, #tpu.memory_space<hbm>>) dst(%arg13 : memref<128x128xf32, #tpu.memory_space<vmem>>)
      %dma_wait3A_94 = arith.constant 0 : i32
      %dma_wait3A_95 = tpu.memref_slice %arg12[%add3A_29, %dma_wait3A_94] : memref<80x128xi32, #tpu.memory_space<vmem>> -> memref<1x128xi32, #tpu.memory_space<vmem>>
      %dma_wait3A_96 = tpu.memref_squeeze %dma_wait3A_95 : memref<1x128xi32, #tpu.memory_space<vmem>> -> memref<128xi32, #tpu.memory_space<vmem>>
      %dma_wait3A_97 = arith.constant 0 : i32
      %dma_wait3A_98 = arith.constant 0 : i32
      %dma_wait3A_99 = tpu.memref_slice %arg3[%dma_wait3A_97, %dma_wait3A_98] : memref<10240x128xf32, #tpu.memory_space<hbm>> -> memref<10240x128xf32, #tpu.memory_space<hbm>>
      tpu.wait_indirect_dma semaphore(%arg27 : memref<!tpu.dma_semaphore, #tpu.memory_space<semaphore_mem>>) src(%dma_wait3A_99 : memref<10240x128xf32, #tpu.memory_space<hbm>>) dst(%arg15 : memref<128x128xf32, #tpu.memory_space<vmem>>)
      %mul3A_100 = arith.constant 64 : i32
      %mul3A_101 = arith.muli %arg1, %mul3A_100 : i32
      "tpu.region"() ({
        %run_scoped3A = tpu.sem_alloc : memref<!tpu.dma_semaphore, #tpu.memory_space<semaphore_mem>>
        %dma_start3A_212 = arith.constant 0 : i32
        %dma_start3A_213 = arith.constant 0 : i32
        %dma_start3A_214 = tpu.memref_slice %arg13[%dma_start3A_212, %dma_start3A_213] : memref<128x128xf32, #tpu.memory_space<vmem>> -> memref<64x128xf32, #tpu.memory_space<vmem>>
        %dma_start3A_215 = arith.constant 0 : i32
        %dma_start3A_216 = tpu.memref_slice %arg24[%mul3A_101, %dma_start3A_215] : memref<1024x128xf32, #tpu.memory_space<vmem_shared>> -> memref<64x128xf32, #tpu.memory_space<vmem_shared>>
        %dma_start3A_217 = arith.constant 0 : i32
        %dma_start3A_218 = tpu.memref_slice %arg24[%mul3A_101, %dma_start3A_217] : memref<1024x128xf32, #tpu.memory_space<vmem_shared>> -> memref<64x128xf32, #tpu.memory_space<vmem_shared>>
        %dma_start3A_219 = arith.constant 0 : i32
        %dma_start3A_220 = arith.constant 0 : i32
        %dma_start3A_221 = tpu.memref_slice %arg13[%dma_start3A_219, %dma_start3A_220] : memref<128x128xf32, #tpu.memory_space<vmem>> -> memref<64x128xf32, #tpu.memory_space<vmem>>
        tpu.enqueue_dma source(%dma_start3A_221 : memref<64x128xf32, #tpu.memory_space<vmem>>) target(%dma_start3A_218 : memref<64x128xf32, #tpu.memory_space<vmem_shared>>) target_semaphore(%run_scoped3A : memref<!tpu.dma_semaphore, #tpu.memory_space<semaphore_mem>>)
        %dma_wait3A_222 = arith.constant 0 : i32
        %dma_wait3A_223 = arith.constant 0 : i32
        %dma_wait3A_224 = tpu.memref_slice %arg13[%dma_wait3A_222, %dma_wait3A_223] : memref<128x128xf32, #tpu.memory_space<vmem>> -> memref<64x128xf32, #tpu.memory_space<vmem>>
        %dma_wait3A_225 = arith.constant 0 : i32
        %dma_wait3A_226 = tpu.memref_slice %arg24[%mul3A_101, %dma_wait3A_225] : memref<1024x128xf32, #tpu.memory_space<vmem_shared>> -> memref<64x128xf32, #tpu.memory_space<vmem_shared>>
        %dma_wait3A_227 = arith.constant 0 : i32
        %dma_wait3A_228 = tpu.memref_slice %arg24[%mul3A_101, %dma_wait3A_227] : memref<1024x128xf32, #tpu.memory_space<vmem_shared>> -> memref<64x128xf32, #tpu.memory_space<vmem_shared>>
        %dma_wait3A_229 = arith.constant 0 : i32
        %dma_wait3A_230 = arith.constant 0 : i32
        %dma_wait3A_231 = tpu.memref_slice %arg13[%dma_wait3A_229, %dma_wait3A_230] : memref<128x128xf32, #tpu.memory_space<vmem>> -> memref<64x128xf32, #tpu.memory_space<vmem>>
        tpu.wait_dma2 semaphore(%run_scoped3A : memref<!tpu.dma_semaphore, #tpu.memory_space<semaphore_mem>>) src(%dma_wait3A_231 : memref<64x128xf32, #tpu.memory_space<vmem>>) dst(%dma_wait3A_228 : memref<64x128xf32, #tpu.memory_space<vmem_shared>>)
        tpu.yield
      }) : () -> ()
      "tpu.region"() ({
        %run_scoped3A = tpu.sem_alloc : memref<!tpu.dma_semaphore, #tpu.memory_space<semaphore_mem>>
        %dma_start3A_212 = arith.constant 0 : i32
        %dma_start3A_213 = arith.constant 0 : i32
        %dma_start3A_214 = tpu.memref_slice %arg15[%dma_start3A_212, %dma_start3A_213] : memref<128x128xf32, #tpu.memory_space<vmem>> -> memref<64x128xf32, #tpu.memory_space<vmem>>
        %dma_start3A_215 = arith.constant 0 : i32
        %dma_start3A_216 = arith.constant 0 : i32
        %dma_start3A_217 = tpu.memref_slice %arg24[%dma_start3A_215, %dma_start3A_216] : memref<1024x128xf32, #tpu.memory_space<vmem_shared>> -> memref<1024x128xf32, #tpu.memory_space<vmem_shared>>
        tpu.enqueue_indirect_dma source(%dma_start3A_214 : memref<64x128xf32, #tpu.memory_space<vmem>>) target(%dma_start3A_217 : memref<1024x128xf32, #tpu.memory_space<vmem_shared>>) offsets(%arg23 : memref<64xi32, #tpu.memory_space<vmem>>) semaphore(%run_scoped3A : memref<!tpu.dma_semaphore, #tpu.memory_space<semaphore_mem>>) {add = true}
        %dma_wait3A_218 = arith.constant 0 : i32
        %dma_wait3A_219 = arith.constant 0 : i32
        %dma_wait3A_220 = tpu.memref_slice %arg15[%dma_wait3A_218, %dma_wait3A_219] : memref<128x128xf32, #tpu.memory_space<vmem>> -> memref<64x128xf32, #tpu.memory_space<vmem>>
        %dma_wait3A_221 = arith.constant 0 : i32
        %dma_wait3A_222 = arith.constant 0 : i32
        %dma_wait3A_223 = tpu.memref_slice %arg24[%dma_wait3A_221, %dma_wait3A_222] : memref<1024x128xf32, #tpu.memory_space<vmem_shared>> -> memref<1024x128xf32, #tpu.memory_space<vmem_shared>>
        tpu.wait_indirect_dma semaphore(%run_scoped3A : memref<!tpu.dma_semaphore, #tpu.memory_space<semaphore_mem>>) src(%dma_wait3A_220 : memref<64x128xf32, #tpu.memory_space<vmem>>) dst(%dma_wait3A_223 : memref<1024x128xf32, #tpu.memory_space<vmem_shared>>)
        tpu.yield
      }) : () -> ()
      %mul3A_102 = arith.constant 64 : i32
      %mul3A_103 = arith.muli %arg1, %mul3A_102 : i32
      %mul3A_104 = arith.constant 128 : i32
      %mul3A_105 = arith.muli %add3A_29, %mul3A_104 : i32
      %add3A_106 = arith.addi %mul3A_6, %mul3A_105 : i32
      %add3A_107 = arith.constant 0 : i32
      %add3A_108 = arith.addi %add3A_106, %add3A_107 : i32
      "tpu.region"() ({
        %run_scoped3A = tpu.sem_alloc : memref<!tpu.dma_semaphore, #tpu.memory_space<semaphore_mem>>
        %dma_start3A_212 = arith.constant 0 : i32
        %dma_start3A_213 = tpu.memref_slice %arg9[%add3A_108, %dma_start3A_212] : memref<327680x128xf32, #tpu.memory_space<hbm>> -> memref<64x128xf32, #tpu.memory_space<hbm>>
        %dma_start3A_214 = arith.constant 0 : i32
        %dma_start3A_215 = tpu.memref_slice %arg24[%mul3A_103, %dma_start3A_214] : memref<1024x128xf32, #tpu.memory_space<vmem_shared>> -> memref<64x128xf32, #tpu.memory_space<vmem_shared>>
        tpu.enqueue_dma source(%dma_start3A_215 : memref<64x128xf32, #tpu.memory_space<vmem_shared>>) target(%dma_start3A_213 : memref<64x128xf32, #tpu.memory_space<hbm>>) target_semaphore(%run_scoped3A : memref<!tpu.dma_semaphore, #tpu.memory_space<semaphore_mem>>)
        %dma_wait3A_216 = arith.constant 0 : i32
        %dma_wait3A_217 = tpu.memref_slice %arg9[%add3A_108, %dma_wait3A_216] : memref<327680x128xf32, #tpu.memory_space<hbm>> -> memref<64x128xf32, #tpu.memory_space<hbm>>
        %dma_wait3A_218 = arith.constant 0 : i32
        %dma_wait3A_219 = tpu.memref_slice %arg24[%mul3A_103, %dma_wait3A_218] : memref<1024x128xf32, #tpu.memory_space<vmem_shared>> -> memref<64x128xf32, #tpu.memory_space<vmem_shared>>
        tpu.wait_dma2 semaphore(%run_scoped3A : memref<!tpu.dma_semaphore, #tpu.memory_space<semaphore_mem>>) src(%dma_wait3A_219 : memref<64x128xf32, #tpu.memory_space<vmem_shared>>) dst(%dma_wait3A_217 : memref<64x128xf32, #tpu.memory_space<hbm>>)
        tpu.yield
      }) : () -> ()
      %mul3A_109 = arith.constant 64 : i32
      %mul3A_110 = arith.muli %arg1, %mul3A_109 : i32
      "tpu.region"() ({
        %run_scoped3A = tpu.sem_alloc : memref<!tpu.dma_semaphore, #tpu.memory_space<semaphore_mem>>
        %dma_start3A_212 = arith.constant 64 : i32
        %dma_start3A_213 = arith.constant 0 : i32
        %dma_start3A_214 = tpu.memref_slice %arg13[%dma_start3A_212, %dma_start3A_213] : memref<128x128xf32, #tpu.memory_space<vmem>> -> memref<64x128xf32, #tpu.memory_space<vmem>>
        %dma_start3A_215 = arith.constant 0 : i32
        %dma_start3A_216 = tpu.memref_slice %arg24[%mul3A_110, %dma_start3A_215] : memref<1024x128xf32, #tpu.memory_space<vmem_shared>> -> memref<64x128xf32, #tpu.memory_space<vmem_shared>>
        %dma_start3A_217 = arith.constant 0 : i32
        %dma_start3A_218 = tpu.memref_slice %arg24[%mul3A_110, %dma_start3A_217] : memref<1024x128xf32, #tpu.memory_space<vmem_shared>> -> memref<64x128xf32, #tpu.memory_space<vmem_shared>>
        %dma_start3A_219 = arith.constant 64 : i32
        %dma_start3A_220 = arith.constant 0 : i32
        %dma_start3A_221 = tpu.memref_slice %arg13[%dma_start3A_219, %dma_start3A_220] : memref<128x128xf32, #tpu.memory_space<vmem>> -> memref<64x128xf32, #tpu.memory_space<vmem>>
        tpu.enqueue_dma source(%dma_start3A_221 : memref<64x128xf32, #tpu.memory_space<vmem>>) target(%dma_start3A_218 : memref<64x128xf32, #tpu.memory_space<vmem_shared>>) target_semaphore(%run_scoped3A : memref<!tpu.dma_semaphore, #tpu.memory_space<semaphore_mem>>)
        %dma_wait3A_222 = arith.constant 64 : i32
        %dma_wait3A_223 = arith.constant 0 : i32
        %dma_wait3A_224 = tpu.memref_slice %arg13[%dma_wait3A_222, %dma_wait3A_223] : memref<128x128xf32, #tpu.memory_space<vmem>> -> memref<64x128xf32, #tpu.memory_space<vmem>>
        %dma_wait3A_225 = arith.constant 0 : i32
        %dma_wait3A_226 = tpu.memref_slice %arg24[%mul3A_110, %dma_wait3A_225] : memref<1024x128xf32, #tpu.memory_space<vmem_shared>> -> memref<64x128xf32, #tpu.memory_space<vmem_shared>>
        %dma_wait3A_227 = arith.constant 0 : i32
        %dma_wait3A_228 = tpu.memref_slice %arg24[%mul3A_110, %dma_wait3A_227] : memref<1024x128xf32, #tpu.memory_space<vmem_shared>> -> memref<64x128xf32, #tpu.memory_space<vmem_shared>>
        %dma_wait3A_229 = arith.constant 64 : i32
        %dma_wait3A_230 = arith.constant 0 : i32
        %dma_wait3A_231 = tpu.memref_slice %arg13[%dma_wait3A_229, %dma_wait3A_230] : memref<128x128xf32, #tpu.memory_space<vmem>> -> memref<64x128xf32, #tpu.memory_space<vmem>>
        tpu.wait_dma2 semaphore(%run_scoped3A : memref<!tpu.dma_semaphore, #tpu.memory_space<semaphore_mem>>) src(%dma_wait3A_231 : memref<64x128xf32, #tpu.memory_space<vmem>>) dst(%dma_wait3A_228 : memref<64x128xf32, #tpu.memory_space<vmem_shared>>)
        tpu.yield
      }) : () -> ()
      "tpu.region"() ({
        %run_scoped3A = tpu.sem_alloc : memref<!tpu.dma_semaphore, #tpu.memory_space<semaphore_mem>>
        %dma_start3A_212 = arith.constant 64 : i32
        %dma_start3A_213 = arith.constant 0 : i32
        %dma_start3A_214 = tpu.memref_slice %arg15[%dma_start3A_212, %dma_start3A_213] : memref<128x128xf32, #tpu.memory_space<vmem>> -> memref<64x128xf32, #tpu.memory_space<vmem>>
        %dma_start3A_215 = arith.constant 0 : i32
        %dma_start3A_216 = arith.constant 0 : i32
        %dma_start3A_217 = tpu.memref_slice %arg24[%dma_start3A_215, %dma_start3A_216] : memref<1024x128xf32, #tpu.memory_space<vmem_shared>> -> memref<1024x128xf32, #tpu.memory_space<vmem_shared>>
        tpu.enqueue_indirect_dma source(%dma_start3A_214 : memref<64x128xf32, #tpu.memory_space<vmem>>) target(%dma_start3A_217 : memref<1024x128xf32, #tpu.memory_space<vmem_shared>>) offsets(%arg23 : memref<64xi32, #tpu.memory_space<vmem>>) semaphore(%run_scoped3A : memref<!tpu.dma_semaphore, #tpu.memory_space<semaphore_mem>>) {add = true}
        %dma_wait3A_218 = arith.constant 64 : i32
        %dma_wait3A_219 = arith.constant 0 : i32
        %dma_wait3A_220 = tpu.memref_slice %arg15[%dma_wait3A_218, %dma_wait3A_219] : memref<128x128xf32, #tpu.memory_space<vmem>> -> memref<64x128xf32, #tpu.memory_space<vmem>>
        %dma_wait3A_221 = arith.constant 0 : i32
        %dma_wait3A_222 = arith.constant 0 : i32
        %dma_wait3A_223 = tpu.memref_slice %arg24[%dma_wait3A_221, %dma_wait3A_222] : memref<1024x128xf32, #tpu.memory_space<vmem_shared>> -> memref<1024x128xf32, #tpu.memory_space<vmem_shared>>
        tpu.wait_indirect_dma semaphore(%run_scoped3A : memref<!tpu.dma_semaphore, #tpu.memory_space<semaphore_mem>>) src(%dma_wait3A_220 : memref<64x128xf32, #tpu.memory_space<vmem>>) dst(%dma_wait3A_223 : memref<1024x128xf32, #tpu.memory_space<vmem_shared>>)
        tpu.yield
      }) : () -> ()
      %mul3A_111 = arith.constant 64 : i32
      %mul3A_112 = arith.muli %arg1, %mul3A_111 : i32
      %mul3A_113 = arith.constant 128 : i32
      %mul3A_114 = arith.muli %add3A_29, %mul3A_113 : i32
      %add3A_115 = arith.addi %mul3A_6, %mul3A_114 : i32
      %add3A_116 = arith.constant 64 : i32
      %add3A_117 = arith.addi %add3A_115, %add3A_116 : i32
      "tpu.region"() ({
        %run_scoped3A = tpu.sem_alloc : memref<!tpu.dma_semaphore, #tpu.memory_space<semaphore_mem>>
        %dma_start3A_212 = arith.constant 0 : i32
        %dma_start3A_213 = tpu.memref_slice %arg9[%add3A_117, %dma_start3A_212] : memref<327680x128xf32, #tpu.memory_space<hbm>> -> memref<64x128xf32, #tpu.memory_space<hbm>>
        %dma_start3A_214 = arith.constant 0 : i32
        %dma_start3A_215 = tpu.memref_slice %arg24[%mul3A_112, %dma_start3A_214] : memref<1024x128xf32, #tpu.memory_space<vmem_shared>> -> memref<64x128xf32, #tpu.memory_space<vmem_shared>>
        tpu.enqueue_dma source(%dma_start3A_215 : memref<64x128xf32, #tpu.memory_space<vmem_shared>>) target(%dma_start3A_213 : memref<64x128xf32, #tpu.memory_space<hbm>>) target_semaphore(%run_scoped3A : memref<!tpu.dma_semaphore, #tpu.memory_space<semaphore_mem>>)
        %dma_wait3A_216 = arith.constant 0 : i32
        %dma_wait3A_217 = tpu.memref_slice %arg9[%add3A_117, %dma_wait3A_216] : memref<327680x128xf32, #tpu.memory_space<hbm>> -> memref<64x128xf32, #tpu.memory_space<hbm>>
        %dma_wait3A_218 = arith.constant 0 : i32
        %dma_wait3A_219 = tpu.memref_slice %arg24[%mul3A_112, %dma_wait3A_218] : memref<1024x128xf32, #tpu.memory_space<vmem_shared>> -> memref<64x128xf32, #tpu.memory_space<vmem_shared>>
        tpu.wait_dma2 semaphore(%run_scoped3A : memref<!tpu.dma_semaphore, #tpu.memory_space<semaphore_mem>>) src(%dma_wait3A_219 : memref<64x128xf32, #tpu.memory_space<vmem_shared>>) dst(%dma_wait3A_217 : memref<64x128xf32, #tpu.memory_space<hbm>>)
        tpu.yield
      }) : () -> ()
      %add3A_118 = arith.constant 2 : i32
      %add3A_119 = arith.addi %add3A_29, %add3A_118 : i32
      %lt3A_120 = arith.constant 80 : i32
      %lt3A_121 = arith.cmpi slt, %add3A_119, %lt3A_120 : i32
      %convert_element_type3A = arith.extui %lt3A_121 : i1 to i32
      %cond3A = arith.constant 0 : i32
      %cond3A_122 = arith.cmpi ne, %convert_element_type3A, %cond3A : i32
      scf.if %cond3A_122 {
        %add3A_212 = arith.constant 2 : i32
        %add3A_213 = arith.addi %add3A_29, %add3A_212 : i32
        %dma_start3A_214 = arith.constant 0 : i32
        %dma_start3A_215 = tpu.memref_slice %arg11[%add3A_213, %dma_start3A_214] : memref<80x128xi32, #tpu.memory_space<vmem>> -> memref<1x128xi32, #tpu.memory_space<vmem>>
        %dma_start3A_216 = tpu.memref_squeeze %dma_start3A_215 : memref<1x128xi32, #tpu.memory_space<vmem>> -> memref<128xi32, #tpu.memory_space<vmem>>
        %dma_start3A_217 = arith.constant 0 : i32
        %dma_start3A_218 = arith.constant 0 : i32
        %dma_start3A_219 = tpu.memref_slice %arg2[%dma_start3A_217, %dma_start3A_218] : memref<10240x128xf32, #tpu.memory_space<hbm>> -> memref<10240x128xf32, #tpu.memory_space<hbm>>
        tpu.enqueue_indirect_dma source(%dma_start3A_219 : memref<10240x128xf32, #tpu.memory_space<hbm>>) target(%arg13 : memref<128x128xf32, #tpu.memory_space<vmem>>) offsets(%dma_start3A_216 : memref<128xi32, #tpu.memory_space<vmem>>) semaphore(%arg25 : memref<!tpu.dma_semaphore, #tpu.memory_space<semaphore_mem>>)
        %dma_start3A_220 = arith.constant 0 : i32
        %dma_start3A_221 = tpu.memref_slice %arg12[%add3A_213, %dma_start3A_220] : memref<80x128xi32, #tpu.memory_space<vmem>> -> memref<1x128xi32, #tpu.memory_space<vmem>>
        %dma_start3A_222 = tpu.memref_squeeze %dma_start3A_221 : memref<1x128xi32, #tpu.memory_space<vmem>> -> memref<128xi32, #tpu.memory_space<vmem>>
        %dma_start3A_223 = arith.constant 0 : i32
        %dma_start3A_224 = arith.constant 0 : i32
        %dma_start3A_225 = tpu.memref_slice %arg3[%dma_start3A_223, %dma_start3A_224] : memref<10240x128xf32, #tpu.memory_space<hbm>> -> memref<10240x128xf32, #tpu.memory_space<hbm>>
        tpu.enqueue_indirect_dma source(%dma_start3A_225 : memref<10240x128xf32, #tpu.memory_space<hbm>>) target(%arg15 : memref<128x128xf32, #tpu.memory_space<vmem>>) offsets(%dma_start3A_222 : memref<128xi32, #tpu.memory_space<vmem>>) semaphore(%arg27 : memref<!tpu.dma_semaphore, #tpu.memory_space<semaphore_mem>>)
      } else {
      }
      %add3A_123 = arith.constant 1 : i32
      %add3A_124 = arith.addi %add3A_29, %add3A_123 : i32
      %scan3A_125 = arith.constant 0 : i32
      %scan3A_126 = arith.constant 8 : i32
      %scan3A_127 = arith.addi %scan3A_125, %scan3A_126 : i32
      %scan3A_128 = arith.constant 1 : i32
      scf.for %scan3A_212 = %scan3A_125 to %scan3A_127 step %scan3A_128  : i32 {
        %mul3A_213 = arith.constant 1 : i32
        %mul3A_214 = arith.muli %scan3A_212, %mul3A_213 : i32
        %add3A_215 = arith.constant 0 : i32
        %add3A_216 = arith.addi %add3A_215, %mul3A_214 : i32
        %mul3A_217 = arith.constant 16 : i32
        %mul3A_218 = arith.muli %add3A_216, %mul3A_217 : i32
        %get3A = arith.index_cast %add3A_124 : i32 to index
        %get3A_219 = arith.index_cast %mul3A_218 : i32 to index
        %get3A_220 = tpu.vector_load %arg11[%get3A, %get3A_219] {strides = array<i32>} : memref<80x128xi32, #tpu.memory_space<vmem>>, vector<16xi32>,
        %mul3A_221 = arith.constant 16 : i32
        %mul3A_222 = arith.muli %add3A_216, %mul3A_221 : i32
        %get3A_223 = arith.index_cast %add3A_124 : i32 to index
        %get3A_224 = arith.index_cast %mul3A_222 : i32 to index
        %get3A_225 = tpu.vector_load %arg12[%get3A_223, %get3A_224] {strides = array<i32>} : memref<80x128xi32, #tpu.memory_space<vmem>>, vector<16xi32>,
        %gather3A = tpu.vector_load_idx %arg17[%get3A_220] : memref<10240xf32, #tpu.memory_space<vmem>>[vector<16xi32>], vector<16xf32>,
        %gather3A_226 = tpu.vector_load_idx %arg17[%get3A_225] : memref<10240xf32, #tpu.memory_space<vmem>>[vector<16xi32>], vector<16xf32>,
        %gather3A_227 = tpu.vector_load_idx %arg18[%get3A_220] : memref<10240xf32, #tpu.memory_space<vmem>>[vector<16xi32>], vector<16xf32>,
        %gather3A_228 = tpu.vector_load_idx %arg18[%get3A_225] : memref<10240xf32, #tpu.memory_space<vmem>>[vector<16xi32>], vector<16xf32>,
        %sub3A_229 = arith.subf %gather3A, %gather3A_226 : vector<16xf32>
        %sub3A_230 = arith.subf %gather3A_227, %gather3A_228 : vector<16xf32>
        %mul3A_231 = arith.mulf %sub3A_229, %sub3A_229 : vector<16xf32>
        %mul3A_232 = arith.mulf %sub3A_230, %sub3A_230 : vector<16xf32>
        %add3A_233 = arith.addf %mul3A_231, %mul3A_232 : vector<16xf32>
        %mul3A_234 = arith.constant 16 : i32
        %mul3A_235 = arith.muli %add3A_216, %mul3A_234 : i32
        %swap3A = arith.index_cast %mul3A_235 : i32 to index
        %swap3A_236 = tpu.vector_load %arg20[%swap3A] {strides = array<i32>} : memref<128xf32, #tpu.memory_space<vmem>>, vector<16xf32>,
        tpu.vector_store %arg20[%swap3A], %add3A_233 {strides = array<i32>} : memref<128xf32, #tpu.memory_space<vmem>>, vector<16xf32>,
        %gather3A_237 = tpu.vector_load_idx %arg19[%get3A_220] : memref<10240xf32, #tpu.memory_space<vmem>>[vector<16xi32>], vector<16xf32>,
        %mul3A_238 = arith.constant 16 : i32
        %mul3A_239 = arith.muli %add3A_216, %mul3A_238 : i32
        %swap3A_240 = arith.index_cast %mul3A_239 : i32 to index
        %swap3A_241 = tpu.vector_load %arg21[%swap3A_240] {strides = array<i32>} : memref<128xf32, #tpu.memory_space<vmem>>, vector<16xf32>,
        tpu.vector_store %arg21[%swap3A_240], %gather3A_237 {strides = array<i32>} : memref<128xf32, #tpu.memory_space<vmem>>, vector<16xf32>,
        %gather3A_242 = tpu.vector_load_idx %arg19[%get3A_225] : memref<10240xf32, #tpu.memory_space<vmem>>[vector<16xi32>], vector<16xf32>,
        %mul3A_243 = arith.constant 16 : i32
        %mul3A_244 = arith.muli %add3A_216, %mul3A_243 : i32
        %swap3A_245 = arith.index_cast %mul3A_244 : i32 to index
        %swap3A_246 = tpu.vector_load %arg22[%swap3A_245] {strides = array<i32>} : memref<128xf32, #tpu.memory_space<vmem>>, vector<16xf32>,
        tpu.vector_store %arg22[%swap3A_245], %gather3A_242 {strides = array<i32>} : memref<128xf32, #tpu.memory_space<vmem>>, vector<16xf32>,
      }
      %scan3A_129 = arith.constant 8 : i32
      %mul3A_130 = arith.constant 128 : i32
      %mul3A_131 = arith.muli %add3A_124, %mul3A_130 : i32
      %add3A_132 = arith.addi %mul3A_6, %mul3A_131 : i32
      %jit3A_133 = arith.constant 2048 : i32
      %div3A_134 = arith.divsi %add3A_132, %jit3A_133 : i32
      %sign3A_135 = arith.constant 0 : i32
      %sign3A_136 = arith.cmpi sgt, %add3A_132, %sign3A_135 : i32
      %sign3A_137 = arith.extui %sign3A_136 : i1 to i32
      %sign3A_138 = arith.constant 0 : i32
      %sign3A_139 = arith.cmpi slt, %add3A_132, %sign3A_138 : i32
      %sign3A_140 = arith.extui %sign3A_139 : i1 to i32
      %sign3A_141 = arith.subi %sign3A_137, %sign3A_140 : i32
      %sign3A_142 = arith.constant 0 : i32
      %sign3A_143 = arith.cmpi sgt, %jit3A_133, %sign3A_142 : i32
      %sign3A_144 = arith.extui %sign3A_143 : i1 to i32
      %sign3A_145 = arith.constant 0 : i32
      %sign3A_146 = arith.cmpi slt, %jit3A_133, %sign3A_145 : i32
      %sign3A_147 = arith.extui %sign3A_146 : i1 to i32
      %sign3A_148 = arith.subi %sign3A_144, %sign3A_147 : i32
      %ne3A_149 = arith.cmpi ne, %sign3A_141, %sign3A_148 : i32
      %rem3A_150 = arith.remsi %add3A_132, %jit3A_133 : i32
      %ne3A_151 = arith.constant 0 : i32
      %ne3A_152 = arith.cmpi ne, %rem3A_150, %ne3A_151 : i32
      %and3A_153 = arith.andi %ne3A_149, %ne3A_152 : i1
      %sub3A_154 = arith.constant 1 : i32
      %sub3A_155 = arith.subi %div3A_134, %sub3A_154 : i32
      %select_n3A_156 = arith.select %and3A_153, %sub3A_155, %div3A_134 : i32
      %jit3A_157 = arith.constant 2048 : i32
      %eq3A_158 = arith.constant 0 : i32
      %eq3A_159 = arith.cmpi eq, %jit3A_157, %eq3A_158 : i32
      %jit3A_160 = arith.constant 1 : i32
      %select_n3A_161 = arith.select %eq3A_159, %jit3A_160, %jit3A_157 : i32
      %rem3A_162 = arith.remsi %add3A_132, %select_n3A_161 : i32
      %ne3A_163 = arith.constant 0 : i32
      %ne3A_164 = arith.cmpi ne, %rem3A_162, %ne3A_163 : i32
      %lt3A_165 = arith.constant 0 : i32
      %lt3A_166 = arith.cmpi slt, %rem3A_162, %lt3A_165 : i32
      %lt3A_167 = arith.constant 0 : i32
      %lt3A_168 = arith.cmpi slt, %select_n3A_161, %lt3A_167 : i32
      %ne3A_169 = arith.xori %lt3A_166, %lt3A_168 : i1
      %and3A_170 = arith.andi %ne3A_169, %ne3A_164 : i1
      %add3A_171 = arith.addi %rem3A_162, %select_n3A_161 : i32
      %select_n3A_172 = arith.select %and3A_170, %add3A_171, %rem3A_162 : i32
      %mul3A_173 = arith.constant 16384 : i32
      %mul3A_174 = arith.muli %select_n3A_156, %mul3A_173 : i32
      %add3A_175 = arith.addi %mul3A_174, %select_n3A_172 : i32
      "tpu.region"() ({
        %run_scoped3A = tpu.sem_alloc : memref<!tpu.dma_semaphore, #tpu.memory_space<semaphore_mem>>
        %dma_start3A_212 = tpu.memref_slice %arg10[%add3A_175] : memref<2621440xf32, #tpu.memory_space<hbm>> -> memref<128xf32, #tpu.memory_space<hbm>>
        %dma_start3A_213 = tpu.memref_slice %arg10[%add3A_175] : memref<2621440xf32, #tpu.memory_space<hbm>> -> memref<128xf32, #tpu.memory_space<hbm>>
        tpu.enqueue_dma source(%arg20 : memref<128xf32, #tpu.memory_space<vmem>>) target(%dma_start3A_213 : memref<128xf32, #tpu.memory_space<hbm>>) target_semaphore(%run_scoped3A : memref<!tpu.dma_semaphore, #tpu.memory_space<semaphore_mem>>)
        %dma_wait3A_214 = tpu.memref_slice %arg10[%add3A_175] : memref<2621440xf32, #tpu.memory_space<hbm>> -> memref<128xf32, #tpu.memory_space<hbm>>
        %dma_wait3A_215 = tpu.memref_slice %arg10[%add3A_175] : memref<2621440xf32, #tpu.memory_space<hbm>> -> memref<128xf32, #tpu.memory_space<hbm>>
        tpu.wait_dma2 semaphore(%run_scoped3A : memref<!tpu.dma_semaphore, #tpu.memory_space<semaphore_mem>>) src(%arg20 : memref<128xf32, #tpu.memory_space<vmem>>) dst(%dma_wait3A_215 : memref<128xf32, #tpu.memory_space<hbm>>)
        tpu.yield
      }) : () -> ()
      %add3A_176 = arith.constant 2048 : i32
      %add3A_177 = arith.addi %add3A_175, %add3A_176 : i32
      "tpu.region"() ({
        %run_scoped3A = tpu.sem_alloc : memref<!tpu.dma_semaphore, #tpu.memory_space<semaphore_mem>>
        %dma_start3A_212 = tpu.memref_slice %arg10[%add3A_177] : memref<2621440xf32, #tpu.memory_space<hbm>> -> memref<128xf32, #tpu.memory_space<hbm>>
        %dma_start3A_213 = tpu.memref_slice %arg10[%add3A_177] : memref<2621440xf32, #tpu.memory_space<hbm>> -> memref<128xf32, #tpu.memory_space<hbm>>
        tpu.enqueue_dma source(%arg21 : memref<128xf32, #tpu.memory_space<vmem>>) target(%dma_start3A_213 : memref<128xf32, #tpu.memory_space<hbm>>) target_semaphore(%run_scoped3A : memref<!tpu.dma_semaphore, #tpu.memory_space<semaphore_mem>>)
        %dma_wait3A_214 = tpu.memref_slice %arg10[%add3A_177] : memref<2621440xf32, #tpu.memory_space<hbm>> -> memref<128xf32, #tpu.memory_space<hbm>>
        %dma_wait3A_215 = tpu.memref_slice %arg10[%add3A_177] : memref<2621440xf32, #tpu.memory_space<hbm>> -> memref<128xf32, #tpu.memory_space<hbm>>
        tpu.wait_dma2 semaphore(%run_scoped3A : memref<!tpu.dma_semaphore, #tpu.memory_space<semaphore_mem>>) src(%arg21 : memref<128xf32, #tpu.memory_space<vmem>>) dst(%dma_wait3A_215 : memref<128xf32, #tpu.memory_space<hbm>>)
        tpu.yield
      }) : () -> ()
      %add3A_178 = arith.constant 4096 : i32
      %add3A_179 = arith.addi %add3A_175, %add3A_178 : i32
      "tpu.region"() ({
        %run_scoped3A = tpu.sem_alloc : memref<!tpu.dma_semaphore, #tpu.memory_space<semaphore_mem>>
        %dma_start3A_212 = tpu.memref_slice %arg10[%add3A_179] : memref<2621440xf32, #tpu.memory_space<hbm>> -> memref<128xf32, #tpu.memory_space<hbm>>
        %dma_start3A_213 = tpu.memref_slice %arg10[%add3A_179] : memref<2621440xf32, #tpu.memory_space<hbm>> -> memref<128xf32, #tpu.memory_space<hbm>>
        tpu.enqueue_dma source(%arg22 : memref<128xf32, #tpu.memory_space<vmem>>) target(%dma_start3A_213 : memref<128xf32, #tpu.memory_space<hbm>>) target_semaphore(%run_scoped3A : memref<!tpu.dma_semaphore, #tpu.memory_space<semaphore_mem>>)
        %dma_wait3A_214 = tpu.memref_slice %arg10[%add3A_179] : memref<2621440xf32, #tpu.memory_space<hbm>> -> memref<128xf32, #tpu.memory_space<hbm>>
        %dma_wait3A_215 = tpu.memref_slice %arg10[%add3A_179] : memref<2621440xf32, #tpu.memory_space<hbm>> -> memref<128xf32, #tpu.memory_space<hbm>>
        tpu.wait_dma2 semaphore(%run_scoped3A : memref<!tpu.dma_semaphore, #tpu.memory_space<semaphore_mem>>) src(%arg22 : memref<128xf32, #tpu.memory_space<vmem>>) dst(%dma_wait3A_215 : memref<128xf32, #tpu.memory_space<hbm>>)
        tpu.yield
      }) : () -> ()
      %add3A_180 = arith.constant 1 : i32
      %add3A_181 = arith.addi %add3A_29, %add3A_180 : i32
      %dma_wait3A_182 = arith.constant 0 : i32
      %dma_wait3A_183 = tpu.memref_slice %arg11[%add3A_181, %dma_wait3A_182] : memref<80x128xi32, #tpu.memory_space<vmem>> -> memref<1x128xi32, #tpu.memory_space<vmem>>
      %dma_wait3A_184 = tpu.memref_squeeze %dma_wait3A_183 : memref<1x128xi32, #tpu.memory_space<vmem>> -> memref<128xi32, #tpu.memory_space<vmem>>
      %dma_wait3A_185 = arith.constant 0 : i32
      %dma_wait3A_186 = arith.constant 0 : i32
      %dma_wait3A_187 = tpu.memref_slice %arg2[%dma_wait3A_185, %dma_wait3A_186] : memref<10240x128xf32, #tpu.memory_space<hbm>> -> memref<10240x128xf32, #tpu.memory_space<hbm>>
      tpu.wait_indirect_dma semaphore(%arg26 : memref<!tpu.dma_semaphore, #tpu.memory_space<semaphore_mem>>) src(%dma_wait3A_187 : memref<10240x128xf32, #tpu.memory_space<hbm>>) dst(%arg14 : memref<128x128xf32, #tpu.memory_space<vmem>>)
      %dma_wait3A_188 = arith.constant 0 : i32
      %dma_wait3A_189 = tpu.memref_slice %arg12[%add3A_181, %dma_wait3A_188] : memref<80x128xi32, #tpu.memory_space<vmem>> -> memref<1x128xi32, #tpu.memory_space<vmem>>
      %dma_wait3A_190 = tpu.memref_squeeze %dma_wait3A_189 : memref<1x128xi32, #tpu.memory_space<vmem>> -> memref<128xi32, #tpu.memory_space<vmem>>
      %dma_wait3A_191 = arith.constant 0 : i32
      %dma_wait3A_192 = arith.constant 0 : i32
      %dma_wait3A_193 = tpu.memref_slice %arg3[%dma_wait3A_191, %dma_wait3A_192] : memref<10240x128xf32, #tpu.memory_space<hbm>> -> memref<10240x128xf32, #tpu.memory_space<hbm>>
      tpu.wait_indirect_dma semaphore(%arg28 : memref<!tpu.dma_semaphore, #tpu.memory_space<semaphore_mem>>) src(%dma_wait3A_193 : memref<10240x128xf32, #tpu.memory_space<hbm>>) dst(%arg16 : memref<128x128xf32, #tpu.memory_space<vmem>>)
      %mul3A_194 = arith.constant 64 : i32
      %mul3A_195 = arith.muli %arg1, %mul3A_194 : i32
      "tpu.region"() ({
        %run_scoped3A = tpu.sem_alloc : memref<!tpu.dma_semaphore, #tpu.memory_space<semaphore_mem>>
        %dma_start3A_212 = arith.constant 0 : i32
        %dma_start3A_213 = arith.constant 0 : i32
        %dma_start3A_214 = tpu.memref_slice %arg14[%dma_start3A_212, %dma_start3A_213] : memref<128x128xf32, #tpu.memory_space<vmem>> -> memref<64x128xf32, #tpu.memory_space<vmem>>
        %dma_start3A_215 = arith.constant 0 : i32
        %dma_start3A_216 = tpu.memref_slice %arg24[%mul3A_195, %dma_start3A_215] : memref<1024x128xf32, #tpu.memory_space<vmem_shared>> -> memref<64x128xf32, #tpu.memory_space<vmem_shared>>
        %dma_start3A_217 = arith.constant 0 : i32
        %dma_start3A_218 = tpu.memref_slice %arg24[%mul3A_195, %dma_start3A_217] : memref<1024x128xf32, #tpu.memory_space<vmem_shared>> -> memref<64x128xf32, #tpu.memory_space<vmem_shared>>
        %dma_start3A_219 = arith.constant 0 : i32
        %dma_start3A_220 = arith.constant 0 : i32
        %dma_start3A_221 = tpu.memref_slice %arg14[%dma_start3A_219, %dma_start3A_220] : memref<128x128xf32, #tpu.memory_space<vmem>> -> memref<64x128xf32, #tpu.memory_space<vmem>>
        tpu.enqueue_dma source(%dma_start3A_221 : memref<64x128xf32, #tpu.memory_space<vmem>>) target(%dma_start3A_218 : memref<64x128xf32, #tpu.memory_space<vmem_shared>>) target_semaphore(%run_scoped3A : memref<!tpu.dma_semaphore, #tpu.memory_space<semaphore_mem>>)
        %dma_wait3A_222 = arith.constant 0 : i32
        %dma_wait3A_223 = arith.constant 0 : i32
        %dma_wait3A_224 = tpu.memref_slice %arg14[%dma_wait3A_222, %dma_wait3A_223] : memref<128x128xf32, #tpu.memory_space<vmem>> -> memref<64x128xf32, #tpu.memory_space<vmem>>
        %dma_wait3A_225 = arith.constant 0 : i32
        %dma_wait3A_226 = tpu.memref_slice %arg24[%mul3A_195, %dma_wait3A_225] : memref<1024x128xf32, #tpu.memory_space<vmem_shared>> -> memref<64x128xf32, #tpu.memory_space<vmem_shared>>
        %dma_wait3A_227 = arith.constant 0 : i32
        %dma_wait3A_228 = tpu.memref_slice %arg24[%mul3A_195, %dma_wait3A_227] : memref<1024x128xf32, #tpu.memory_space<vmem_shared>> -> memref<64x128xf32, #tpu.memory_space<vmem_shared>>
        %dma_wait3A_229 = arith.constant 0 : i32
        %dma_wait3A_230 = arith.constant 0 : i32
        %dma_wait3A_231 = tpu.memref_slice %arg14[%dma_wait3A_229, %dma_wait3A_230] : memref<128x128xf32, #tpu.memory_space<vmem>> -> memref<64x128xf32, #tpu.memory_space<vmem>>
        tpu.wait_dma2 semaphore(%run_scoped3A : memref<!tpu.dma_semaphore, #tpu.memory_space<semaphore_mem>>) src(%dma_wait3A_231 : memref<64x128xf32, #tpu.memory_space<vmem>>) dst(%dma_wait3A_228 : memref<64x128xf32, #tpu.memory_space<vmem_shared>>)
        tpu.yield
      }) : () -> ()
      "tpu.region"() ({
        %run_scoped3A = tpu.sem_alloc : memref<!tpu.dma_semaphore, #tpu.memory_space<semaphore_mem>>
        %dma_start3A_212 = arith.constant 0 : i32
        %dma_start3A_213 = arith.constant 0 : i32
        %dma_start3A_214 = tpu.memref_slice %arg16[%dma_start3A_212, %dma_start3A_213] : memref<128x128xf32, #tpu.memory_space<vmem>> -> memref<64x128xf32, #tpu.memory_space<vmem>>
        %dma_start3A_215 = arith.constant 0 : i32
        %dma_start3A_216 = arith.constant 0 : i32
        %dma_start3A_217 = tpu.memref_slice %arg24[%dma_start3A_215, %dma_start3A_216] : memref<1024x128xf32, #tpu.memory_space<vmem_shared>> -> memref<1024x128xf32, #tpu.memory_space<vmem_shared>>
        tpu.enqueue_indirect_dma source(%dma_start3A_214 : memref<64x128xf32, #tpu.memory_space<vmem>>) target(%dma_start3A_217 : memref<1024x128xf32, #tpu.memory_space<vmem_shared>>) offsets(%arg23 : memref<64xi32, #tpu.memory_space<vmem>>) semaphore(%run_scoped3A : memref<!tpu.dma_semaphore, #tpu.memory_space<semaphore_mem>>) {add = true}
        %dma_wait3A_218 = arith.constant 0 : i32
        %dma_wait3A_219 = arith.constant 0 : i32
        %dma_wait3A_220 = tpu.memref_slice %arg16[%dma_wait3A_218, %dma_wait3A_219] : memref<128x128xf32, #tpu.memory_space<vmem>> -> memref<64x128xf32, #tpu.memory_space<vmem>>
        %dma_wait3A_221 = arith.constant 0 : i32
        %dma_wait3A_222 = arith.constant 0 : i32
        %dma_wait3A_223 = tpu.memref_slice %arg24[%dma_wait3A_221, %dma_wait3A_222] : memref<1024x128xf32, #tpu.memory_space<vmem_shared>> -> memref<1024x128xf32, #tpu.memory_space<vmem_shared>>
        tpu.wait_indirect_dma semaphore(%run_scoped3A : memref<!tpu.dma_semaphore, #tpu.memory_space<semaphore_mem>>) src(%dma_wait3A_220 : memref<64x128xf32, #tpu.memory_space<vmem>>) dst(%dma_wait3A_223 : memref<1024x128xf32, #tpu.memory_space<vmem_shared>>)
        tpu.yield
      }) : () -> ()
      %mul3A_196 = arith.constant 64 : i32
      %mul3A_197 = arith.muli %arg1, %mul3A_196 : i32
      %mul3A_198 = arith.constant 128 : i32
      %mul3A_199 = arith.muli %add3A_181, %mul3A_198 : i32
      %add3A_200 = arith.addi %mul3A_6, %mul3A_199 : i32
      %add3A_201 = arith.constant 0 : i32
      %add3A_202 = arith.addi %add3A_200, %add3A_201 : i32
      "tpu.region"() ({
        %run_scoped3A = tpu.sem_alloc : memref<!tpu.dma_semaphore, #tpu.memory_space<semaphore_mem>>
        %dma_start3A_212 = arith.constant 0 : i32
        %dma_start3A_213 = tpu.memref_slice %arg9[%add3A_202, %dma_start3A_212] : memref<327680x128xf32, #tpu.memory_space<hbm>> -> memref<64x128xf32, #tpu.memory_space<hbm>>
        %dma_start3A_214 = arith.constant 0 : i32
        %dma_start3A_215 = tpu.memref_slice %arg24[%mul3A_197, %dma_start3A_214] : memref<1024x128xf32, #tpu.memory_space<vmem_shared>> -> memref<64x128xf32, #tpu.memory_space<vmem_shared>>
        tpu.enqueue_dma source(%dma_start3A_215 : memref<64x128xf32, #tpu.memory_space<vmem_shared>>) target(%dma_start3A_213 : memref<64x128xf32, #tpu.memory_space<hbm>>) target_semaphore(%run_scoped3A : memref<!tpu.dma_semaphore, #tpu.memory_space<semaphore_mem>>)
        %dma_wait3A_216 = arith.constant 0 : i32
        %dma_wait3A_217 = tpu.memref_slice %arg9[%add3A_202, %dma_wait3A_216] : memref<327680x128xf32, #tpu.memory_space<hbm>> -> memref<64x128xf32, #tpu.memory_space<hbm>>
        %dma_wait3A_218 = arith.constant 0 : i32
        %dma_wait3A_219 = tpu.memref_slice %arg24[%mul3A_197, %dma_wait3A_218] : memref<1024x128xf32, #tpu.memory_space<vmem_shared>> -> memref<64x128xf32, #tpu.memory_space<vmem_shared>>
        tpu.wait_dma2 semaphore(%run_scoped3A : memref<!tpu.dma_semaphore, #tpu.memory_space<semaphore_mem>>) src(%dma_wait3A_219 : memref<64x128xf32, #tpu.memory_space<vmem_shared>>) dst(%dma_wait3A_217 : memref<64x128xf32, #tpu.memory_space<hbm>>)
        tpu.yield
      }) : () -> ()
      %mul3A_203 = arith.constant 64 : i32
      %mul3A_204 = arith.muli %arg1, %mul3A_203 : i32
      "tpu.region"() ({
        %run_scoped3A = tpu.sem_alloc : memref<!tpu.dma_semaphore, #tpu.memory_space<semaphore_mem>>
        %dma_start3A_212 = arith.constant 64 : i32
        %dma_start3A_213 = arith.constant 0 : i32
        %dma_start3A_214 = tpu.memref_slice %arg14[%dma_start3A_212, %dma_start3A_213] : memref<128x128xf32, #tpu.memory_space<vmem>> -> memref<64x128xf32, #tpu.memory_space<vmem>>
        %dma_start3A_215 = arith.constant 0 : i32
        %dma_start3A_216 = tpu.memref_slice %arg24[%mul3A_204, %dma_start3A_215] : memref<1024x128xf32, #tpu.memory_space<vmem_shared>> -> memref<64x128xf32, #tpu.memory_space<vmem_shared>>
        %dma_start3A_217 = arith.constant 0 : i32
        %dma_start3A_218 = tpu.memref_slice %arg24[%mul3A_204, %dma_start3A_217] : memref<1024x128xf32, #tpu.memory_space<vmem_shared>> -> memref<64x128xf32, #tpu.memory_space<vmem_shared>>
        %dma_start3A_219 = arith.constant 64 : i32
        %dma_start3A_220 = arith.constant 0 : i32
        %dma_start3A_221 = tpu.memref_slice %arg14[%dma_start3A_219, %dma_start3A_220] : memref<128x128xf32, #tpu.memory_space<vmem>> -> memref<64x128xf32, #tpu.memory_space<vmem>>
        tpu.enqueue_dma source(%dma_start3A_221 : memref<64x128xf32, #tpu.memory_space<vmem>>) target(%dma_start3A_218 : memref<64x128xf32, #tpu.memory_space<vmem_shared>>) target_semaphore(%run_scoped3A : memref<!tpu.dma_semaphore, #tpu.memory_space<semaphore_mem>>)
        %dma_wait3A_222 = arith.constant 64 : i32
        %dma_wait3A_223 = arith.constant 0 : i32
        %dma_wait3A_224 = tpu.memref_slice %arg14[%dma_wait3A_222, %dma_wait3A_223] : memref<128x128xf32, #tpu.memory_space<vmem>> -> memref<64x128xf32, #tpu.memory_space<vmem>>
        %dma_wait3A_225 = arith.constant 0 : i32
        %dma_wait3A_226 = tpu.memref_slice %arg24[%mul3A_204, %dma_wait3A_225] : memref<1024x128xf32, #tpu.memory_space<vmem_shared>> -> memref<64x128xf32, #tpu.memory_space<vmem_shared>>
        %dma_wait3A_227 = arith.constant 0 : i32
        %dma_wait3A_228 = tpu.memref_slice %arg24[%mul3A_204, %dma_wait3A_227] : memref<1024x128xf32, #tpu.memory_space<vmem_shared>> -> memref<64x128xf32, #tpu.memory_space<vmem_shared>>
        %dma_wait3A_229 = arith.constant 64 : i32
        %dma_wait3A_230 = arith.constant 0 : i32
        %dma_wait3A_231 = tpu.memref_slice %arg14[%dma_wait3A_229, %dma_wait3A_230] : memref<128x128xf32, #tpu.memory_space<vmem>> -> memref<64x128xf32, #tpu.memory_space<vmem>>
        tpu.wait_dma2 semaphore(%run_scoped3A : memref<!tpu.dma_semaphore, #tpu.memory_space<semaphore_mem>>) src(%dma_wait3A_231 : memref<64x128xf32, #tpu.memory_space<vmem>>) dst(%dma_wait3A_228 : memref<64x128xf32, #tpu.memory_space<vmem_shared>>)
        tpu.yield
      }) : () -> ()
      "tpu.region"() ({
        %run_scoped3A = tpu.sem_alloc : memref<!tpu.dma_semaphore, #tpu.memory_space<semaphore_mem>>
        %dma_start3A_212 = arith.constant 64 : i32
        %dma_start3A_213 = arith.constant 0 : i32
        %dma_start3A_214 = tpu.memref_slice %arg16[%dma_start3A_212, %dma_start3A_213] : memref<128x128xf32, #tpu.memory_space<vmem>> -> memref<64x128xf32, #tpu.memory_space<vmem>>
        %dma_start3A_215 = arith.constant 0 : i32
        %dma_start3A_216 = arith.constant 0 : i32
        %dma_start3A_217 = tpu.memref_slice %arg24[%dma_start3A_215, %dma_start3A_216] : memref<1024x128xf32, #tpu.memory_space<vmem_shared>> -> memref<1024x128xf32, #tpu.memory_space<vmem_shared>>
        tpu.enqueue_indirect_dma source(%dma_start3A_214 : memref<64x128xf32, #tpu.memory_space<vmem>>) target(%dma_start3A_217 : memref<1024x128xf32, #tpu.memory_space<vmem_shared>>) offsets(%arg23 : memref<64xi32, #tpu.memory_space<vmem>>) semaphore(%run_scoped3A : memref<!tpu.dma_semaphore, #tpu.memory_space<semaphore_mem>>) {add = true}
        %dma_wait3A_218 = arith.constant 64 : i32
        %dma_wait3A_219 = arith.constant 0 : i32
        %dma_wait3A_220 = tpu.memref_slice %arg16[%dma_wait3A_218, %dma_wait3A_219] : memref<128x128xf32, #tpu.memory_space<vmem>> -> memref<64x128xf32, #tpu.memory_space<vmem>>
        %dma_wait3A_221 = arith.constant 0 : i32
        %dma_wait3A_222 = arith.constant 0 : i32
        %dma_wait3A_223 = tpu.memref_slice %arg24[%dma_wait3A_221, %dma_wait3A_222] : memref<1024x128xf32, #tpu.memory_space<vmem_shared>> -> memref<1024x128xf32, #tpu.memory_space<vmem_shared>>
        tpu.wait_indirect_dma semaphore(%run_scoped3A : memref<!tpu.dma_semaphore, #tpu.memory_space<semaphore_mem>>) src(%dma_wait3A_220 : memref<64x128xf32, #tpu.memory_space<vmem>>) dst(%dma_wait3A_223 : memref<1024x128xf32, #tpu.memory_space<vmem_shared>>)
        tpu.yield
      }) : () -> ()
      %mul3A_205 = arith.constant 64 : i32
      %mul3A_206 = arith.muli %arg1, %mul3A_205 : i32
      %mul3A_207 = arith.constant 128 : i32
      %mul3A_208 = arith.muli %add3A_181, %mul3A_207 : i32
      %add3A_209 = arith.addi %mul3A_6, %mul3A_208 : i32
      %add3A_210 = arith.constant 64 : i32
      %add3A_211 = arith.addi %add3A_209, %add3A_210 : i32
      "tpu.region"() ({
        %run_scoped3A = tpu.sem_alloc : memref<!tpu.dma_semaphore, #tpu.memory_space<semaphore_mem>>
        %dma_start3A_212 = arith.constant 0 : i32
        %dma_start3A_213 = tpu.memref_slice %arg9[%add3A_211, %dma_start3A_212] : memref<327680x128xf32, #tpu.memory_space<hbm>> -> memref<64x128xf32, #tpu.memory_space<hbm>>
        %dma_start3A_214 = arith.constant 0 : i32
        %dma_start3A_215 = tpu.memref_slice %arg24[%mul3A_206, %dma_start3A_214] : memref<1024x128xf32, #tpu.memory_space<vmem_shared>> -> memref<64x128xf32, #tpu.memory_space<vmem_shared>>
        tpu.enqueue_dma source(%dma_start3A_215 : memref<64x128xf32, #tpu.memory_space<vmem_shared>>) target(%dma_start3A_213 : memref<64x128xf32, #tpu.memory_space<hbm>>) target_semaphore(%run_scoped3A : memref<!tpu.dma_semaphore, #tpu.memory_space<semaphore_mem>>)
        %dma_wait3A_216 = arith.constant 0 : i32
        %dma_wait3A_217 = tpu.memref_slice %arg9[%add3A_211, %dma_wait3A_216] : memref<327680x128xf32, #tpu.memory_space<hbm>> -> memref<64x128xf32, #tpu.memory_space<hbm>>
        %dma_wait3A_218 = arith.constant 0 : i32
        %dma_wait3A_219 = tpu.memref_slice %arg24[%mul3A_206, %dma_wait3A_218] : memref<1024x128xf32, #tpu.memory_space<vmem_shared>> -> memref<64x128xf32, #tpu.memory_space<vmem_shared>>
        tpu.wait_dma2 semaphore(%run_scoped3A : memref<!tpu.dma_semaphore, #tpu.memory_space<semaphore_mem>>) src(%dma_wait3A_219 : memref<64x128xf32, #tpu.memory_space<vmem_shared>>) dst(%dma_wait3A_217 : memref<64x128xf32, #tpu.memory_space<hbm>>)
        tpu.yield
      }) : () -> ()
    }
    %scan3A_24 = arith.constant 40 : i32
    return
  }
}

#map = affine_map<(d0, d1) -> (0, 0)>
#map1 = affine_map<(d0, d1) -> (0, 0, 0)>
#map2 = affine_map<(d0, d1) -> (0)>
module attributes {stable_mosaic.version = 14 : i64} {
  func.func @sc_gather2(%arg0: i32, %arg1: i32, %arg2: memref<10240x128xf32, #tpu.memory_space<hbm>>, %arg3: memref<10240x128xf32, #tpu.memory_space<hbm>>, %arg4: memref<32x80x128xi32, #tpu.memory_space<hbm>>, %arg5: memref<32x80x128xi32, #tpu.memory_space<hbm>>, %arg6: memref<10240xf32, #tpu.memory_space<hbm>>, %arg7: memref<10240xf32, #tpu.memory_space<hbm>>, %arg8: memref<10240xf32, #tpu.memory_space<hbm>>, %arg9: memref<327680x128xf32, #tpu.memory_space<hbm>>, %arg10: memref<2621440xf32, #tpu.memory_space<hbm>>, %arg11: memref<80x128xi32, #tpu.memory_space<vmem>>, %arg12: memref<80x128xi32, #tpu.memory_space<vmem>>, %arg13: memref<128x128xf32, #tpu.memory_space<vmem>>, %arg14: memref<128x128xf32, #tpu.memory_space<vmem>>, %arg15: memref<128x128xf32, #tpu.memory_space<vmem>>, %arg16: memref<128x128xf32, #tpu.memory_space<vmem>>, %arg17: memref<10240xf32, #tpu.memory_space<vmem>>, %arg18: memref<10240xf32, #tpu.memory_space<vmem>>, %arg19: memref<10240xf32, #tpu.memory_space<vmem>>, %arg20: memref<128xf32, #tpu.memory_space<vmem>>, %arg21: memref<128xf32, #tpu.memory_space<vmem>>, %arg22: memref<128xf32, #tpu.memory_space<vmem>>, %arg23: memref<64xi32, #tpu.memory_space<vmem>>, %arg24: memref<1024x128xf32, #tpu.memory_space<vmem_shared>>, %arg25: memref<!tpu.dma_semaphore, #tpu.memory_space<semaphore_mem>>, %arg26: memref<!tpu.dma_semaphore, #tpu.memory_space<semaphore_mem>>, %arg27: memref<!tpu.dma_semaphore, #tpu.memory_space<semaphore_mem>>, %arg28: memref<!tpu.dma_semaphore, #tpu.memory_space<semaphore_mem>>) attributes {dimension_semantics = [#tpu.dimension_semantics<core_parallel>, #tpu.dimension_semantics<subcore_parallel>], iteration_bounds = array<i64: 2, 16>, scalar_prefetch = 0 : i64, scratch_operands = 18 : i64, tpu.core_type = #tpu.core_type<sc_vector_subcore>, window_params = [{transform_indices = #map}, {transform_indices = #map}, {transform_indices = #map1}, {transform_indices = #map1}, {transform_indices = #map2}, {transform_indices = #map2}, {transform_indices = #map2}, {transform_indices = #map}, {transform_indices = #map2}]} {
    %mul3A = arith.constant 2 : i32
    %mul3A_0 = arith.muli %arg1, %mul3A : i32
    %add3A = arith.addi %mul3A_0, %arg0 : i32
    "tpu.region"() ({
      %run_scoped3A = tpu.sem_alloc : memref<!tpu.dma_semaphore, #tpu.memory_space<semaphore_mem>>
      %dma_start3A_25 = arith.constant 0 : i32
      %dma_start3A_26 = arith.constant 0 : i32
      %dma_start3A_27 = tpu.memref_slice %arg4[%add3A, %dma_start3A_25, %dma_start3A_26] : memref<32x80x128xi32, #tpu.memory_space<hbm>> -> memref<1x80x128xi32, #tpu.memory_space<hbm>>
      %dma_start3A_28 = tpu.memref_squeeze %dma_start3A_27 : memref<1x80x128xi32, #tpu.memory_space<hbm>> -> memref<80x128xi32, #tpu.memory_space<hbm>>
      %dma_start3A_29 = arith.constant 0 : i32
      %dma_start3A_30 = arith.constant 0 : i32
      %dma_start3A_31 = tpu.memref_slice %arg4[%add3A, %dma_start3A_29, %dma_start3A_30] : memref<32x80x128xi32, #tpu.memory_space<hbm>> -> memref<1x80x128xi32, #tpu.memory_space<hbm>>
      %dma_start3A_32 = tpu.memref_squeeze %dma_start3A_31 : memref<1x80x128xi32, #tpu.memory_space<hbm>> -> memref<80x128xi32, #tpu.memory_space<hbm>>
      tpu.enqueue_dma source(%dma_start3A_32 : memref<80x128xi32, #tpu.memory_space<hbm>>) target(%arg11 : memref<80x128xi32, #tpu.memory_space<vmem>>) target_semaphore(%run_scoped3A : memref<!tpu.dma_semaphore, #tpu.memory_space<semaphore_mem>>)
      %dma_wait3A = arith.constant 0 : i32
      %dma_wait3A_33 = arith.constant 0 : i32
      %dma_wait3A_34 = tpu.memref_slice %arg4[%add3A, %dma_wait3A, %dma_wait3A_33] : memref<32x80x128xi32, #tpu.memory_space<hbm>> -> memref<1x80x128xi32, #tpu.memory_space<hbm>>
      %dma_wait3A_35 = tpu.memref_squeeze %dma_wait3A_34 : memref<1x80x128xi32, #tpu.memory_space<hbm>> -> memref<80x128xi32, #tpu.memory_space<hbm>>
      %dma_wait3A_36 = arith.constant 0 : i32
      %dma_wait3A_37 = arith.constant 0 : i32
      %dma_wait3A_38 = tpu.memref_slice %arg4[%add3A, %dma_wait3A_36, %dma_wait3A_37] : memref<32x80x128xi32, #tpu.memory_space<hbm>> -> memref<1x80x128xi32, #tpu.memory_space<hbm>>
      %dma_wait3A_39 = tpu.memref_squeeze %dma_wait3A_38 : memref<1x80x128xi32, #tpu.memory_space<hbm>> -> memref<80x128xi32, #tpu.memory_space<hbm>>
      tpu.wait_dma2 semaphore(%run_scoped3A : memref<!tpu.dma_semaphore, #tpu.memory_space<semaphore_mem>>) src(%dma_wait3A_39 : memref<80x128xi32, #tpu.memory_space<hbm>>) dst(%arg11 : memref<80x128xi32, #tpu.memory_space<vmem>>)
      tpu.yield
    }) : () -> ()
    "tpu.region"() ({
      %run_scoped3A = tpu.sem_alloc : memref<!tpu.dma_semaphore, #tpu.memory_space<semaphore_mem>>
      %dma_start3A_25 = arith.constant 0 : i32
      %dma_start3A_26 = arith.constant 0 : i32
      %dma_start3A_27 = tpu.memref_slice %arg5[%add3A, %dma_start3A_25, %dma_start3A_26] : memref<32x80x128xi32, #tpu.memory_space<hbm>> -> memref<1x80x128xi32, #tpu.memory_space<hbm>>
      %dma_start3A_28 = tpu.memref_squeeze %dma_start3A_27 : memref<1x80x128xi32, #tpu.memory_space<hbm>> -> memref<80x128xi32, #tpu.memory_space<hbm>>
      %dma_start3A_29 = arith.constant 0 : i32
      %dma_start3A_30 = arith.constant 0 : i32
      %dma_start3A_31 = tpu.memref_slice %arg5[%add3A, %dma_start3A_29, %dma_start3A_30] : memref<32x80x128xi32, #tpu.memory_space<hbm>> -> memref<1x80x128xi32, #tpu.memory_space<hbm>>
      %dma_start3A_32 = tpu.memref_squeeze %dma_start3A_31 : memref<1x80x128xi32, #tpu.memory_space<hbm>> -> memref<80x128xi32, #tpu.memory_space<hbm>>
      tpu.enqueue_dma source(%dma_start3A_32 : memref<80x128xi32, #tpu.memory_space<hbm>>) target(%arg12 : memref<80x128xi32, #tpu.memory_space<vmem>>) target_semaphore(%run_scoped3A : memref<!tpu.dma_semaphore, #tpu.memory_space<semaphore_mem>>)
      %dma_wait3A = arith.constant 0 : i32
      %dma_wait3A_33 = arith.constant 0 : i32
      %dma_wait3A_34 = tpu.memref_slice %arg5[%add3A, %dma_wait3A, %dma_wait3A_33] : memref<32x80x128xi32, #tpu.memory_space<hbm>> -> memref<1x80x128xi32, #tpu.memory_space<hbm>>
      %dma_wait3A_35 = tpu.memref_squeeze %dma_wait3A_34 : memref<1x80x128xi32, #tpu.memory_space<hbm>> -> memref<80x128xi32, #tpu.memory_space<hbm>>
      %dma_wait3A_36 = arith.constant 0 : i32
      %dma_wait3A_37 = arith.constant 0 : i32
      %dma_wait3A_38 = tpu.memref_slice %arg5[%add3A, %dma_wait3A_36, %dma_wait3A_37] : memref<32x80x128xi32, #tpu.memory_space<hbm>> -> memref<1x80x128xi32, #tpu.memory_space<hbm>>
      %dma_wait3A_39 = tpu.memref_squeeze %dma_wait3A_38 : memref<1x80x128xi32, #tpu.memory_space<hbm>> -> memref<80x128xi32, #tpu.memory_space<hbm>>
      tpu.wait_dma2 semaphore(%run_scoped3A : memref<!tpu.dma_semaphore, #tpu.memory_space<semaphore_mem>>) src(%dma_wait3A_39 : memref<80x128xi32, #tpu.memory_space<hbm>>) dst(%arg12 : memref<80x128xi32, #tpu.memory_space<vmem>>)
      tpu.yield
    }) : () -> ()
    "tpu.region"() ({
      %run_scoped3A = tpu.sem_alloc : memref<!tpu.dma_semaphore, #tpu.memory_space<semaphore_mem>>
      tpu.enqueue_dma source(%arg6 : memref<10240xf32, #tpu.memory_space<hbm>>) target(%arg17 : memref<10240xf32, #tpu.memory_space<vmem>>) target_semaphore(%run_scoped3A : memref<!tpu.dma_semaphore, #tpu.memory_space<semaphore_mem>>)
      tpu.wait_dma2 semaphore(%run_scoped3A : memref<!tpu.dma_semaphore, #tpu.memory_space<semaphore_mem>>) src(%arg6 : memref<10240xf32, #tpu.memory_space<hbm>>) dst(%arg17 : memref<10240xf32, #tpu.memory_space<vmem>>)
      tpu.yield
    }) : () -> ()
    "tpu.region"() ({
      %run_scoped3A = tpu.sem_alloc : memref<!tpu.dma_semaphore, #tpu.memory_space<semaphore_mem>>
      tpu.enqueue_dma source(%arg7 : memref<10240xf32, #tpu.memory_space<hbm>>) target(%arg18 : memref<10240xf32, #tpu.memory_space<vmem>>) target_semaphore(%run_scoped3A : memref<!tpu.dma_semaphore, #tpu.memory_space<semaphore_mem>>)
      tpu.wait_dma2 semaphore(%run_scoped3A : memref<!tpu.dma_semaphore, #tpu.memory_space<semaphore_mem>>) src(%arg7 : memref<10240xf32, #tpu.memory_space<hbm>>) dst(%arg18 : memref<10240xf32, #tpu.memory_space<vmem>>)
      tpu.yield
    }) : () -> ()
    "tpu.region"() ({
      %run_scoped3A = tpu.sem_alloc : memref<!tpu.dma_semaphore, #tpu.memory_space<semaphore_mem>>
      tpu.enqueue_dma source(%arg8 : memref<10240xf32, #tpu.memory_space<hbm>>) target(%arg19 : memref<10240xf32, #tpu.memory_space<vmem>>) target_semaphore(%run_scoped3A : memref<!tpu.dma_semaphore, #tpu.memory_space<semaphore_mem>>)
      tpu.wait_dma2 semaphore(%run_scoped3A : memref<!tpu.dma_semaphore, #tpu.memory_space<semaphore_mem>>) src(%arg8 : memref<10240xf32, #tpu.memory_space<hbm>>) dst(%arg19 : memref<10240xf32, #tpu.memory_space<vmem>>)
      tpu.yield
    }) : () -> ()
    %scan3A = arith.constant 0 : i32
    %scan3A_1 = arith.constant 4 : i32
    %scan3A_2 = arith.addi %scan3A, %scan3A_1 : i32
    %scan3A_3 = arith.constant 1 : i32
    scf.for %scan3A_25 = %scan3A to %scan3A_2 step %scan3A_3  : i32 {
      %mul3A_26 = arith.constant 1 : i32
      %mul3A_27 = arith.muli %scan3A_25, %mul3A_26 : i32
      %add3A_28 = arith.constant 0 : i32
      %add3A_29 = arith.addi %add3A_28, %mul3A_27 : i32
      %iota3A = tpu.iota {dimensions = array<i32: 0>} : vector<16xi32>
      %mul3A_30 = arith.constant 16 : i32
      %mul3A_31 = arith.muli %add3A_29, %mul3A_30 : i32
      %add3A_32 = vector.broadcast %mul3A_31 : i32 to vector<16xi32>
      %add3A_33 = arith.addi %iota3A, %add3A_32 : vector<16xi32>
      %mul3A_34 = arith.constant 64 : i32
      %mul3A_35 = arith.muli %arg1, %mul3A_34 : i32
      %add3A_36 = vector.broadcast %mul3A_35 : i32 to vector<16xi32>
      %add3A_37 = arith.addi %add3A_33, %add3A_36 : vector<16xi32>
      %mul3A_38 = arith.constant 16 : i32
      %mul3A_39 = arith.muli %add3A_29, %mul3A_38 : i32
      %swap3A = arith.index_cast %mul3A_39 : i32 to index
      %swap3A_40 = tpu.vector_load %arg23[%swap3A] {strides = array<i32>} : memref<64xi32, #tpu.memory_space<vmem>>, vector<16xi32>,
      tpu.vector_store %arg23[%swap3A], %add3A_37 {strides = array<i32>} : memref<64xi32, #tpu.memory_space<vmem>>, vector<16xi32>,
    }
    %scan3A_4 = arith.constant 4 : i32
    %mul3A_5 = arith.constant 10240 : i32
    %mul3A_6 = arith.muli %add3A, %mul3A_5 : i32
    %dma_start3A = arith.constant 0 : i32
    %dma_start3A_7 = arith.constant 0 : i32
    %dma_start3A_8 = tpu.memref_slice %arg11[%dma_start3A, %dma_start3A_7] : memref<80x128xi32, #tpu.memory_space<vmem>> -> memref<1x128xi32, #tpu.memory_space<vmem>>
    %dma_start3A_9 = tpu.memref_squeeze %dma_start3A_8 : memref<1x128xi32, #tpu.memory_space<vmem>> -> memref<128xi32, #tpu.memory_space<vmem>>
    %dma_start3A_10 = arith.constant 0 : i32
    %dma_start3A_11 = arith.constant 0 : i32
    %dma_start3A_12 = tpu.memref_slice %arg2[%dma_start3A_10, %dma_start3A_11] : memref<10240x128xf32, #tpu.memory_space<hbm>> -> memref<10240x128xf32, #tpu.memory_space<hbm>>
    tpu.enqueue_indirect_dma source(%dma_start3A_12 : memref<10240x128xf32, #tpu.memory_space<hbm>>) target(%arg13 : memref<128x128xf32, #tpu.memory_space<vmem>>) offsets(%dma_start3A_9 : memref<128xi32, #tpu.memory_space<vmem>>) semaphore(%arg25 : memref<!tpu.dma_semaphore, #tpu.memory_space<semaphore_mem>>)
    %dma_start3A_13 = arith.constant 0 : i32
    %dma_start3A_14 = arith.constant 0 : i32
    %dma_start3A_15 = tpu.memref_slice %arg12[%dma_start3A_13, %dma_start3A_14] : memref<80x128xi32, #tpu.memory_space<vmem>> -> memref<1x128xi32, #tpu.memory_space<vmem>>
    %dma_start3A_16 = tpu.memref_squeeze %dma_start3A_15 : memref<1x128xi32, #tpu.memory_space<vmem>> -> memref<128xi32, #tpu.memory_space<vmem>>
    %dma_start3A_17 = arith.constant 0 : i32
    %dma_start3A_18 = arith.constant 0 : i32
    %dma_start3A_19 = tpu.memref_slice %arg3[%dma_start3A_17, %dma_start3A_18] : memref<10240x128xf32, #tpu.memory_space<hbm>> -> memref<10240x128xf32, #tpu.memory_space<hbm>>
    tpu.enqueue_indirect_dma source(%dma_start3A_19 : memref<10240x128xf32, #tpu.memory_space<hbm>>) target(%arg15 : memref<128x128xf32, #tpu.memory_space<vmem>>) offsets(%dma_start3A_16 : memref<128xi32, #tpu.memory_space<vmem>>) semaphore(%arg27 : memref<!tpu.dma_semaphore, #tpu.memory_space<semaphore_mem>>)
    %scan3A_20 = arith.constant 0 : i32
    %scan3A_21 = arith.constant 40 : i32
    %scan3A_22 = arith.addi %scan3A_20, %scan3A_21 : i32
    %scan3A_23 = arith.constant 1 : i32
    scf.for %scan3A_25 = %scan3A_20 to %scan3A_22 step %scan3A_23  : i32 {
      %mul3A_26 = arith.constant 2 : i32
      %mul3A_27 = arith.muli %scan3A_25, %mul3A_26 : i32
      %add3A_28 = arith.constant 0 : i32
      %add3A_29 = arith.addi %add3A_28, %mul3A_27 : i32
      %add3A_30 = arith.constant 1 : i32
      %add3A_31 = arith.addi %add3A_29, %add3A_30 : i32
      %dma_start3A_32 = arith.constant 0 : i32
      %dma_start3A_33 = tpu.memref_slice %arg11[%add3A_31, %dma_start3A_32] : memref<80x128xi32, #tpu.memory_space<vmem>> -> memref<1x128xi32, #tpu.memory_space<vmem>>
      %dma_start3A_34 = tpu.memref_squeeze %dma_start3A_33 : memref<1x128xi32, #tpu.memory_space<vmem>> -> memref<128xi32, #tpu.memory_space<vmem>>
      %dma_start3A_35 = arith.constant 0 : i32
      %dma_start3A_36 = arith.constant 0 : i32
      %dma_start3A_37 = tpu.memref_slice %arg2[%dma_start3A_35, %dma_start3A_36] : memref<10240x128xf32, #tpu.memory_space<hbm>> -> memref<10240x128xf32, #tpu.memory_space<hbm>>
      tpu.enqueue_indirect_dma source(%dma_start3A_37 : memref<10240x128xf32, #tpu.memory_space<hbm>>) target(%arg14 : memref<128x128xf32, #tpu.memory_space<vmem>>) offsets(%dma_start3A_34 : memref<128xi32, #tpu.memory_space<vmem>>) semaphore(%arg26 : memref<!tpu.dma_semaphore, #tpu.memory_space<semaphore_mem>>)
      %dma_start3A_38 = arith.constant 0 : i32
      %dma_start3A_39 = tpu.memref_slice %arg12[%add3A_31, %dma_start3A_38] : memref<80x128xi32, #tpu.memory_space<vmem>> -> memref<1x128xi32, #tpu.memory_space<vmem>>
      %dma_start3A_40 = tpu.memref_squeeze %dma_start3A_39 : memref<1x128xi32, #tpu.memory_space<vmem>> -> memref<128xi32, #tpu.memory_space<vmem>>
      %dma_start3A_41 = arith.constant 0 : i32
      %dma_start3A_42 = arith.constant 0 : i32
      %dma_start3A_43 = tpu.memref_slice %arg3[%dma_start3A_41, %dma_start3A_42] : memref<10240x128xf32, #tpu.memory_space<hbm>> -> memref<10240x128xf32, #tpu.memory_space<hbm>>
      tpu.enqueue_indirect_dma source(%dma_start3A_43 : memref<10240x128xf32, #tpu.memory_space<hbm>>) target(%arg16 : memref<128x128xf32, #tpu.memory_space<vmem>>) offsets(%dma_start3A_40 : memref<128xi32, #tpu.memory_space<vmem>>) semaphore(%arg28 : memref<!tpu.dma_semaphore, #tpu.memory_space<semaphore_mem>>)
      %scan3A_44 = arith.constant 0 : i32
      %scan3A_45 = arith.constant 8 : i32
      %scan3A_46 = arith.addi %scan3A_44, %scan3A_45 : i32
      %scan3A_47 = arith.constant 1 : i32
      scf.for %scan3A_212 = %scan3A_44 to %scan3A_46 step %scan3A_47  : i32 {
        %mul3A_213 = arith.constant 1 : i32
        %mul3A_214 = arith.muli %scan3A_212, %mul3A_213 : i32
        %add3A_215 = arith.constant 0 : i32
        %add3A_216 = arith.addi %add3A_215, %mul3A_214 : i32
        %mul3A_217 = arith.constant 16 : i32
        %mul3A_218 = arith.muli %add3A_216, %mul3A_217 : i32
        %get3A = arith.index_cast %add3A_29 : i32 to index
        %get3A_219 = arith.index_cast %mul3A_218 : i32 to index
        %get3A_220 = tpu.vector_load %arg11[%get3A, %get3A_219] {strides = array<i32>} : memref<80x128xi32, #tpu.memory_space<vmem>>, vector<16xi32>,
        %mul3A_221 = arith.constant 16 : i32
        %mul3A_222 = arith.muli %add3A_216, %mul3A_221 : i32
        %get3A_223 = arith.index_cast %add3A_29 : i32 to index
        %get3A_224 = arith.index_cast %mul3A_222 : i32 to index
        %get3A_225 = tpu.vector_load %arg12[%get3A_223, %get3A_224] {strides = array<i32>} : memref<80x128xi32, #tpu.memory_space<vmem>>, vector<16xi32>,
        %gather3A = tpu.vector_load_idx %arg17[%get3A_220] : memref<10240xf32, #tpu.memory_space<vmem>>[vector<16xi32>], vector<16xf32>,
        %gather3A_226 = tpu.vector_load_idx %arg17[%get3A_225] : memref<10240xf32, #tpu.memory_space<vmem>>[vector<16xi32>], vector<16xf32>,
        %gather3A_227 = tpu.vector_load_idx %arg18[%get3A_220] : memref<10240xf32, #tpu.memory_space<vmem>>[vector<16xi32>], vector<16xf32>,
        %gather3A_228 = tpu.vector_load_idx %arg18[%get3A_225] : memref<10240xf32, #tpu.memory_space<vmem>>[vector<16xi32>], vector<16xf32>,
        %sub3A_229 = arith.subf %gather3A, %gather3A_226 : vector<16xf32>
        %sub3A_230 = arith.subf %gather3A_227, %gather3A_228 : vector<16xf32>
        %mul3A_231 = arith.mulf %sub3A_229, %sub3A_229 : vector<16xf32>
        %mul3A_232 = arith.mulf %sub3A_230, %sub3A_230 : vector<16xf32>
        %add3A_233 = arith.addf %mul3A_231, %mul3A_232 : vector<16xf32>
        %mul3A_234 = arith.constant 16 : i32
        %mul3A_235 = arith.muli %add3A_216, %mul3A_234 : i32
        %swap3A = arith.index_cast %mul3A_235 : i32 to index
        %swap3A_236 = tpu.vector_load %arg20[%swap3A] {strides = array<i32>} : memref<128xf32, #tpu.memory_space<vmem>>, vector<16xf32>,
        tpu.vector_store %arg20[%swap3A], %add3A_233 {strides = array<i32>} : memref<128xf32, #tpu.memory_space<vmem>>, vector<16xf32>,
        %gather3A_237 = tpu.vector_load_idx %arg19[%get3A_220] : memref<10240xf32, #tpu.memory_space<vmem>>[vector<16xi32>], vector<16xf32>,
        %mul3A_238 = arith.constant 16 : i32
        %mul3A_239 = arith.muli %add3A_216, %mul3A_238 : i32
        %swap3A_240 = arith.index_cast %mul3A_239 : i32 to index
        %swap3A_241 = tpu.vector_load %arg21[%swap3A_240] {strides = array<i32>} : memref<128xf32, #tpu.memory_space<vmem>>, vector<16xf32>,
        tpu.vector_store %arg21[%swap3A_240], %gather3A_237 {strides = array<i32>} : memref<128xf32, #tpu.memory_space<vmem>>, vector<16xf32>,
        %gather3A_242 = tpu.vector_load_idx %arg19[%get3A_225] : memref<10240xf32, #tpu.memory_space<vmem>>[vector<16xi32>], vector<16xf32>,
        %mul3A_243 = arith.constant 16 : i32
        %mul3A_244 = arith.muli %add3A_216, %mul3A_243 : i32
        %swap3A_245 = arith.index_cast %mul3A_244 : i32 to index
        %swap3A_246 = tpu.vector_load %arg22[%swap3A_245] {strides = array<i32>} : memref<128xf32, #tpu.memory_space<vmem>>, vector<16xf32>,
        tpu.vector_store %arg22[%swap3A_245], %gather3A_242 {strides = array<i32>} : memref<128xf32, #tpu.memory_space<vmem>>, vector<16xf32>,
      }
      %scan3A_48 = arith.constant 8 : i32
      %mul3A_49 = arith.constant 128 : i32
      %mul3A_50 = arith.muli %add3A_29, %mul3A_49 : i32
      %add3A_51 = arith.addi %mul3A_6, %mul3A_50 : i32
      %jit3A = arith.constant 2048 : i32
      %div3A = arith.divsi %add3A_51, %jit3A : i32
      %sign3A = arith.constant 0 : i32
      %sign3A_52 = arith.cmpi sgt, %add3A_51, %sign3A : i32
      %sign3A_53 = arith.extui %sign3A_52 : i1 to i32
      %sign3A_54 = arith.constant 0 : i32
      %sign3A_55 = arith.cmpi slt, %add3A_51, %sign3A_54 : i32
      %sign3A_56 = arith.extui %sign3A_55 : i1 to i32
      %sign3A_57 = arith.subi %sign3A_53, %sign3A_56 : i32
      %sign3A_58 = arith.constant 0 : i32
      %sign3A_59 = arith.cmpi sgt, %jit3A, %sign3A_58 : i32
      %sign3A_60 = arith.extui %sign3A_59 : i1 to i32
      %sign3A_61 = arith.constant 0 : i32
      %sign3A_62 = arith.cmpi slt, %jit3A, %sign3A_61 : i32
      %sign3A_63 = arith.extui %sign3A_62 : i1 to i32
      %sign3A_64 = arith.subi %sign3A_60, %sign3A_63 : i32
      %ne3A = arith.cmpi ne, %sign3A_57, %sign3A_64 : i32
      %rem3A = arith.remsi %add3A_51, %jit3A : i32
      %ne3A_65 = arith.constant 0 : i32
      %ne3A_66 = arith.cmpi ne, %rem3A, %ne3A_65 : i32
      %and3A = arith.andi %ne3A, %ne3A_66 : i1
      %sub3A = arith.constant 1 : i32
      %sub3A_67 = arith.subi %div3A, %sub3A : i32
      %select_n3A = arith.select %and3A, %sub3A_67, %div3A : i32
      %jit3A_68 = arith.constant 2048 : i32
      %eq3A = arith.constant 0 : i32
      %eq3A_69 = arith.cmpi eq, %jit3A_68, %eq3A : i32
      %jit3A_70 = arith.constant 1 : i32
      %select_n3A_71 = arith.select %eq3A_69, %jit3A_70, %jit3A_68 : i32
      %rem3A_72 = arith.remsi %add3A_51, %select_n3A_71 : i32
      %ne3A_73 = arith.constant 0 : i32
      %ne3A_74 = arith.cmpi ne, %rem3A_72, %ne3A_73 : i32
      %lt3A = arith.constant 0 : i32
      %lt3A_75 = arith.cmpi slt, %rem3A_72, %lt3A : i32
      %lt3A_76 = arith.constant 0 : i32
      %lt3A_77 = arith.cmpi slt, %select_n3A_71, %lt3A_76 : i32
      %ne3A_78 = arith.xori %lt3A_75, %lt3A_77 : i1
      %and3A_79 = arith.andi %ne3A_78, %ne3A_74 : i1
      %add3A_80 = arith.addi %rem3A_72, %select_n3A_71 : i32
      %select_n3A_81 = arith.select %and3A_79, %add3A_80, %rem3A_72 : i32
      %mul3A_82 = arith.constant 16384 : i32
      %mul3A_83 = arith.muli %select_n3A, %mul3A_82 : i32
      %add3A_84 = arith.addi %mul3A_83, %select_n3A_81 : i32
      "tpu.region"() ({
        %run_scoped3A = tpu.sem_alloc : memref<!tpu.dma_semaphore, #tpu.memory_space<semaphore_mem>>
        %dma_start3A_212 = tpu.memref_slice %arg10[%add3A_84] : memref<2621440xf32, #tpu.memory_space<hbm>> -> memref<128xf32, #tpu.memory_space<hbm>>
        %dma_start3A_213 = tpu.memref_slice %arg10[%add3A_84] : memref<2621440xf32, #tpu.memory_space<hbm>> -> memref<128xf32, #tpu.memory_space<hbm>>
        tpu.enqueue_dma source(%arg20 : memref<128xf32, #tpu.memory_space<vmem>>) target(%dma_start3A_213 : memref<128xf32, #tpu.memory_space<hbm>>) target_semaphore(%run_scoped3A : memref<!tpu.dma_semaphore, #tpu.memory_space<semaphore_mem>>)
        %dma_wait3A_214 = tpu.memref_slice %arg10[%add3A_84] : memref<2621440xf32, #tpu.memory_space<hbm>> -> memref<128xf32, #tpu.memory_space<hbm>>
        %dma_wait3A_215 = tpu.memref_slice %arg10[%add3A_84] : memref<2621440xf32, #tpu.memory_space<hbm>> -> memref<128xf32, #tpu.memory_space<hbm>>
        tpu.wait_dma2 semaphore(%run_scoped3A : memref<!tpu.dma_semaphore, #tpu.memory_space<semaphore_mem>>) src(%arg20 : memref<128xf32, #tpu.memory_space<vmem>>) dst(%dma_wait3A_215 : memref<128xf32, #tpu.memory_space<hbm>>)
        tpu.yield
      }) : () -> ()
      %add3A_85 = arith.constant 2048 : i32
      %add3A_86 = arith.addi %add3A_84, %add3A_85 : i32
      "tpu.region"() ({
        %run_scoped3A = tpu.sem_alloc : memref<!tpu.dma_semaphore, #tpu.memory_space<semaphore_mem>>
        %dma_start3A_212 = tpu.memref_slice %arg10[%add3A_86] : memref<2621440xf32, #tpu.memory_space<hbm>> -> memref<128xf32, #tpu.memory_space<hbm>>
        %dma_start3A_213 = tpu.memref_slice %arg10[%add3A_86] : memref<2621440xf32, #tpu.memory_space<hbm>> -> memref<128xf32, #tpu.memory_space<hbm>>
        tpu.enqueue_dma source(%arg21 : memref<128xf32, #tpu.memory_space<vmem>>) target(%dma_start3A_213 : memref<128xf32, #tpu.memory_space<hbm>>) target_semaphore(%run_scoped3A : memref<!tpu.dma_semaphore, #tpu.memory_space<semaphore_mem>>)
        %dma_wait3A_214 = tpu.memref_slice %arg10[%add3A_86] : memref<2621440xf32, #tpu.memory_space<hbm>> -> memref<128xf32, #tpu.memory_space<hbm>>
        %dma_wait3A_215 = tpu.memref_slice %arg10[%add3A_86] : memref<2621440xf32, #tpu.memory_space<hbm>> -> memref<128xf32, #tpu.memory_space<hbm>>
        tpu.wait_dma2 semaphore(%run_scoped3A : memref<!tpu.dma_semaphore, #tpu.memory_space<semaphore_mem>>) src(%arg21 : memref<128xf32, #tpu.memory_space<vmem>>) dst(%dma_wait3A_215 : memref<128xf32, #tpu.memory_space<hbm>>)
        tpu.yield
      }) : () -> ()
      %add3A_87 = arith.constant 4096 : i32
      %add3A_88 = arith.addi %add3A_84, %add3A_87 : i32
      "tpu.region"() ({
        %run_scoped3A = tpu.sem_alloc : memref<!tpu.dma_semaphore, #tpu.memory_space<semaphore_mem>>
        %dma_start3A_212 = tpu.memref_slice %arg10[%add3A_88] : memref<2621440xf32, #tpu.memory_space<hbm>> -> memref<128xf32, #tpu.memory_space<hbm>>
        %dma_start3A_213 = tpu.memref_slice %arg10[%add3A_88] : memref<2621440xf32, #tpu.memory_space<hbm>> -> memref<128xf32, #tpu.memory_space<hbm>>
        tpu.enqueue_dma source(%arg22 : memref<128xf32, #tpu.memory_space<vmem>>) target(%dma_start3A_213 : memref<128xf32, #tpu.memory_space<hbm>>) target_semaphore(%run_scoped3A : memref<!tpu.dma_semaphore, #tpu.memory_space<semaphore_mem>>)
        %dma_wait3A_214 = tpu.memref_slice %arg10[%add3A_88] : memref<2621440xf32, #tpu.memory_space<hbm>> -> memref<128xf32, #tpu.memory_space<hbm>>
        %dma_wait3A_215 = tpu.memref_slice %arg10[%add3A_88] : memref<2621440xf32, #tpu.memory_space<hbm>> -> memref<128xf32, #tpu.memory_space<hbm>>
        tpu.wait_dma2 semaphore(%run_scoped3A : memref<!tpu.dma_semaphore, #tpu.memory_space<semaphore_mem>>) src(%arg22 : memref<128xf32, #tpu.memory_space<vmem>>) dst(%dma_wait3A_215 : memref<128xf32, #tpu.memory_space<hbm>>)
        tpu.yield
      }) : () -> ()
      %dma_wait3A = arith.constant 0 : i32
      %dma_wait3A_89 = tpu.memref_slice %arg11[%add3A_29, %dma_wait3A] : memref<80x128xi32, #tpu.memory_space<vmem>> -> memref<1x128xi32, #tpu.memory_space<vmem>>
      %dma_wait3A_90 = tpu.memref_squeeze %dma_wait3A_89 : memref<1x128xi32, #tpu.memory_space<vmem>> -> memref<128xi32, #tpu.memory_space<vmem>>
      %dma_wait3A_91 = arith.constant 0 : i32
      %dma_wait3A_92 = arith.constant 0 : i32
      %dma_wait3A_93 = tpu.memref_slice %arg2[%dma_wait3A_91, %dma_wait3A_92] : memref<10240x128xf32, #tpu.memory_space<hbm>> -> memref<10240x128xf32, #tpu.memory_space<hbm>>
      tpu.wait_indirect_dma semaphore(%arg25 : memref<!tpu.dma_semaphore, #tpu.memory_space<semaphore_mem>>) src(%dma_wait3A_93 : memref<10240x128xf32, #tpu.memory_space<hbm>>) dst(%arg13 : memref<128x128xf32, #tpu.memory_space<vmem>>)
      %dma_wait3A_94 = arith.constant 0 : i32
      %dma_wait3A_95 = tpu.memref_slice %arg12[%add3A_29, %dma_wait3A_94] : memref<80x128xi32, #tpu.memory_space<vmem>> -> memref<1x128xi32, #tpu.memory_space<vmem>>
      %dma_wait3A_96 = tpu.memref_squeeze %dma_wait3A_95 : memref<1x128xi32, #tpu.memory_space<vmem>> -> memref<128xi32, #tpu.memory_space<vmem>>
      %dma_wait3A_97 = arith.constant 0 : i32
      %dma_wait3A_98 = arith.constant 0 : i32
      %dma_wait3A_99 = tpu.memref_slice %arg3[%dma_wait3A_97, %dma_wait3A_98] : memref<10240x128xf32, #tpu.memory_space<hbm>> -> memref<10240x128xf32, #tpu.memory_space<hbm>>
      tpu.wait_indirect_dma semaphore(%arg27 : memref<!tpu.dma_semaphore, #tpu.memory_space<semaphore_mem>>) src(%dma_wait3A_99 : memref<10240x128xf32, #tpu.memory_space<hbm>>) dst(%arg15 : memref<128x128xf32, #tpu.memory_space<vmem>>)
      %mul3A_100 = arith.constant 64 : i32
      %mul3A_101 = arith.muli %arg1, %mul3A_100 : i32
      "tpu.region"() ({
        %run_scoped3A = tpu.sem_alloc : memref<!tpu.dma_semaphore, #tpu.memory_space<semaphore_mem>>
        %dma_start3A_212 = arith.constant 0 : i32
        %dma_start3A_213 = arith.constant 0 : i32
        %dma_start3A_214 = tpu.memref_slice %arg13[%dma_start3A_212, %dma_start3A_213] : memref<128x128xf32, #tpu.memory_space<vmem>> -> memref<64x128xf32, #tpu.memory_space<vmem>>
        %dma_start3A_215 = arith.constant 0 : i32
        %dma_start3A_216 = tpu.memref_slice %arg24[%mul3A_101, %dma_start3A_215] : memref<1024x128xf32, #tpu.memory_space<vmem_shared>> -> memref<64x128xf32, #tpu.memory_space<vmem_shared>>
        %dma_start3A_217 = arith.constant 0 : i32
        %dma_start3A_218 = tpu.memref_slice %arg24[%mul3A_101, %dma_start3A_217] : memref<1024x128xf32, #tpu.memory_space<vmem_shared>> -> memref<64x128xf32, #tpu.memory_space<vmem_shared>>
        %dma_start3A_219 = arith.constant 0 : i32
        %dma_start3A_220 = arith.constant 0 : i32
        %dma_start3A_221 = tpu.memref_slice %arg13[%dma_start3A_219, %dma_start3A_220] : memref<128x128xf32, #tpu.memory_space<vmem>> -> memref<64x128xf32, #tpu.memory_space<vmem>>
        tpu.enqueue_dma source(%dma_start3A_221 : memref<64x128xf32, #tpu.memory_space<vmem>>) target(%dma_start3A_218 : memref<64x128xf32, #tpu.memory_space<vmem_shared>>) target_semaphore(%run_scoped3A : memref<!tpu.dma_semaphore, #tpu.memory_space<semaphore_mem>>)
        %dma_wait3A_222 = arith.constant 0 : i32
        %dma_wait3A_223 = arith.constant 0 : i32
        %dma_wait3A_224 = tpu.memref_slice %arg13[%dma_wait3A_222, %dma_wait3A_223] : memref<128x128xf32, #tpu.memory_space<vmem>> -> memref<64x128xf32, #tpu.memory_space<vmem>>
        %dma_wait3A_225 = arith.constant 0 : i32
        %dma_wait3A_226 = tpu.memref_slice %arg24[%mul3A_101, %dma_wait3A_225] : memref<1024x128xf32, #tpu.memory_space<vmem_shared>> -> memref<64x128xf32, #tpu.memory_space<vmem_shared>>
        %dma_wait3A_227 = arith.constant 0 : i32
        %dma_wait3A_228 = tpu.memref_slice %arg24[%mul3A_101, %dma_wait3A_227] : memref<1024x128xf32, #tpu.memory_space<vmem_shared>> -> memref<64x128xf32, #tpu.memory_space<vmem_shared>>
        %dma_wait3A_229 = arith.constant 0 : i32
        %dma_wait3A_230 = arith.constant 0 : i32
        %dma_wait3A_231 = tpu.memref_slice %arg13[%dma_wait3A_229, %dma_wait3A_230] : memref<128x128xf32, #tpu.memory_space<vmem>> -> memref<64x128xf32, #tpu.memory_space<vmem>>
        tpu.wait_dma2 semaphore(%run_scoped3A : memref<!tpu.dma_semaphore, #tpu.memory_space<semaphore_mem>>) src(%dma_wait3A_231 : memref<64x128xf32, #tpu.memory_space<vmem>>) dst(%dma_wait3A_228 : memref<64x128xf32, #tpu.memory_space<vmem_shared>>)
        tpu.yield
      }) : () -> ()
      "tpu.region"() ({
        %run_scoped3A = tpu.sem_alloc : memref<!tpu.dma_semaphore, #tpu.memory_space<semaphore_mem>>
        %dma_start3A_212 = arith.constant 0 : i32
        %dma_start3A_213 = arith.constant 0 : i32
        %dma_start3A_214 = tpu.memref_slice %arg15[%dma_start3A_212, %dma_start3A_213] : memref<128x128xf32, #tpu.memory_space<vmem>> -> memref<64x128xf32, #tpu.memory_space<vmem>>
        %dma_start3A_215 = arith.constant 0 : i32
        %dma_start3A_216 = arith.constant 0 : i32
        %dma_start3A_217 = tpu.memref_slice %arg24[%dma_start3A_215, %dma_start3A_216] : memref<1024x128xf32, #tpu.memory_space<vmem_shared>> -> memref<1024x128xf32, #tpu.memory_space<vmem_shared>>
        tpu.enqueue_indirect_dma source(%dma_start3A_214 : memref<64x128xf32, #tpu.memory_space<vmem>>) target(%dma_start3A_217 : memref<1024x128xf32, #tpu.memory_space<vmem_shared>>) offsets(%arg23 : memref<64xi32, #tpu.memory_space<vmem>>) semaphore(%run_scoped3A : memref<!tpu.dma_semaphore, #tpu.memory_space<semaphore_mem>>) {add = true}
        %dma_wait3A_218 = arith.constant 0 : i32
        %dma_wait3A_219 = arith.constant 0 : i32
        %dma_wait3A_220 = tpu.memref_slice %arg15[%dma_wait3A_218, %dma_wait3A_219] : memref<128x128xf32, #tpu.memory_space<vmem>> -> memref<64x128xf32, #tpu.memory_space<vmem>>
        %dma_wait3A_221 = arith.constant 0 : i32
        %dma_wait3A_222 = arith.constant 0 : i32
        %dma_wait3A_223 = tpu.memref_slice %arg24[%dma_wait3A_221, %dma_wait3A_222] : memref<1024x128xf32, #tpu.memory_space<vmem_shared>> -> memref<1024x128xf32, #tpu.memory_space<vmem_shared>>
        tpu.wait_indirect_dma semaphore(%run_scoped3A : memref<!tpu.dma_semaphore, #tpu.memory_space<semaphore_mem>>) src(%dma_wait3A_220 : memref<64x128xf32, #tpu.memory_space<vmem>>) dst(%dma_wait3A_223 : memref<1024x128xf32, #tpu.memory_space<vmem_shared>>)
        tpu.yield
      }) : () -> ()
      %mul3A_102 = arith.constant 64 : i32
      %mul3A_103 = arith.muli %arg1, %mul3A_102 : i32
      %mul3A_104 = arith.constant 128 : i32
      %mul3A_105 = arith.muli %add3A_29, %mul3A_104 : i32
      %add3A_106 = arith.addi %mul3A_6, %mul3A_105 : i32
      %add3A_107 = arith.constant 0 : i32
      %add3A_108 = arith.addi %add3A_106, %add3A_107 : i32
      "tpu.region"() ({
        %run_scoped3A = tpu.sem_alloc : memref<!tpu.dma_semaphore, #tpu.memory_space<semaphore_mem>>
        %dma_start3A_212 = arith.constant 0 : i32
        %dma_start3A_213 = tpu.memref_slice %arg9[%add3A_108, %dma_start3A_212] : memref<327680x128xf32, #tpu.memory_space<hbm>> -> memref<64x128xf32, #tpu.memory_space<hbm>>
        %dma_start3A_214 = arith.constant 0 : i32
        %dma_start3A_215 = tpu.memref_slice %arg24[%mul3A_103, %dma_start3A_214] : memref<1024x128xf32, #tpu.memory_space<vmem_shared>> -> memref<64x128xf32, #tpu.memory_space<vmem_shared>>
        tpu.enqueue_dma source(%dma_start3A_215 : memref<64x128xf32, #tpu.memory_space<vmem_shared>>) target(%dma_start3A_213 : memref<64x128xf32, #tpu.memory_space<hbm>>) target_semaphore(%run_scoped3A : memref<!tpu.dma_semaphore, #tpu.memory_space<semaphore_mem>>)
        %dma_wait3A_216 = arith.constant 0 : i32
        %dma_wait3A_217 = tpu.memref_slice %arg9[%add3A_108, %dma_wait3A_216] : memref<327680x128xf32, #tpu.memory_space<hbm>> -> memref<64x128xf32, #tpu.memory_space<hbm>>
        %dma_wait3A_218 = arith.constant 0 : i32
        %dma_wait3A_219 = tpu.memref_slice %arg24[%mul3A_103, %dma_wait3A_218] : memref<1024x128xf32, #tpu.memory_space<vmem_shared>> -> memref<64x128xf32, #tpu.memory_space<vmem_shared>>
        tpu.wait_dma2 semaphore(%run_scoped3A : memref<!tpu.dma_semaphore, #tpu.memory_space<semaphore_mem>>) src(%dma_wait3A_219 : memref<64x128xf32, #tpu.memory_space<vmem_shared>>) dst(%dma_wait3A_217 : memref<64x128xf32, #tpu.memory_space<hbm>>)
        tpu.yield
      }) : () -> ()
      %mul3A_109 = arith.constant 64 : i32
      %mul3A_110 = arith.muli %arg1, %mul3A_109 : i32
      "tpu.region"() ({
        %run_scoped3A = tpu.sem_alloc : memref<!tpu.dma_semaphore, #tpu.memory_space<semaphore_mem>>
        %dma_start3A_212 = arith.constant 64 : i32
        %dma_start3A_213 = arith.constant 0 : i32
        %dma_start3A_214 = tpu.memref_slice %arg13[%dma_start3A_212, %dma_start3A_213] : memref<128x128xf32, #tpu.memory_space<vmem>> -> memref<64x128xf32, #tpu.memory_space<vmem>>
        %dma_start3A_215 = arith.constant 0 : i32
        %dma_start3A_216 = tpu.memref_slice %arg24[%mul3A_110, %dma_start3A_215] : memref<1024x128xf32, #tpu.memory_space<vmem_shared>> -> memref<64x128xf32, #tpu.memory_space<vmem_shared>>
        %dma_start3A_217 = arith.constant 0 : i32
        %dma_start3A_218 = tpu.memref_slice %arg24[%mul3A_110, %dma_start3A_217] : memref<1024x128xf32, #tpu.memory_space<vmem_shared>> -> memref<64x128xf32, #tpu.memory_space<vmem_shared>>
        %dma_start3A_219 = arith.constant 64 : i32
        %dma_start3A_220 = arith.constant 0 : i32
        %dma_start3A_221 = tpu.memref_slice %arg13[%dma_start3A_219, %dma_start3A_220] : memref<128x128xf32, #tpu.memory_space<vmem>> -> memref<64x128xf32, #tpu.memory_space<vmem>>
        tpu.enqueue_dma source(%dma_start3A_221 : memref<64x128xf32, #tpu.memory_space<vmem>>) target(%dma_start3A_218 : memref<64x128xf32, #tpu.memory_space<vmem_shared>>) target_semaphore(%run_scoped3A : memref<!tpu.dma_semaphore, #tpu.memory_space<semaphore_mem>>)
        %dma_wait3A_222 = arith.constant 64 : i32
        %dma_wait3A_223 = arith.constant 0 : i32
        %dma_wait3A_224 = tpu.memref_slice %arg13[%dma_wait3A_222, %dma_wait3A_223] : memref<128x128xf32, #tpu.memory_space<vmem>> -> memref<64x128xf32, #tpu.memory_space<vmem>>
        %dma_wait3A_225 = arith.constant 0 : i32
        %dma_wait3A_226 = tpu.memref_slice %arg24[%mul3A_110, %dma_wait3A_225] : memref<1024x128xf32, #tpu.memory_space<vmem_shared>> -> memref<64x128xf32, #tpu.memory_space<vmem_shared>>
        %dma_wait3A_227 = arith.constant 0 : i32
        %dma_wait3A_228 = tpu.memref_slice %arg24[%mul3A_110, %dma_wait3A_227] : memref<1024x128xf32, #tpu.memory_space<vmem_shared>> -> memref<64x128xf32, #tpu.memory_space<vmem_shared>>
        %dma_wait3A_229 = arith.constant 64 : i32
        %dma_wait3A_230 = arith.constant 0 : i32
        %dma_wait3A_231 = tpu.memref_slice %arg13[%dma_wait3A_229, %dma_wait3A_230] : memref<128x128xf32, #tpu.memory_space<vmem>> -> memref<64x128xf32, #tpu.memory_space<vmem>>
        tpu.wait_dma2 semaphore(%run_scoped3A : memref<!tpu.dma_semaphore, #tpu.memory_space<semaphore_mem>>) src(%dma_wait3A_231 : memref<64x128xf32, #tpu.memory_space<vmem>>) dst(%dma_wait3A_228 : memref<64x128xf32, #tpu.memory_space<vmem_shared>>)
        tpu.yield
      }) : () -> ()
      "tpu.region"() ({
        %run_scoped3A = tpu.sem_alloc : memref<!tpu.dma_semaphore, #tpu.memory_space<semaphore_mem>>
        %dma_start3A_212 = arith.constant 64 : i32
        %dma_start3A_213 = arith.constant 0 : i32
        %dma_start3A_214 = tpu.memref_slice %arg15[%dma_start3A_212, %dma_start3A_213] : memref<128x128xf32, #tpu.memory_space<vmem>> -> memref<64x128xf32, #tpu.memory_space<vmem>>
        %dma_start3A_215 = arith.constant 0 : i32
        %dma_start3A_216 = arith.constant 0 : i32
        %dma_start3A_217 = tpu.memref_slice %arg24[%dma_start3A_215, %dma_start3A_216] : memref<1024x128xf32, #tpu.memory_space<vmem_shared>> -> memref<1024x128xf32, #tpu.memory_space<vmem_shared>>
        tpu.enqueue_indirect_dma source(%dma_start3A_214 : memref<64x128xf32, #tpu.memory_space<vmem>>) target(%dma_start3A_217 : memref<1024x128xf32, #tpu.memory_space<vmem_shared>>) offsets(%arg23 : memref<64xi32, #tpu.memory_space<vmem>>) semaphore(%run_scoped3A : memref<!tpu.dma_semaphore, #tpu.memory_space<semaphore_mem>>) {add = true}
        %dma_wait3A_218 = arith.constant 64 : i32
        %dma_wait3A_219 = arith.constant 0 : i32
        %dma_wait3A_220 = tpu.memref_slice %arg15[%dma_wait3A_218, %dma_wait3A_219] : memref<128x128xf32, #tpu.memory_space<vmem>> -> memref<64x128xf32, #tpu.memory_space<vmem>>
        %dma_wait3A_221 = arith.constant 0 : i32
        %dma_wait3A_222 = arith.constant 0 : i32
        %dma_wait3A_223 = tpu.memref_slice %arg24[%dma_wait3A_221, %dma_wait3A_222] : memref<1024x128xf32, #tpu.memory_space<vmem_shared>> -> memref<1024x128xf32, #tpu.memory_space<vmem_shared>>
        tpu.wait_indirect_dma semaphore(%run_scoped3A : memref<!tpu.dma_semaphore, #tpu.memory_space<semaphore_mem>>) src(%dma_wait3A_220 : memref<64x128xf32, #tpu.memory_space<vmem>>) dst(%dma_wait3A_223 : memref<1024x128xf32, #tpu.memory_space<vmem_shared>>)
        tpu.yield
      }) : () -> ()
      %mul3A_111 = arith.constant 64 : i32
      %mul3A_112 = arith.muli %arg1, %mul3A_111 : i32
      %mul3A_113 = arith.constant 128 : i32
      %mul3A_114 = arith.muli %add3A_29, %mul3A_113 : i32
      %add3A_115 = arith.addi %mul3A_6, %mul3A_114 : i32
      %add3A_116 = arith.constant 64 : i32
      %add3A_117 = arith.addi %add3A_115, %add3A_116 : i32
      "tpu.region"() ({
        %run_scoped3A = tpu.sem_alloc : memref<!tpu.dma_semaphore, #tpu.memory_space<semaphore_mem>>
        %dma_start3A_212 = arith.constant 0 : i32
        %dma_start3A_213 = tpu.memref_slice %arg9[%add3A_117, %dma_start3A_212] : memref<327680x128xf32, #tpu.memory_space<hbm>> -> memref<64x128xf32, #tpu.memory_space<hbm>>
        %dma_start3A_214 = arith.constant 0 : i32
        %dma_start3A_215 = tpu.memref_slice %arg24[%mul3A_112, %dma_start3A_214] : memref<1024x128xf32, #tpu.memory_space<vmem_shared>> -> memref<64x128xf32, #tpu.memory_space<vmem_shared>>
        tpu.enqueue_dma source(%dma_start3A_215 : memref<64x128xf32, #tpu.memory_space<vmem_shared>>) target(%dma_start3A_213 : memref<64x128xf32, #tpu.memory_space<hbm>>) target_semaphore(%run_scoped3A : memref<!tpu.dma_semaphore, #tpu.memory_space<semaphore_mem>>)
        %dma_wait3A_216 = arith.constant 0 : i32
        %dma_wait3A_217 = tpu.memref_slice %arg9[%add3A_117, %dma_wait3A_216] : memref<327680x128xf32, #tpu.memory_space<hbm>> -> memref<64x128xf32, #tpu.memory_space<hbm>>
        %dma_wait3A_218 = arith.constant 0 : i32
        %dma_wait3A_219 = tpu.memref_slice %arg24[%mul3A_112, %dma_wait3A_218] : memref<1024x128xf32, #tpu.memory_space<vmem_shared>> -> memref<64x128xf32, #tpu.memory_space<vmem_shared>>
        tpu.wait_dma2 semaphore(%run_scoped3A : memref<!tpu.dma_semaphore, #tpu.memory_space<semaphore_mem>>) src(%dma_wait3A_219 : memref<64x128xf32, #tpu.memory_space<vmem_shared>>) dst(%dma_wait3A_217 : memref<64x128xf32, #tpu.memory_space<hbm>>)
        tpu.yield
      }) : () -> ()
      %add3A_118 = arith.constant 2 : i32
      %add3A_119 = arith.addi %add3A_29, %add3A_118 : i32
      %lt3A_120 = arith.constant 80 : i32
      %lt3A_121 = arith.cmpi slt, %add3A_119, %lt3A_120 : i32
      %convert_element_type3A = arith.extui %lt3A_121 : i1 to i32
      %cond3A = arith.constant 0 : i32
      %cond3A_122 = arith.cmpi ne, %convert_element_type3A, %cond3A : i32
      scf.if %cond3A_122 {
        %add3A_212 = arith.constant 2 : i32
        %add3A_213 = arith.addi %add3A_29, %add3A_212 : i32
        %dma_start3A_214 = arith.constant 0 : i32
        %dma_start3A_215 = tpu.memref_slice %arg11[%add3A_213, %dma_start3A_214] : memref<80x128xi32, #tpu.memory_space<vmem>> -> memref<1x128xi32, #tpu.memory_space<vmem>>
        %dma_start3A_216 = tpu.memref_squeeze %dma_start3A_215 : memref<1x128xi32, #tpu.memory_space<vmem>> -> memref<128xi32, #tpu.memory_space<vmem>>
        %dma_start3A_217 = arith.constant 0 : i32
        %dma_start3A_218 = arith.constant 0 : i32
        %dma_start3A_219 = tpu.memref_slice %arg2[%dma_start3A_217, %dma_start3A_218] : memref<10240x128xf32, #tpu.memory_space<hbm>> -> memref<10240x128xf32, #tpu.memory_space<hbm>>
        tpu.enqueue_indirect_dma source(%dma_start3A_219 : memref<10240x128xf32, #tpu.memory_space<hbm>>) target(%arg13 : memref<128x128xf32, #tpu.memory_space<vmem>>) offsets(%dma_start3A_216 : memref<128xi32, #tpu.memory_space<vmem>>) semaphore(%arg25 : memref<!tpu.dma_semaphore, #tpu.memory_space<semaphore_mem>>)
        %dma_start3A_220 = arith.constant 0 : i32
        %dma_start3A_221 = tpu.memref_slice %arg12[%add3A_213, %dma_start3A_220] : memref<80x128xi32, #tpu.memory_space<vmem>> -> memref<1x128xi32, #tpu.memory_space<vmem>>
        %dma_start3A_222 = tpu.memref_squeeze %dma_start3A_221 : memref<1x128xi32, #tpu.memory_space<vmem>> -> memref<128xi32, #tpu.memory_space<vmem>>
        %dma_start3A_223 = arith.constant 0 : i32
        %dma_start3A_224 = arith.constant 0 : i32
        %dma_start3A_225 = tpu.memref_slice %arg3[%dma_start3A_223, %dma_start3A_224] : memref<10240x128xf32, #tpu.memory_space<hbm>> -> memref<10240x128xf32, #tpu.memory_space<hbm>>
        tpu.enqueue_indirect_dma source(%dma_start3A_225 : memref<10240x128xf32, #tpu.memory_space<hbm>>) target(%arg15 : memref<128x128xf32, #tpu.memory_space<vmem>>) offsets(%dma_start3A_222 : memref<128xi32, #tpu.memory_space<vmem>>) semaphore(%arg27 : memref<!tpu.dma_semaphore, #tpu.memory_space<semaphore_mem>>)
      } else {
      }
      %add3A_123 = arith.constant 1 : i32
      %add3A_124 = arith.addi %add3A_29, %add3A_123 : i32
      %scan3A_125 = arith.constant 0 : i32
      %scan3A_126 = arith.constant 8 : i32
      %scan3A_127 = arith.addi %scan3A_125, %scan3A_126 : i32
      %scan3A_128 = arith.constant 1 : i32
      scf.for %scan3A_212 = %scan3A_125 to %scan3A_127 step %scan3A_128  : i32 {
        %mul3A_213 = arith.constant 1 : i32
        %mul3A_214 = arith.muli %scan3A_212, %mul3A_213 : i32
        %add3A_215 = arith.constant 0 : i32
        %add3A_216 = arith.addi %add3A_215, %mul3A_214 : i32
        %mul3A_217 = arith.constant 16 : i32
        %mul3A_218 = arith.muli %add3A_216, %mul3A_217 : i32
        %get3A = arith.index_cast %add3A_124 : i32 to index
        %get3A_219 = arith.index_cast %mul3A_218 : i32 to index
        %get3A_220 = tpu.vector_load %arg11[%get3A, %get3A_219] {strides = array<i32>} : memref<80x128xi32, #tpu.memory_space<vmem>>, vector<16xi32>,
        %mul3A_221 = arith.constant 16 : i32
        %mul3A_222 = arith.muli %add3A_216, %mul3A_221 : i32
        %get3A_223 = arith.index_cast %add3A_124 : i32 to index
        %get3A_224 = arith.index_cast %mul3A_222 : i32 to index
        %get3A_225 = tpu.vector_load %arg12[%get3A_223, %get3A_224] {strides = array<i32>} : memref<80x128xi32, #tpu.memory_space<vmem>>, vector<16xi32>,
        %gather3A = tpu.vector_load_idx %arg17[%get3A_220] : memref<10240xf32, #tpu.memory_space<vmem>>[vector<16xi32>], vector<16xf32>,
        %gather3A_226 = tpu.vector_load_idx %arg17[%get3A_225] : memref<10240xf32, #tpu.memory_space<vmem>>[vector<16xi32>], vector<16xf32>,
        %gather3A_227 = tpu.vector_load_idx %arg18[%get3A_220] : memref<10240xf32, #tpu.memory_space<vmem>>[vector<16xi32>], vector<16xf32>,
        %gather3A_228 = tpu.vector_load_idx %arg18[%get3A_225] : memref<10240xf32, #tpu.memory_space<vmem>>[vector<16xi32>], vector<16xf32>,
        %sub3A_229 = arith.subf %gather3A, %gather3A_226 : vector<16xf32>
        %sub3A_230 = arith.subf %gather3A_227, %gather3A_228 : vector<16xf32>
        %mul3A_231 = arith.mulf %sub3A_229, %sub3A_229 : vector<16xf32>
        %mul3A_232 = arith.mulf %sub3A_230, %sub3A_230 : vector<16xf32>
        %add3A_233 = arith.addf %mul3A_231, %mul3A_232 : vector<16xf32>
        %mul3A_234 = arith.constant 16 : i32
        %mul3A_235 = arith.muli %add3A_216, %mul3A_234 : i32
        %swap3A = arith.index_cast %mul3A_235 : i32 to index
        %swap3A_236 = tpu.vector_load %arg20[%swap3A] {strides = array<i32>} : memref<128xf32, #tpu.memory_space<vmem>>, vector<16xf32>,
        tpu.vector_store %arg20[%swap3A], %add3A_233 {strides = array<i32>} : memref<128xf32, #tpu.memory_space<vmem>>, vector<16xf32>,
        %gather3A_237 = tpu.vector_load_idx %arg19[%get3A_220] : memref<10240xf32, #tpu.memory_space<vmem>>[vector<16xi32>], vector<16xf32>,
        %mul3A_238 = arith.constant 16 : i32
        %mul3A_239 = arith.muli %add3A_216, %mul3A_238 : i32
        %swap3A_240 = arith.index_cast %mul3A_239 : i32 to index
        %swap3A_241 = tpu.vector_load %arg21[%swap3A_240] {strides = array<i32>} : memref<128xf32, #tpu.memory_space<vmem>>, vector<16xf32>,
        tpu.vector_store %arg21[%swap3A_240], %gather3A_237 {strides = array<i32>} : memref<128xf32, #tpu.memory_space<vmem>>, vector<16xf32>,
        %gather3A_242 = tpu.vector_load_idx %arg19[%get3A_225] : memref<10240xf32, #tpu.memory_space<vmem>>[vector<16xi32>], vector<16xf32>,
        %mul3A_243 = arith.constant 16 : i32
        %mul3A_244 = arith.muli %add3A_216, %mul3A_243 : i32
        %swap3A_245 = arith.index_cast %mul3A_244 : i32 to index
        %swap3A_246 = tpu.vector_load %arg22[%swap3A_245] {strides = array<i32>} : memref<128xf32, #tpu.memory_space<vmem>>, vector<16xf32>,
        tpu.vector_store %arg22[%swap3A_245], %gather3A_242 {strides = array<i32>} : memref<128xf32, #tpu.memory_space<vmem>>, vector<16xf32>,
      }
      %scan3A_129 = arith.constant 8 : i32
      %mul3A_130 = arith.constant 128 : i32
      %mul3A_131 = arith.muli %add3A_124, %mul3A_130 : i32
      %add3A_132 = arith.addi %mul3A_6, %mul3A_131 : i32
      %jit3A_133 = arith.constant 2048 : i32
      %div3A_134 = arith.divsi %add3A_132, %jit3A_133 : i32
      %sign3A_135 = arith.constant 0 : i32
      %sign3A_136 = arith.cmpi sgt, %add3A_132, %sign3A_135 : i32
      %sign3A_137 = arith.extui %sign3A_136 : i1 to i32
      %sign3A_138 = arith.constant 0 : i32
      %sign3A_139 = arith.cmpi slt, %add3A_132, %sign3A_138 : i32
      %sign3A_140 = arith.extui %sign3A_139 : i1 to i32
      %sign3A_141 = arith.subi %sign3A_137, %sign3A_140 : i32
      %sign3A_142 = arith.constant 0 : i32
      %sign3A_143 = arith.cmpi sgt, %jit3A_133, %sign3A_142 : i32
      %sign3A_144 = arith.extui %sign3A_143 : i1 to i32
      %sign3A_145 = arith.constant 0 : i32
      %sign3A_146 = arith.cmpi slt, %jit3A_133, %sign3A_145 : i32
      %sign3A_147 = arith.extui %sign3A_146 : i1 to i32
      %sign3A_148 = arith.subi %sign3A_144, %sign3A_147 : i32
      %ne3A_149 = arith.cmpi ne, %sign3A_141, %sign3A_148 : i32
      %rem3A_150 = arith.remsi %add3A_132, %jit3A_133 : i32
      %ne3A_151 = arith.constant 0 : i32
      %ne3A_152 = arith.cmpi ne, %rem3A_150, %ne3A_151 : i32
      %and3A_153 = arith.andi %ne3A_149, %ne3A_152 : i1
      %sub3A_154 = arith.constant 1 : i32
      %sub3A_155 = arith.subi %div3A_134, %sub3A_154 : i32
      %select_n3A_156 = arith.select %and3A_153, %sub3A_155, %div3A_134 : i32
      %jit3A_157 = arith.constant 2048 : i32
      %eq3A_158 = arith.constant 0 : i32
      %eq3A_159 = arith.cmpi eq, %jit3A_157, %eq3A_158 : i32
      %jit3A_160 = arith.constant 1 : i32
      %select_n3A_161 = arith.select %eq3A_159, %jit3A_160, %jit3A_157 : i32
      %rem3A_162 = arith.remsi %add3A_132, %select_n3A_161 : i32
      %ne3A_163 = arith.constant 0 : i32
      %ne3A_164 = arith.cmpi ne, %rem3A_162, %ne3A_163 : i32
      %lt3A_165 = arith.constant 0 : i32
      %lt3A_166 = arith.cmpi slt, %rem3A_162, %lt3A_165 : i32
      %lt3A_167 = arith.constant 0 : i32
      %lt3A_168 = arith.cmpi slt, %select_n3A_161, %lt3A_167 : i32
      %ne3A_169 = arith.xori %lt3A_166, %lt3A_168 : i1
      %and3A_170 = arith.andi %ne3A_169, %ne3A_164 : i1
      %add3A_171 = arith.addi %rem3A_162, %select_n3A_161 : i32
      %select_n3A_172 = arith.select %and3A_170, %add3A_171, %rem3A_162 : i32
      %mul3A_173 = arith.constant 16384 : i32
      %mul3A_174 = arith.muli %select_n3A_156, %mul3A_173 : i32
      %add3A_175 = arith.addi %mul3A_174, %select_n3A_172 : i32
      "tpu.region"() ({
        %run_scoped3A = tpu.sem_alloc : memref<!tpu.dma_semaphore, #tpu.memory_space<semaphore_mem>>
        %dma_start3A_212 = tpu.memref_slice %arg10[%add3A_175] : memref<2621440xf32, #tpu.memory_space<hbm>> -> memref<128xf32, #tpu.memory_space<hbm>>
        %dma_start3A_213 = tpu.memref_slice %arg10[%add3A_175] : memref<2621440xf32, #tpu.memory_space<hbm>> -> memref<128xf32, #tpu.memory_space<hbm>>
        tpu.enqueue_dma source(%arg20 : memref<128xf32, #tpu.memory_space<vmem>>) target(%dma_start3A_213 : memref<128xf32, #tpu.memory_space<hbm>>) target_semaphore(%run_scoped3A : memref<!tpu.dma_semaphore, #tpu.memory_space<semaphore_mem>>)
        %dma_wait3A_214 = tpu.memref_slice %arg10[%add3A_175] : memref<2621440xf32, #tpu.memory_space<hbm>> -> memref<128xf32, #tpu.memory_space<hbm>>
        %dma_wait3A_215 = tpu.memref_slice %arg10[%add3A_175] : memref<2621440xf32, #tpu.memory_space<hbm>> -> memref<128xf32, #tpu.memory_space<hbm>>
        tpu.wait_dma2 semaphore(%run_scoped3A : memref<!tpu.dma_semaphore, #tpu.memory_space<semaphore_mem>>) src(%arg20 : memref<128xf32, #tpu.memory_space<vmem>>) dst(%dma_wait3A_215 : memref<128xf32, #tpu.memory_space<hbm>>)
        tpu.yield
      }) : () -> ()
      %add3A_176 = arith.constant 2048 : i32
      %add3A_177 = arith.addi %add3A_175, %add3A_176 : i32
      "tpu.region"() ({
        %run_scoped3A = tpu.sem_alloc : memref<!tpu.dma_semaphore, #tpu.memory_space<semaphore_mem>>
        %dma_start3A_212 = tpu.memref_slice %arg10[%add3A_177] : memref<2621440xf32, #tpu.memory_space<hbm>> -> memref<128xf32, #tpu.memory_space<hbm>>
        %dma_start3A_213 = tpu.memref_slice %arg10[%add3A_177] : memref<2621440xf32, #tpu.memory_space<hbm>> -> memref<128xf32, #tpu.memory_space<hbm>>
        tpu.enqueue_dma source(%arg21 : memref<128xf32, #tpu.memory_space<vmem>>) target(%dma_start3A_213 : memref<128xf32, #tpu.memory_space<hbm>>) target_semaphore(%run_scoped3A : memref<!tpu.dma_semaphore, #tpu.memory_space<semaphore_mem>>)
        %dma_wait3A_214 = tpu.memref_slice %arg10[%add3A_177] : memref<2621440xf32, #tpu.memory_space<hbm>> -> memref<128xf32, #tpu.memory_space<hbm>>
        %dma_wait3A_215 = tpu.memref_slice %arg10[%add3A_177] : memref<2621440xf32, #tpu.memory_space<hbm>> -> memref<128xf32, #tpu.memory_space<hbm>>
        tpu.wait_dma2 semaphore(%run_scoped3A : memref<!tpu.dma_semaphore, #tpu.memory_space<semaphore_mem>>) src(%arg21 : memref<128xf32, #tpu.memory_space<vmem>>) dst(%dma_wait3A_215 : memref<128xf32, #tpu.memory_space<hbm>>)
        tpu.yield
      }) : () -> ()
      %add3A_178 = arith.constant 4096 : i32
      %add3A_179 = arith.addi %add3A_175, %add3A_178 : i32
      "tpu.region"() ({
        %run_scoped3A = tpu.sem_alloc : memref<!tpu.dma_semaphore, #tpu.memory_space<semaphore_mem>>
        %dma_start3A_212 = tpu.memref_slice %arg10[%add3A_179] : memref<2621440xf32, #tpu.memory_space<hbm>> -> memref<128xf32, #tpu.memory_space<hbm>>
        %dma_start3A_213 = tpu.memref_slice %arg10[%add3A_179] : memref<2621440xf32, #tpu.memory_space<hbm>> -> memref<128xf32, #tpu.memory_space<hbm>>
        tpu.enqueue_dma source(%arg22 : memref<128xf32, #tpu.memory_space<vmem>>) target(%dma_start3A_213 : memref<128xf32, #tpu.memory_space<hbm>>) target_semaphore(%run_scoped3A : memref<!tpu.dma_semaphore, #tpu.memory_space<semaphore_mem>>)
        %dma_wait3A_214 = tpu.memref_slice %arg10[%add3A_179] : memref<2621440xf32, #tpu.memory_space<hbm>> -> memref<128xf32, #tpu.memory_space<hbm>>
        %dma_wait3A_215 = tpu.memref_slice %arg10[%add3A_179] : memref<2621440xf32, #tpu.memory_space<hbm>> -> memref<128xf32, #tpu.memory_space<hbm>>
        tpu.wait_dma2 semaphore(%run_scoped3A : memref<!tpu.dma_semaphore, #tpu.memory_space<semaphore_mem>>) src(%arg22 : memref<128xf32, #tpu.memory_space<vmem>>) dst(%dma_wait3A_215 : memref<128xf32, #tpu.memory_space<hbm>>)
        tpu.yield
      }) : () -> ()
      %add3A_180 = arith.constant 1 : i32
      %add3A_181 = arith.addi %add3A_29, %add3A_180 : i32
      %dma_wait3A_182 = arith.constant 0 : i32
      %dma_wait3A_183 = tpu.memref_slice %arg11[%add3A_181, %dma_wait3A_182] : memref<80x128xi32, #tpu.memory_space<vmem>> -> memref<1x128xi32, #tpu.memory_space<vmem>>
      %dma_wait3A_184 = tpu.memref_squeeze %dma_wait3A_183 : memref<1x128xi32, #tpu.memory_space<vmem>> -> memref<128xi32, #tpu.memory_space<vmem>>
      %dma_wait3A_185 = arith.constant 0 : i32
      %dma_wait3A_186 = arith.constant 0 : i32
      %dma_wait3A_187 = tpu.memref_slice %arg2[%dma_wait3A_185, %dma_wait3A_186] : memref<10240x128xf32, #tpu.memory_space<hbm>> -> memref<10240x128xf32, #tpu.memory_space<hbm>>
      tpu.wait_indirect_dma semaphore(%arg26 : memref<!tpu.dma_semaphore, #tpu.memory_space<semaphore_mem>>) src(%dma_wait3A_187 : memref<10240x128xf32, #tpu.memory_space<hbm>>) dst(%arg14 : memref<128x128xf32, #tpu.memory_space<vmem>>)
      %dma_wait3A_188 = arith.constant 0 : i32
      %dma_wait3A_189 = tpu.memref_slice %arg12[%add3A_181, %dma_wait3A_188] : memref<80x128xi32, #tpu.memory_space<vmem>> -> memref<1x128xi32, #tpu.memory_space<vmem>>
      %dma_wait3A_190 = tpu.memref_squeeze %dma_wait3A_189 : memref<1x128xi32, #tpu.memory_space<vmem>> -> memref<128xi32, #tpu.memory_space<vmem>>
      %dma_wait3A_191 = arith.constant 0 : i32
      %dma_wait3A_192 = arith.constant 0 : i32
      %dma_wait3A_193 = tpu.memref_slice %arg3[%dma_wait3A_191, %dma_wait3A_192] : memref<10240x128xf32, #tpu.memory_space<hbm>> -> memref<10240x128xf32, #tpu.memory_space<hbm>>
      tpu.wait_indirect_dma semaphore(%arg28 : memref<!tpu.dma_semaphore, #tpu.memory_space<semaphore_mem>>) src(%dma_wait3A_193 : memref<10240x128xf32, #tpu.memory_space<hbm>>) dst(%arg16 : memref<128x128xf32, #tpu.memory_space<vmem>>)
      %mul3A_194 = arith.constant 64 : i32
      %mul3A_195 = arith.muli %arg1, %mul3A_194 : i32
      "tpu.region"() ({
        %run_scoped3A = tpu.sem_alloc : memref<!tpu.dma_semaphore, #tpu.memory_space<semaphore_mem>>
        %dma_start3A_212 = arith.constant 0 : i32
        %dma_start3A_213 = arith.constant 0 : i32
        %dma_start3A_214 = tpu.memref_slice %arg14[%dma_start3A_212, %dma_start3A_213] : memref<128x128xf32, #tpu.memory_space<vmem>> -> memref<64x128xf32, #tpu.memory_space<vmem>>
        %dma_start3A_215 = arith.constant 0 : i32
        %dma_start3A_216 = tpu.memref_slice %arg24[%mul3A_195, %dma_start3A_215] : memref<1024x128xf32, #tpu.memory_space<vmem_shared>> -> memref<64x128xf32, #tpu.memory_space<vmem_shared>>
        %dma_start3A_217 = arith.constant 0 : i32
        %dma_start3A_218 = tpu.memref_slice %arg24[%mul3A_195, %dma_start3A_217] : memref<1024x128xf32, #tpu.memory_space<vmem_shared>> -> memref<64x128xf32, #tpu.memory_space<vmem_shared>>
        %dma_start3A_219 = arith.constant 0 : i32
        %dma_start3A_220 = arith.constant 0 : i32
        %dma_start3A_221 = tpu.memref_slice %arg14[%dma_start3A_219, %dma_start3A_220] : memref<128x128xf32, #tpu.memory_space<vmem>> -> memref<64x128xf32, #tpu.memory_space<vmem>>
        tpu.enqueue_dma source(%dma_start3A_221 : memref<64x128xf32, #tpu.memory_space<vmem>>) target(%dma_start3A_218 : memref<64x128xf32, #tpu.memory_space<vmem_shared>>) target_semaphore(%run_scoped3A : memref<!tpu.dma_semaphore, #tpu.memory_space<semaphore_mem>>)
        %dma_wait3A_222 = arith.constant 0 : i32
        %dma_wait3A_223 = arith.constant 0 : i32
        %dma_wait3A_224 = tpu.memref_slice %arg14[%dma_wait3A_222, %dma_wait3A_223] : memref<128x128xf32, #tpu.memory_space<vmem>> -> memref<64x128xf32, #tpu.memory_space<vmem>>
        %dma_wait3A_225 = arith.constant 0 : i32
        %dma_wait3A_226 = tpu.memref_slice %arg24[%mul3A_195, %dma_wait3A_225] : memref<1024x128xf32, #tpu.memory_space<vmem_shared>> -> memref<64x128xf32, #tpu.memory_space<vmem_shared>>
        %dma_wait3A_227 = arith.constant 0 : i32
        %dma_wait3A_228 = tpu.memref_slice %arg24[%mul3A_195, %dma_wait3A_227] : memref<1024x128xf32, #tpu.memory_space<vmem_shared>> -> memref<64x128xf32, #tpu.memory_space<vmem_shared>>
        %dma_wait3A_229 = arith.constant 0 : i32
        %dma_wait3A_230 = arith.constant 0 : i32
        %dma_wait3A_231 = tpu.memref_slice %arg14[%dma_wait3A_229, %dma_wait3A_230] : memref<128x128xf32, #tpu.memory_space<vmem>> -> memref<64x128xf32, #tpu.memory_space<vmem>>
        tpu.wait_dma2 semaphore(%run_scoped3A : memref<!tpu.dma_semaphore, #tpu.memory_space<semaphore_mem>>) src(%dma_wait3A_231 : memref<64x128xf32, #tpu.memory_space<vmem>>) dst(%dma_wait3A_228 : memref<64x128xf32, #tpu.memory_space<vmem_shared>>)
        tpu.yield
      }) : () -> ()
      "tpu.region"() ({
        %run_scoped3A = tpu.sem_alloc : memref<!tpu.dma_semaphore, #tpu.memory_space<semaphore_mem>>
        %dma_start3A_212 = arith.constant 0 : i32
        %dma_start3A_213 = arith.constant 0 : i32
        %dma_start3A_214 = tpu.memref_slice %arg16[%dma_start3A_212, %dma_start3A_213] : memref<128x128xf32, #tpu.memory_space<vmem>> -> memref<64x128xf32, #tpu.memory_space<vmem>>
        %dma_start3A_215 = arith.constant 0 : i32
        %dma_start3A_216 = arith.constant 0 : i32
        %dma_start3A_217 = tpu.memref_slice %arg24[%dma_start3A_215, %dma_start3A_216] : memref<1024x128xf32, #tpu.memory_space<vmem_shared>> -> memref<1024x128xf32, #tpu.memory_space<vmem_shared>>
        tpu.enqueue_indirect_dma source(%dma_start3A_214 : memref<64x128xf32, #tpu.memory_space<vmem>>) target(%dma_start3A_217 : memref<1024x128xf32, #tpu.memory_space<vmem_shared>>) offsets(%arg23 : memref<64xi32, #tpu.memory_space<vmem>>) semaphore(%run_scoped3A : memref<!tpu.dma_semaphore, #tpu.memory_space<semaphore_mem>>) {add = true}
        %dma_wait3A_218 = arith.constant 0 : i32
        %dma_wait3A_219 = arith.constant 0 : i32
        %dma_wait3A_220 = tpu.memref_slice %arg16[%dma_wait3A_218, %dma_wait3A_219] : memref<128x128xf32, #tpu.memory_space<vmem>> -> memref<64x128xf32, #tpu.memory_space<vmem>>
        %dma_wait3A_221 = arith.constant 0 : i32
        %dma_wait3A_222 = arith.constant 0 : i32
        %dma_wait3A_223 = tpu.memref_slice %arg24[%dma_wait3A_221, %dma_wait3A_222] : memref<1024x128xf32, #tpu.memory_space<vmem_shared>> -> memref<1024x128xf32, #tpu.memory_space<vmem_shared>>
        tpu.wait_indirect_dma semaphore(%run_scoped3A : memref<!tpu.dma_semaphore, #tpu.memory_space<semaphore_mem>>) src(%dma_wait3A_220 : memref<64x128xf32, #tpu.memory_space<vmem>>) dst(%dma_wait3A_223 : memref<1024x128xf32, #tpu.memory_space<vmem_shared>>)
        tpu.yield
      }) : () -> ()
      %mul3A_196 = arith.constant 64 : i32
      %mul3A_197 = arith.muli %arg1, %mul3A_196 : i32
      %mul3A_198 = arith.constant 128 : i32
      %mul3A_199 = arith.muli %add3A_181, %mul3A_198 : i32
      %add3A_200 = arith.addi %mul3A_6, %mul3A_199 : i32
      %add3A_201 = arith.constant 0 : i32
      %add3A_202 = arith.addi %add3A_200, %add3A_201 : i32
      "tpu.region"() ({
        %run_scoped3A = tpu.sem_alloc : memref<!tpu.dma_semaphore, #tpu.memory_space<semaphore_mem>>
        %dma_start3A_212 = arith.constant 0 : i32
        %dma_start3A_213 = tpu.memref_slice %arg9[%add3A_202, %dma_start3A_212] : memref<327680x128xf32, #tpu.memory_space<hbm>> -> memref<64x128xf32, #tpu.memory_space<hbm>>
        %dma_start3A_214 = arith.constant 0 : i32
        %dma_start3A_215 = tpu.memref_slice %arg24[%mul3A_197, %dma_start3A_214] : memref<1024x128xf32, #tpu.memory_space<vmem_shared>> -> memref<64x128xf32, #tpu.memory_space<vmem_shared>>
        tpu.enqueue_dma source(%dma_start3A_215 : memref<64x128xf32, #tpu.memory_space<vmem_shared>>) target(%dma_start3A_213 : memref<64x128xf32, #tpu.memory_space<hbm>>) target_semaphore(%run_scoped3A : memref<!tpu.dma_semaphore, #tpu.memory_space<semaphore_mem>>)
        %dma_wait3A_216 = arith.constant 0 : i32
        %dma_wait3A_217 = tpu.memref_slice %arg9[%add3A_202, %dma_wait3A_216] : memref<327680x128xf32, #tpu.memory_space<hbm>> -> memref<64x128xf32, #tpu.memory_space<hbm>>
        %dma_wait3A_218 = arith.constant 0 : i32
        %dma_wait3A_219 = tpu.memref_slice %arg24[%mul3A_197, %dma_wait3A_218] : memref<1024x128xf32, #tpu.memory_space<vmem_shared>> -> memref<64x128xf32, #tpu.memory_space<vmem_shared>>
        tpu.wait_dma2 semaphore(%run_scoped3A : memref<!tpu.dma_semaphore, #tpu.memory_space<semaphore_mem>>) src(%dma_wait3A_219 : memref<64x128xf32, #tpu.memory_space<vmem_shared>>) dst(%dma_wait3A_217 : memref<64x128xf32, #tpu.memory_space<hbm>>)
        tpu.yield
      }) : () -> ()
      %mul3A_203 = arith.constant 64 : i32
      %mul3A_204 = arith.muli %arg1, %mul3A_203 : i32
      "tpu.region"() ({
        %run_scoped3A = tpu.sem_alloc : memref<!tpu.dma_semaphore, #tpu.memory_space<semaphore_mem>>
        %dma_start3A_212 = arith.constant 64 : i32
        %dma_start3A_213 = arith.constant 0 : i32
        %dma_start3A_214 = tpu.memref_slice %arg14[%dma_start3A_212, %dma_start3A_213] : memref<128x128xf32, #tpu.memory_space<vmem>> -> memref<64x128xf32, #tpu.memory_space<vmem>>
        %dma_start3A_215 = arith.constant 0 : i32
        %dma_start3A_216 = tpu.memref_slice %arg24[%mul3A_204, %dma_start3A_215] : memref<1024x128xf32, #tpu.memory_space<vmem_shared>> -> memref<64x128xf32, #tpu.memory_space<vmem_shared>>
        %dma_start3A_217 = arith.constant 0 : i32
        %dma_start3A_218 = tpu.memref_slice %arg24[%mul3A_204, %dma_start3A_217] : memref<1024x128xf32, #tpu.memory_space<vmem_shared>> -> memref<64x128xf32, #tpu.memory_space<vmem_shared>>
        %dma_start3A_219 = arith.constant 64 : i32
        %dma_start3A_220 = arith.constant 0 : i32
        %dma_start3A_221 = tpu.memref_slice %arg14[%dma_start3A_219, %dma_start3A_220] : memref<128x128xf32, #tpu.memory_space<vmem>> -> memref<64x128xf32, #tpu.memory_space<vmem>>
        tpu.enqueue_dma source(%dma_start3A_221 : memref<64x128xf32, #tpu.memory_space<vmem>>) target(%dma_start3A_218 : memref<64x128xf32, #tpu.memory_space<vmem_shared>>) target_semaphore(%run_scoped3A : memref<!tpu.dma_semaphore, #tpu.memory_space<semaphore_mem>>)
        %dma_wait3A_222 = arith.constant 64 : i32
        %dma_wait3A_223 = arith.constant 0 : i32
        %dma_wait3A_224 = tpu.memref_slice %arg14[%dma_wait3A_222, %dma_wait3A_223] : memref<128x128xf32, #tpu.memory_space<vmem>> -> memref<64x128xf32, #tpu.memory_space<vmem>>
        %dma_wait3A_225 = arith.constant 0 : i32
        %dma_wait3A_226 = tpu.memref_slice %arg24[%mul3A_204, %dma_wait3A_225] : memref<1024x128xf32, #tpu.memory_space<vmem_shared>> -> memref<64x128xf32, #tpu.memory_space<vmem_shared>>
        %dma_wait3A_227 = arith.constant 0 : i32
        %dma_wait3A_228 = tpu.memref_slice %arg24[%mul3A_204, %dma_wait3A_227] : memref<1024x128xf32, #tpu.memory_space<vmem_shared>> -> memref<64x128xf32, #tpu.memory_space<vmem_shared>>
        %dma_wait3A_229 = arith.constant 64 : i32
        %dma_wait3A_230 = arith.constant 0 : i32
        %dma_wait3A_231 = tpu.memref_slice %arg14[%dma_wait3A_229, %dma_wait3A_230] : memref<128x128xf32, #tpu.memory_space<vmem>> -> memref<64x128xf32, #tpu.memory_space<vmem>>
        tpu.wait_dma2 semaphore(%run_scoped3A : memref<!tpu.dma_semaphore, #tpu.memory_space<semaphore_mem>>) src(%dma_wait3A_231 : memref<64x128xf32, #tpu.memory_space<vmem>>) dst(%dma_wait3A_228 : memref<64x128xf32, #tpu.memory_space<vmem_shared>>)
        tpu.yield
      }) : () -> ()
      "tpu.region"() ({
        %run_scoped3A = tpu.sem_alloc : memref<!tpu.dma_semaphore, #tpu.memory_space<semaphore_mem>>
        %dma_start3A_212 = arith.constant 64 : i32
        %dma_start3A_213 = arith.constant 0 : i32
        %dma_start3A_214 = tpu.memref_slice %arg16[%dma_start3A_212, %dma_start3A_213] : memref<128x128xf32, #tpu.memory_space<vmem>> -> memref<64x128xf32, #tpu.memory_space<vmem>>
        %dma_start3A_215 = arith.constant 0 : i32
        %dma_start3A_216 = arith.constant 0 : i32
        %dma_start3A_217 = tpu.memref_slice %arg24[%dma_start3A_215, %dma_start3A_216] : memref<1024x128xf32, #tpu.memory_space<vmem_shared>> -> memref<1024x128xf32, #tpu.memory_space<vmem_shared>>
        tpu.enqueue_indirect_dma source(%dma_start3A_214 : memref<64x128xf32, #tpu.memory_space<vmem>>) target(%dma_start3A_217 : memref<1024x128xf32, #tpu.memory_space<vmem_shared>>) offsets(%arg23 : memref<64xi32, #tpu.memory_space<vmem>>) semaphore(%run_scoped3A : memref<!tpu.dma_semaphore, #tpu.memory_space<semaphore_mem>>) {add = true}
        %dma_wait3A_218 = arith.constant 64 : i32
        %dma_wait3A_219 = arith.constant 0 : i32
        %dma_wait3A_220 = tpu.memref_slice %arg16[%dma_wait3A_218, %dma_wait3A_219] : memref<128x128xf32, #tpu.memory_space<vmem>> -> memref<64x128xf32, #tpu.memory_space<vmem>>
        %dma_wait3A_221 = arith.constant 0 : i32
        %dma_wait3A_222 = arith.constant 0 : i32
        %dma_wait3A_223 = tpu.memref_slice %arg24[%dma_wait3A_221, %dma_wait3A_222] : memref<1024x128xf32, #tpu.memory_space<vmem_shared>> -> memref<1024x128xf32, #tpu.memory_space<vmem_shared>>
        tpu.wait_indirect_dma semaphore(%run_scoped3A : memref<!tpu.dma_semaphore, #tpu.memory_space<semaphore_mem>>) src(%dma_wait3A_220 : memref<64x128xf32, #tpu.memory_space<vmem>>) dst(%dma_wait3A_223 : memref<1024x128xf32, #tpu.memory_space<vmem_shared>>)
        tpu.yield
      }) : () -> ()
      %mul3A_205 = arith.constant 64 : i32
      %mul3A_206 = arith.muli %arg1, %mul3A_205 : i32
      %mul3A_207 = arith.constant 128 : i32
      %mul3A_208 = arith.muli %add3A_181, %mul3A_207 : i32
      %add3A_209 = arith.addi %mul3A_6, %mul3A_208 : i32
      %add3A_210 = arith.constant 64 : i32
      %add3A_211 = arith.addi %add3A_209, %add3A_210 : i32
      "tpu.region"() ({
        %run_scoped3A = tpu.sem_alloc : memref<!tpu.dma_semaphore, #tpu.memory_space<semaphore_mem>>
        %dma_start3A_212 = arith.constant 0 : i32
        %dma_start3A_213 = tpu.memref_slice %arg9[%add3A_211, %dma_start3A_212] : memref<327680x128xf32, #tpu.memory_space<hbm>> -> memref<64x128xf32, #tpu.memory_space<hbm>>
        %dma_start3A_214 = arith.constant 0 : i32
        %dma_start3A_215 = tpu.memref_slice %arg24[%mul3A_206, %dma_start3A_214] : memref<1024x128xf32, #tpu.memory_space<vmem_shared>> -> memref<64x128xf32, #tpu.memory_space<vmem_shared>>
        tpu.enqueue_dma source(%dma_start3A_215 : memref<64x128xf32, #tpu.memory_space<vmem_shared>>) target(%dma_start3A_213 : memref<64x128xf32, #tpu.memory_space<hbm>>) target_semaphore(%run_scoped3A : memref<!tpu.dma_semaphore, #tpu.memory_space<semaphore_mem>>)
        %dma_wait3A_216 = arith.constant 0 : i32
        %dma_wait3A_217 = tpu.memref_slice %arg9[%add3A_211, %dma_wait3A_216] : memref<327680x128xf32, #tpu.memory_space<hbm>> -> memref<64x128xf32, #tpu.memory_space<hbm>>
        %dma_wait3A_218 = arith.constant 0 : i32
        %dma_wait3A_219 = tpu.memref_slice %arg24[%mul3A_206, %dma_wait3A_218] : memref<1024x128xf32, #tpu.memory_space<vmem_shared>> -> memref<64x128xf32, #tpu.memory_space<vmem_shared>>
        tpu.wait_dma2 semaphore(%run_scoped3A : memref<!tpu.dma_semaphore, #tpu.memory_space<semaphore_mem>>) src(%dma_wait3A_219 : memref<64x128xf32, #tpu.memory_space<vmem_shared>>) dst(%dma_wait3A_217 : memref<64x128xf32, #tpu.memory_space<hbm>>)
        tpu.yield
      }) : () -> ()
    }
    %scan3A_24 = arith.constant 40 : i32
    return
  }
}

module attributes {stable_mosaic.version = 14 : i64} {
  func.func @_prologue_body(%arg0: i32, %arg1: memref<1024x3xf32, #tpu.memory_space<vmem>>, %arg2: memref<3x128xf32, #tpu.memory_space<vmem>>, %arg3: memref<1x128xf32, #tpu.memory_space<vmem>>, %arg4: memref<128x128xf32, #tpu.memory_space<vmem>>, %arg5: memref<1x128xf32, #tpu.memory_space<vmem>>, %arg6: memref<128x128xf32, #tpu.memory_space<vmem>>, %arg7: memref<128x128xf32, #tpu.memory_space<vmem>>, %arg8: memref<1x128xf32, #tpu.memory_space<vmem>>, %arg9: memref<1024x128xf32, #tpu.memory_space<vmem>>, %arg10: memref<1024x128xf32, #tpu.memory_space<vmem>>, %arg11: memref<1024x128xf32, #tpu.memory_space<vmem>>) attributes {dimension_semantics = [#tpu.dimension_semantics<arbitrary>], iteration_bounds = array<i64: 10>, scalar_prefetch = 0 : i64, scratch_operands = 0 : i64, tpu.core_type = #tpu.core_type<tc>, window_params = [{transform_indices = @transform_0, window_bounds = array<i64: 1024, 3>}, {pipeline_mode = #tpu.pipeline_mode<synchronous>, transform_indices = @transform_1, window_bounds = array<i64: 3, 128>}, {pipeline_mode = #tpu.pipeline_mode<synchronous>, transform_indices = @transform_2, window_bounds = array<i64: 1, 128>}, {pipeline_mode = #tpu.pipeline_mode<synchronous>, transform_indices = @transform_3, window_bounds = array<i64: 128, 128>}, {pipeline_mode = #tpu.pipeline_mode<synchronous>, transform_indices = @transform_4, window_bounds = array<i64: 1, 128>}, {pipeline_mode = #tpu.pipeline_mode<synchronous>, transform_indices = @transform_5, window_bounds = array<i64: 128, 128>}, {pipeline_mode = #tpu.pipeline_mode<synchronous>, transform_indices = @transform_6, window_bounds = array<i64: 128, 128>}, {pipeline_mode = #tpu.pipeline_mode<synchronous>, transform_indices = @transform_7, window_bounds = array<i64: 1, 128>}, {transform_indices = @transform_8, window_bounds = array<i64: 1024, 128>}, {transform_indices = @transform_9, window_bounds = array<i64: 1024, 128>}, {transform_indices = @transform_10, window_bounds = array<i64: 1024, 128>}]} {
    %get3A = arith.constant 0 : index
    %get3A_0 = arith.constant 0 : index
    %get3A_1 = vector.load %arg1[%get3A, %get3A_0] : memref<1024x3xf32, #tpu.memory_space<vmem>>, vector<1024x3xf32>
    %get3A_2 = arith.constant 0 : index
    %get3A_3 = arith.constant 0 : index
    %get3A_4 = vector.load %arg2[%get3A_2, %get3A_3] : memref<3x128xf32, #tpu.memory_space<vmem>>, vector<3x128xf32>
    %dot_general3A = arith.constant dense<0.000000e+00> : vector<1024x128xf32>
    %dot_general3A_5 = tpu.matmul %get3A_1, %get3A_4, %dot_general3A {dimension_numbers = #tpu.dot_dimension_numbers<[1], [0], [0], [1], [0, 0, 1, 1], [], []>, transpose_lhs_hint = false} : vector<1024x3xf32>, vector<3x128xf32>, vector<1024x128xf32> -> vector<1024x128xf32>
    %get3A_6 = arith.constant 0 : index
    %get3A_7 = arith.constant 0 : index
    %get3A_8 = vector.load %arg3[%get3A_6, %get3A_7] : memref<1x128xf32, #tpu.memory_space<vmem>>, vector<1x128xf32>
    %add3A = vector.broadcast %get3A_8 : vector<1x128xf32> to vector<1024x128xf32>
    %add3A_9 = arith.addf %dot_general3A_5, %add3A : vector<1024x128xf32>
    %max3A = arith.constant 0.000000e+00 : f32
    %max3A_10 = vector.broadcast %max3A : f32 to vector<1024x128xf32>
    %max3A_11 = arith.maximumf %add3A_9, %max3A_10 : vector<1024x128xf32>
    %get3A_12 = arith.constant 0 : index
    %get3A_13 = arith.constant 0 : index
    %get3A_14 = vector.load %arg4[%get3A_12, %get3A_13] : memref<128x128xf32, #tpu.memory_space<vmem>>, vector<128x128xf32>
    %dot_general3A_15 = arith.constant dense<0.000000e+00> : vector<1024x128xf32>
    %dot_general3A_16 = tpu.matmul %max3A_11, %get3A_14, %dot_general3A_15 {dimension_numbers = #tpu.dot_dimension_numbers<[1], [0], [0], [1], [0, 0, 1, 1], [], []>, transpose_lhs_hint = false} : vector<1024x128xf32>, vector<128x128xf32>, vector<1024x128xf32> -> vector<1024x128xf32>
    %get3A_17 = arith.constant 0 : index
    %get3A_18 = arith.constant 0 : index
    %get3A_19 = vector.load %arg5[%get3A_17, %get3A_18] : memref<1x128xf32, #tpu.memory_space<vmem>>, vector<1x128xf32>
    %add3A_20 = vector.broadcast %get3A_19 : vector<1x128xf32> to vector<1024x128xf32>
    %add3A_21 = arith.addf %dot_general3A_16, %add3A_20 : vector<1024x128xf32>
    %swap3A = arith.constant 0 : index
    %swap3A_22 = arith.constant 0 : index
    %swap3A_23 = vector.load %arg9[%swap3A, %swap3A_22] : memref<1024x128xf32, #tpu.memory_space<vmem>>, vector<1024x128xf32>
    tpu.vector_store %arg9[%swap3A, %swap3A_22], %add3A_21 {strides = array<i32>} : memref<1024x128xf32, #tpu.memory_space<vmem>>, vector<1024x128xf32>,
    %get3A_24 = arith.constant 0 : index
    %get3A_25 = arith.constant 0 : index
    %get3A_26 = vector.load %arg6[%get3A_24, %get3A_25] : memref<128x128xf32, #tpu.memory_space<vmem>>, vector<128x128xf32>
    %dot_general3A_27 = arith.constant dense<0.000000e+00> : vector<1024x128xf32>
    %dot_general3A_28 = tpu.matmul %add3A_21, %get3A_26, %dot_general3A_27 {dimension_numbers = #tpu.dot_dimension_numbers<[1], [0], [0], [1], [0, 0, 1, 1], [], []>, transpose_lhs_hint = false} : vector<1024x128xf32>, vector<128x128xf32>, vector<1024x128xf32> -> vector<1024x128xf32>
    %swap3A_29 = arith.constant 0 : index
    %swap3A_30 = arith.constant 0 : index
    %swap3A_31 = vector.load %arg10[%swap3A_29, %swap3A_30] : memref<1024x128xf32, #tpu.memory_space<vmem>>, vector<1024x128xf32>
    tpu.vector_store %arg10[%swap3A_29, %swap3A_30], %dot_general3A_28 {strides = array<i32>} : memref<1024x128xf32, #tpu.memory_space<vmem>>, vector<1024x128xf32>,
    %get3A_32 = arith.constant 0 : index
    %get3A_33 = arith.constant 0 : index
    %get3A_34 = vector.load %arg7[%get3A_32, %get3A_33] : memref<128x128xf32, #tpu.memory_space<vmem>>, vector<128x128xf32>
    %dot_general3A_35 = arith.constant dense<0.000000e+00> : vector<1024x128xf32>
    %dot_general3A_36 = tpu.matmul %add3A_21, %get3A_34, %dot_general3A_35 {dimension_numbers = #tpu.dot_dimension_numbers<[1], [0], [0], [1], [0, 0, 1, 1], [], []>, transpose_lhs_hint = false} : vector<1024x128xf32>, vector<128x128xf32>, vector<1024x128xf32> -> vector<1024x128xf32>
    %get3A_37 = arith.constant 0 : index
    %get3A_38 = arith.constant 0 : index
    %get3A_39 = vector.load %arg8[%get3A_37, %get3A_38] : memref<1x128xf32, #tpu.memory_space<vmem>>, vector<1x128xf32>
    %add3A_40 = vector.broadcast %get3A_39 : vector<1x128xf32> to vector<1024x128xf32>
    %add3A_41 = arith.addf %dot_general3A_36, %add3A_40 : vector<1024x128xf32>
    %swap3A_42 = arith.constant 0 : index
    %swap3A_43 = arith.constant 0 : index
    %swap3A_44 = vector.load %arg11[%swap3A_42, %swap3A_43] : memref<1024x128xf32, #tpu.memory_space<vmem>>, vector<1024x128xf32>
    tpu.vector_store %arg11[%swap3A_42, %swap3A_43], %add3A_41 {strides = array<i32>} : memref<1024x128xf32, #tpu.memory_space<vmem>>, vector<1024x128xf32>,
    return
  }
  func.func @transform_0(%arg0: i32) -> (i32, i32) {
    %c0_i32 = arith.constant 0 : i32
    %c0_i32_0 = arith.constant 0 : i32
    return %arg0, %c0_i32 : i32, i32
  }
  func.func @transform_1(%arg0: i32) -> (i32, i32) {
    %c0_i32 = arith.constant 0 : i32
    %c0_i32_0 = arith.constant 0 : i32
    %c0_i32_1 = arith.constant 0 : i32
    return %c0_i32, %c0_i32_0 : i32, i32
  }
  func.func @transform_2(%arg0: i32) -> (i32, i32) {
    %c0_i32 = arith.constant 0 : i32
    %c0_i32_0 = arith.constant 0 : i32
    %c0_i32_1 = arith.constant 0 : i32
    return %c0_i32, %c0_i32_0 : i32, i32
  }
  func.func @transform_3(%arg0: i32) -> (i32, i32) {
    %c0_i32 = arith.constant 0 : i32
    %c0_i32_0 = arith.constant 0 : i32
    %c0_i32_1 = arith.constant 0 : i32
    return %c0_i32, %c0_i32_0 : i32, i32
  }
  func.func @transform_4(%arg0: i32) -> (i32, i32) {
    %c0_i32 = arith.constant 0 : i32
    %c0_i32_0 = arith.constant 0 : i32
    %c0_i32_1 = arith.constant 0 : i32
    return %c0_i32, %c0_i32_0 : i32, i32
  }
  func.func @transform_5(%arg0: i32) -> (i32, i32) {
    %c0_i32 = arith.constant 0 : i32
    %c0_i32_0 = arith.constant 0 : i32
    %c0_i32_1 = arith.constant 0 : i32
    return %c0_i32, %c0_i32_0 : i32, i32
  }
  func.func @transform_6(%arg0: i32) -> (i32, i32) {
    %c0_i32 = arith.constant 0 : i32
    %c0_i32_0 = arith.constant 0 : i32
    %c0_i32_1 = arith.constant 0 : i32
    return %c0_i32, %c0_i32_0 : i32, i32
  }
  func.func @transform_7(%arg0: i32) -> (i32, i32) {
    %c0_i32 = arith.constant 0 : i32
    %c0_i32_0 = arith.constant 0 : i32
    %c0_i32_1 = arith.constant 0 : i32
    return %c0_i32, %c0_i32_0 : i32, i32
  }
  func.func @transform_8(%arg0: i32) -> (i32, i32) {
    %c0_i32 = arith.constant 0 : i32
    %c0_i32_0 = arith.constant 0 : i32
    return %arg0, %c0_i32 : i32, i32
  }
  func.func @transform_9(%arg0: i32) -> (i32, i32) {
    %c0_i32 = arith.constant 0 : i32
    %c0_i32_0 = arith.constant 0 : i32
    return %arg0, %c0_i32 : i32, i32
  }
  func.func @transform_10(%arg0: i32) -> (i32, i32) {
    %c0_i32 = arith.constant 0 : i32
    %c0_i32_0 = arith.constant 0 : i32
    return %arg0, %c0_i32 : i32, i32
  }
}

module attributes {stable_mosaic.version = 14 : i64} {
  func.func @_edge_body(%arg0: i32, %arg1: memref<1x16xf32, #tpu.memory_space<vmem>>, %arg2: memref<16x128xf32, #tpu.memory_space<vmem>>, %arg3: memref<128x128xf32, #tpu.memory_space<vmem>>, %arg4: memref<1x128xf32, #tpu.memory_space<vmem>>, %arg5: memref<2048x128xf32, #tpu.memory_space<vmem>>, %arg6: memref<1x8x2048xf32, #tpu.memory_space<vmem>>, %arg7: memref<2048x128xf32, #tpu.memory_space<vmem>>) attributes {dimension_semantics = [#tpu.dimension_semantics<arbitrary>], iteration_bounds = array<i64: 160>, scalar_prefetch = 0 : i64, scratch_operands = 0 : i64, tpu.core_type = #tpu.core_type<tc>, window_params = [{pipeline_mode = #tpu.pipeline_mode<synchronous>, transform_indices = @transform_0, window_bounds = array<i64: 1, 16>}, {pipeline_mode = #tpu.pipeline_mode<synchronous>, transform_indices = @transform_1, window_bounds = array<i64: 16, 128>}, {pipeline_mode = #tpu.pipeline_mode<synchronous>, transform_indices = @transform_2, window_bounds = array<i64: 128, 128>}, {pipeline_mode = #tpu.pipeline_mode<synchronous>, transform_indices = @transform_3, window_bounds = array<i64: 1, 128>}, {transform_indices = @transform_4, window_bounds = array<i64: 2048, 128>}, {transform_indices = @transform_5, window_bounds = array<i64: 1, 8, 2048>}, {transform_indices = @transform_6, window_bounds = array<i64: 2048, 128>}]} {
    %get3A = arith.constant 0 : index
    %get3A_0 = arith.constant 0 : index
    %get3A_1 = arith.constant 0 : index
    %get3A_2 = vector.load %arg6[%get3A, %get3A_0, %get3A_1] : memref<1x8x2048xf32, #tpu.memory_space<vmem>>, vector<1x8x2048xf32>
    %get3A_3 = vector.shape_cast %get3A_2 : vector<1x8x2048xf32> to vector<8x2048xf32>
    %transpose3A = tpu.transpose %get3A_3, [1, 0] : vector<8x2048xf32> -> vector<2048x8xf32>
    %slice3A = vector.extract_strided_slice %transpose3A {offsets = [0, 0], sizes = [2048, 1], strides = [1, 1]} : vector<2048x8xf32> to vector<2048x1xf32>
    %add3A = arith.constant 9.99999993E-9 : f32
    %add3A_4 = vector.broadcast %add3A : f32 to vector<2048x1xf32>
    %add3A_5 = arith.addf %slice3A, %add3A_4 : vector<2048x1xf32>
    %sqrt3A = math.sqrt %add3A_5 : vector<2048x1xf32>
    %get3A_6 = arith.constant 0 : index
    %get3A_7 = arith.constant 0 : index
    %get3A_8 = vector.load %arg1[%get3A_6, %get3A_7] : memref<1x16xf32, #tpu.memory_space<vmem>>, vector<1x16xf32>
    %sub3A = vector.broadcast %sqrt3A : vector<2048x1xf32> to vector<2048x16xf32>
    %sub3A_9 = vector.broadcast %get3A_8 : vector<1x16xf32> to vector<2048x16xf32>
    %sub3A_10 = arith.subf %sub3A, %sub3A_9 : vector<2048x16xf32>
    %mul3A = arith.mulf %sub3A_10, %sub3A_10 : vector<2048x16xf32>
    %neg3A = arith.constant 0.000000e+00 : f32
    %neg3A_11 = vector.broadcast %neg3A : f32 to vector<2048x16xf32>
    %neg3A_12 = arith.subf %neg3A_11, %mul3A : vector<2048x16xf32>
    %div3A = arith.constant 0.0177777782 : f32
    %div3A_13 = vector.broadcast %div3A : f32 to vector<2048x16xf32>
    %div3A_14 = arith.divf %neg3A_12, %div3A_13 : vector<2048x16xf32>
    %exp3A = math.exp %div3A_14 : vector<2048x16xf32>
    %get3A_15 = arith.constant 0 : index
    %get3A_16 = arith.constant 0 : index
    %get3A_17 = vector.load %arg2[%get3A_15, %get3A_16] : memref<16x128xf32, #tpu.memory_space<vmem>>, vector<16x128xf32>
    %dot_general3A = arith.constant dense<0.000000e+00> : vector<2048x128xf32>
    %dot_general3A_18 = tpu.matmul %exp3A, %get3A_17, %dot_general3A {dimension_numbers = #tpu.dot_dimension_numbers<[1], [0], [0], [1], [0, 0, 1, 1], [], []>, transpose_lhs_hint = false} : vector<2048x16xf32>, vector<16x128xf32>, vector<2048x128xf32> -> vector<2048x128xf32>
    %get3A_19 = arith.constant 0 : index
    %get3A_20 = arith.constant 0 : index
    %get3A_21 = vector.load %arg5[%get3A_19, %get3A_20] : memref<2048x128xf32, #tpu.memory_space<vmem>>, vector<2048x128xf32>
    %add3A_22 = arith.addf %get3A_21, %dot_general3A_18 : vector<2048x128xf32>
    %max3A = arith.constant 0.000000e+00 : f32
    %max3A_23 = vector.broadcast %max3A : f32 to vector<2048x128xf32>
    %max3A_24 = arith.maximumf %add3A_22, %max3A_23 : vector<2048x128xf32>
    %get3A_25 = arith.constant 0 : index
    %get3A_26 = arith.constant 0 : index
    %get3A_27 = vector.load %arg3[%get3A_25, %get3A_26] : memref<128x128xf32, #tpu.memory_space<vmem>>, vector<128x128xf32>
    %dot_general3A_28 = arith.constant dense<0.000000e+00> : vector<2048x128xf32>
    %dot_general3A_29 = tpu.matmul %max3A_24, %get3A_27, %dot_general3A_28 {dimension_numbers = #tpu.dot_dimension_numbers<[1], [0], [0], [1], [0, 0, 1, 1], [], []>, transpose_lhs_hint = false} : vector<2048x128xf32>, vector<128x128xf32>, vector<2048x128xf32> -> vector<2048x128xf32>
    %get3A_30 = arith.constant 0 : index
    %get3A_31 = arith.constant 0 : index
    %get3A_32 = vector.load %arg4[%get3A_30, %get3A_31] : memref<1x128xf32, #tpu.memory_space<vmem>>, vector<1x128xf32>
    %add3A_33 = vector.broadcast %get3A_32 : vector<1x128xf32> to vector<2048x128xf32>
    %add3A_34 = arith.addf %dot_general3A_29, %add3A_33 : vector<2048x128xf32>
    %swap3A = arith.constant 0 : index
    %swap3A_35 = arith.constant 0 : index
    %swap3A_36 = vector.load %arg7[%swap3A, %swap3A_35] : memref<2048x128xf32, #tpu.memory_space<vmem>>, vector<2048x128xf32>
    tpu.vector_store %arg7[%swap3A, %swap3A_35], %add3A_34 {strides = array<i32>} : memref<2048x128xf32, #tpu.memory_space<vmem>>, vector<2048x128xf32>,
    return
  }
  func.func @transform_0(%arg0: i32) -> (i32, i32) {
    %c0_i32 = arith.constant 0 : i32
    %c0_i32_0 = arith.constant 0 : i32
    %c0_i32_1 = arith.constant 0 : i32
    return %c0_i32, %c0_i32_0 : i32, i32
  }
  func.func @transform_1(%arg0: i32) -> (i32, i32) {
    %c0_i32 = arith.constant 0 : i32
    %c0_i32_0 = arith.constant 0 : i32
    %c0_i32_1 = arith.constant 0 : i32
    return %c0_i32, %c0_i32_0 : i32, i32
  }
  func.func @transform_2(%arg0: i32) -> (i32, i32) {
    %c0_i32 = arith.constant 0 : i32
    %c0_i32_0 = arith.constant 0 : i32
    %c0_i32_1 = arith.constant 0 : i32
    return %c0_i32, %c0_i32_0 : i32, i32
  }
  func.func @transform_3(%arg0: i32) -> (i32, i32) {
    %c0_i32 = arith.constant 0 : i32
    %c0_i32_0 = arith.constant 0 : i32
    %c0_i32_1 = arith.constant 0 : i32
    return %c0_i32, %c0_i32_0 : i32, i32
  }
  func.func @transform_4(%arg0: i32) -> (i32, i32) {
    %c0_i32 = arith.constant 0 : i32
    %c0_i32_0 = arith.constant 0 : i32
    return %arg0, %c0_i32 : i32, i32
  }
  func.func @transform_5(%arg0: i32) -> (i32, i32, i32) {
    %c0_i32 = arith.constant 0 : i32
    %c0_i32_0 = arith.constant 0 : i32
    %c0_i32_1 = arith.constant 0 : i32
    return %arg0, %c0_i32, %c0_i32_0 : i32, i32, i32
  }
  func.func @transform_6(%arg0: i32) -> (i32, i32) {
    %c0_i32 = arith.constant 0 : i32
    %c0_i32_0 = arith.constant 0 : i32
    return %arg0, %c0_i32 : i32, i32
  }
}

module attributes {stable_mosaic.version = 14 : i64} {
  func.func @_node_body(%arg0: i32, %arg1: memref<1024x128xf32, #tpu.memory_space<vmem>>, %arg2: memref<1024x128xf32, #tpu.memory_space<vmem>>, %arg3: memref<1024x128xf32, #tpu.memory_space<vmem>>, %arg4: memref<128x128xf32, #tpu.memory_space<vmem>>, %arg5: memref<128x128xf32, #tpu.memory_space<vmem>>, %arg6: memref<1x128xf32, #tpu.memory_space<vmem>>, %arg7: memref<128x128xf32, #tpu.memory_space<vmem>>, %arg8: memref<1x128xf32, #tpu.memory_space<vmem>>, %arg9: memref<1x128xf32, #tpu.memory_space<vmem>>, %arg10: memref<1x128xf32, #tpu.memory_space<vmem>>, %arg11: memref<128x128xf32, #tpu.memory_space<vmem>>, %arg12: memref<128x128xf32, #tpu.memory_space<vmem>>, %arg13: memref<1x128xf32, #tpu.memory_space<vmem>>, %arg14: memref<1024x128xf32, #tpu.memory_space<vmem>>, %arg15: memref<1024x128xf32, #tpu.memory_space<vmem>>) attributes {dimension_semantics = [#tpu.dimension_semantics<arbitrary>], iteration_bounds = array<i64: 10>, scalar_prefetch = 0 : i64, scratch_operands = 0 : i64, tpu.core_type = #tpu.core_type<tc>, window_params = [{transform_indices = @transform_0, window_bounds = array<i64: 1024, 128>}, {transform_indices = @transform_1, window_bounds = array<i64: 1024, 128>}, {transform_indices = @transform_2, window_bounds = array<i64: 1024, 128>}, {pipeline_mode = #tpu.pipeline_mode<synchronous>, transform_indices = @transform_3, window_bounds = array<i64: 128, 128>}, {pipeline_mode = #tpu.pipeline_mode<synchronous>, transform_indices = @transform_4, window_bounds = array<i64: 128, 128>}, {pipeline_mode = #tpu.pipeline_mode<synchronous>, transform_indices = @transform_5, window_bounds = array<i64: 1, 128>}, {pipeline_mode = #tpu.pipeline_mode<synchronous>, transform_indices = @transform_6, window_bounds = array<i64: 128, 128>}, {pipeline_mode = #tpu.pipeline_mode<synchronous>, transform_indices = @transform_7, window_bounds = array<i64: 1, 128>}, {pipeline_mode = #tpu.pipeline_mode<synchronous>, transform_indices = @transform_8, window_bounds = array<i64: 1, 128>}, {pipeline_mode = #tpu.pipeline_mode<synchronous>, transform_indices = @transform_9, window_bounds = array<i64: 1, 128>}, {pipeline_mode = #tpu.pipeline_mode<synchronous>, transform_indices = @transform_10, window_bounds = array<i64: 128, 128>}, {pipeline_mode = #tpu.pipeline_mode<synchronous>, transform_indices = @transform_11, window_bounds = array<i64: 128, 128>}, {pipeline_mode = #tpu.pipeline_mode<synchronous>, transform_indices = @transform_12, window_bounds = array<i64: 1, 128>}, {transform_indices = @transform_13, window_bounds = array<i64: 1024, 128>}, {transform_indices = @transform_14, window_bounds = array<i64: 1024, 128>}]} {
    %get3A = arith.constant 0 : index
    %get3A_0 = arith.constant 0 : index
    %get3A_1 = vector.load %arg1[%get3A, %get3A_0] : memref<1024x128xf32, #tpu.memory_space<vmem>>, vector<1024x128xf32>
    %get3A_2 = arith.constant 0 : index
    %get3A_3 = arith.constant 0 : index
    %get3A_4 = vector.load %arg2[%get3A_2, %get3A_3] : memref<1024x128xf32, #tpu.memory_space<vmem>>, vector<1024x128xf32>
    %get3A_5 = arith.constant 0 : index
    %get3A_6 = arith.constant 0 : index
    %get3A_7 = vector.load %arg3[%get3A_5, %get3A_6] : memref<1024x128xf32, #tpu.memory_space<vmem>>, vector<1024x128xf32>
    %add3A = arith.addf %get3A_4, %get3A_7 : vector<1024x128xf32>
    %get3A_8 = arith.constant 0 : index
    %get3A_9 = arith.constant 0 : index
    %get3A_10 = vector.load %arg4[%get3A_8, %get3A_9] : memref<128x128xf32, #tpu.memory_space<vmem>>, vector<128x128xf32>
    %dot_general3A = arith.constant dense<0.000000e+00> : vector<1024x128xf32>
    %dot_general3A_11 = tpu.matmul %get3A_1, %get3A_10, %dot_general3A {dimension_numbers = #tpu.dot_dimension_numbers<[1], [0], [0], [1], [0, 0, 1, 1], [], []>, transpose_lhs_hint = false} : vector<1024x128xf32>, vector<128x128xf32>, vector<1024x128xf32> -> vector<1024x128xf32>
    %get3A_12 = arith.constant 0 : index
    %get3A_13 = arith.constant 0 : index
    %get3A_14 = vector.load %arg5[%get3A_12, %get3A_13] : memref<128x128xf32, #tpu.memory_space<vmem>>, vector<128x128xf32>
    %dot_general3A_15 = arith.constant dense<0.000000e+00> : vector<1024x128xf32>
    %dot_general3A_16 = tpu.matmul %add3A, %get3A_14, %dot_general3A_15 {dimension_numbers = #tpu.dot_dimension_numbers<[1], [0], [0], [1], [0, 0, 1, 1], [], []>, transpose_lhs_hint = false} : vector<1024x128xf32>, vector<128x128xf32>, vector<1024x128xf32> -> vector<1024x128xf32>
    %add3A_17 = arith.addf %dot_general3A_11, %dot_general3A_16 : vector<1024x128xf32>
    %get3A_18 = arith.constant 0 : index
    %get3A_19 = arith.constant 0 : index
    %get3A_20 = vector.load %arg6[%get3A_18, %get3A_19] : memref<1x128xf32, #tpu.memory_space<vmem>>, vector<1x128xf32>
    %add3A_21 = vector.broadcast %get3A_20 : vector<1x128xf32> to vector<1024x128xf32>
    %add3A_22 = arith.addf %add3A_17, %add3A_21 : vector<1024x128xf32>
    %max3A = arith.constant 0.000000e+00 : f32
    %max3A_23 = vector.broadcast %max3A : f32 to vector<1024x128xf32>
    %max3A_24 = arith.maximumf %add3A_22, %max3A_23 : vector<1024x128xf32>
    %get3A_25 = arith.constant 0 : index
    %get3A_26 = arith.constant 0 : index
    %get3A_27 = vector.load %arg7[%get3A_25, %get3A_26] : memref<128x128xf32, #tpu.memory_space<vmem>>, vector<128x128xf32>
    %dot_general3A_28 = arith.constant dense<0.000000e+00> : vector<1024x128xf32>
    %dot_general3A_29 = tpu.matmul %max3A_24, %get3A_27, %dot_general3A_28 {dimension_numbers = #tpu.dot_dimension_numbers<[1], [0], [0], [1], [0, 0, 1, 1], [], []>, transpose_lhs_hint = false} : vector<1024x128xf32>, vector<128x128xf32>, vector<1024x128xf32> -> vector<1024x128xf32>
    %get3A_30 = arith.constant 0 : index
    %get3A_31 = arith.constant 0 : index
    %get3A_32 = vector.load %arg8[%get3A_30, %get3A_31] : memref<1x128xf32, #tpu.memory_space<vmem>>, vector<1x128xf32>
    %add3A_33 = vector.broadcast %get3A_32 : vector<1x128xf32> to vector<1024x128xf32>
    %add3A_34 = arith.addf %dot_general3A_29, %add3A_33 : vector<1024x128xf32>
    %add3A_35 = arith.addf %get3A_1, %add3A_34 : vector<1024x128xf32>
    %reduce_sum3A = arith.constant dense<0.000000e+00> : vector<1024xf32>
    %reduce_sum3A_36 = vector.multi_reduction <add>, %add3A_35, %reduce_sum3A [1] : vector<1024x128xf32> to vector<1024xf32>
    %broadcast_in_dim3A = vector.shape_cast %reduce_sum3A_36 : vector<1024xf32> to vector<1024x1xf32>
    %div3A = arith.constant 1.280000e+02 : f32
    %div3A_37 = vector.broadcast %div3A : f32 to vector<1024x1xf32>
    %div3A_38 = arith.divf %broadcast_in_dim3A, %div3A_37 : vector<1024x1xf32>
    %sub3A = vector.broadcast %div3A_38 : vector<1024x1xf32> to vector<1024x128xf32>
    %sub3A_39 = arith.subf %add3A_35, %sub3A : vector<1024x128xf32>
    %integer_pow3A = arith.mulf %sub3A_39, %sub3A_39 : vector<1024x128xf32>
    %reduce_sum3A_40 = arith.constant dense<0.000000e+00> : vector<1024xf32>
    %reduce_sum3A_41 = vector.multi_reduction <add>, %integer_pow3A, %reduce_sum3A_40 [1] : vector<1024x128xf32> to vector<1024xf32>
    %broadcast_in_dim3A_42 = vector.shape_cast %reduce_sum3A_41 : vector<1024xf32> to vector<1024x1xf32>
    %div3A_43 = arith.constant 1.280000e+02 : f32
    %div3A_44 = vector.broadcast %div3A_43 : f32 to vector<1024x1xf32>
    %div3A_45 = arith.divf %broadcast_in_dim3A_42, %div3A_44 : vector<1024x1xf32>
    %sub3A_46 = vector.broadcast %div3A_38 : vector<1024x1xf32> to vector<1024x128xf32>
    %sub3A_47 = arith.subf %add3A_35, %sub3A_46 : vector<1024x128xf32>
    %add3A_48 = arith.constant 9.99999974E-6 : f32
    %add3A_49 = vector.broadcast %add3A_48 : f32 to vector<1024x1xf32>
    %add3A_50 = arith.addf %div3A_45, %add3A_49 : vector<1024x1xf32>
    %sqrt3A = math.sqrt %add3A_50 : vector<1024x1xf32>
    %div3A_51 = vector.broadcast %sqrt3A : vector<1024x1xf32> to vector<1024x128xf32>
    %div3A_52 = arith.divf %sub3A_47, %div3A_51 : vector<1024x128xf32>
    %get3A_53 = arith.constant 0 : index
    %get3A_54 = arith.constant 0 : index
    %get3A_55 = vector.load %arg9[%get3A_53, %get3A_54] : memref<1x128xf32, #tpu.memory_space<vmem>>, vector<1x128xf32>
    %mul3A = vector.broadcast %get3A_55 : vector<1x128xf32> to vector<1024x128xf32>
    %mul3A_56 = arith.mulf %div3A_52, %mul3A : vector<1024x128xf32>
    %get3A_57 = arith.constant 0 : index
    %get3A_58 = arith.constant 0 : index
    %get3A_59 = vector.load %arg10[%get3A_57, %get3A_58] : memref<1x128xf32, #tpu.memory_space<vmem>>, vector<1x128xf32>
    %add3A_60 = vector.broadcast %get3A_59 : vector<1x128xf32> to vector<1024x128xf32>
    %add3A_61 = arith.addf %mul3A_56, %add3A_60 : vector<1024x128xf32>
    %get3A_62 = arith.constant 0 : index
    %get3A_63 = arith.constant 0 : index
    %get3A_64 = vector.load %arg11[%get3A_62, %get3A_63] : memref<128x128xf32, #tpu.memory_space<vmem>>, vector<128x128xf32>
    %dot_general3A_65 = arith.constant dense<0.000000e+00> : vector<1024x128xf32>
    %dot_general3A_66 = tpu.matmul %add3A_61, %get3A_64, %dot_general3A_65 {dimension_numbers = #tpu.dot_dimension_numbers<[1], [0], [0], [1], [0, 0, 1, 1], [], []>, transpose_lhs_hint = false} : vector<1024x128xf32>, vector<128x128xf32>, vector<1024x128xf32> -> vector<1024x128xf32>
    %swap3A = arith.constant 0 : index
    %swap3A_67 = arith.constant 0 : index
    %swap3A_68 = vector.load %arg14[%swap3A, %swap3A_67] : memref<1024x128xf32, #tpu.memory_space<vmem>>, vector<1024x128xf32>
    tpu.vector_store %arg14[%swap3A, %swap3A_67], %dot_general3A_66 {strides = array<i32>} : memref<1024x128xf32, #tpu.memory_space<vmem>>, vector<1024x128xf32>,
    %get3A_69 = arith.constant 0 : index
    %get3A_70 = arith.constant 0 : index
    %get3A_71 = vector.load %arg12[%get3A_69, %get3A_70] : memref<128x128xf32, #tpu.memory_space<vmem>>, vector<128x128xf32>
    %dot_general3A_72 = arith.constant dense<0.000000e+00> : vector<1024x128xf32>
    %dot_general3A_73 = tpu.matmul %add3A_61, %get3A_71, %dot_general3A_72 {dimension_numbers = #tpu.dot_dimension_numbers<[1], [0], [0], [1], [0, 0, 1, 1], [], []>, transpose_lhs_hint = false} : vector<1024x128xf32>, vector<128x128xf32>, vector<1024x128xf32> -> vector<1024x128xf32>
    %get3A_74 = arith.constant 0 : index
    %get3A_75 = arith.constant 0 : index
    %get3A_76 = vector.load %arg13[%get3A_74, %get3A_75] : memref<1x128xf32, #tpu.memory_space<vmem>>, vector<1x128xf32>
    %add3A_77 = vector.broadcast %get3A_76 : vector<1x128xf32> to vector<1024x128xf32>
    %add3A_78 = arith.addf %dot_general3A_73, %add3A_77 : vector<1024x128xf32>
    %swap3A_79 = arith.constant 0 : index
    %swap3A_80 = arith.constant 0 : index
    %swap3A_81 = vector.load %arg15[%swap3A_79, %swap3A_80] : memref<1024x128xf32, #tpu.memory_space<vmem>>, vector<1024x128xf32>
    tpu.vector_store %arg15[%swap3A_79, %swap3A_80], %add3A_78 {strides = array<i32>} : memref<1024x128xf32, #tpu.memory_space<vmem>>, vector<1024x128xf32>,
    return
  }
  func.func @transform_0(%arg0: i32) -> (i32, i32) {
    %c0_i32 = arith.constant 0 : i32
    %c0_i32_0 = arith.constant 0 : i32
    return %arg0, %c0_i32 : i32, i32
  }
  func.func @transform_1(%arg0: i32) -> (i32, i32) {
    %c0_i32 = arith.constant 0 : i32
    %c0_i32_0 = arith.constant 0 : i32
    return %arg0, %c0_i32 : i32, i32
  }
  func.func @transform_2(%arg0: i32) -> (i32, i32) {
    %c0_i32 = arith.constant 0 : i32
    %c0_i32_0 = arith.constant 0 : i32
    return %arg0, %c0_i32 : i32, i32
  }
  func.func @transform_3(%arg0: i32) -> (i32, i32) {
    %c0_i32 = arith.constant 0 : i32
    %c0_i32_0 = arith.constant 0 : i32
    %c0_i32_1 = arith.constant 0 : i32
    return %c0_i32, %c0_i32_0 : i32, i32
  }
  func.func @transform_4(%arg0: i32) -> (i32, i32) {
    %c0_i32 = arith.constant 0 : i32
    %c0_i32_0 = arith.constant 0 : i32
    %c0_i32_1 = arith.constant 0 : i32
    return %c0_i32, %c0_i32_0 : i32, i32
  }
  func.func @transform_5(%arg0: i32) -> (i32, i32) {
    %c0_i32 = arith.constant 0 : i32
    %c0_i32_0 = arith.constant 0 : i32
    %c0_i32_1 = arith.constant 0 : i32
    return %c0_i32, %c0_i32_0 : i32, i32
  }
  func.func @transform_6(%arg0: i32) -> (i32, i32) {
    %c0_i32 = arith.constant 0 : i32
    %c0_i32_0 = arith.constant 0 : i32
    %c0_i32_1 = arith.constant 0 : i32
    return %c0_i32, %c0_i32_0 : i32, i32
  }
  func.func @transform_7(%arg0: i32) -> (i32, i32) {
    %c0_i32 = arith.constant 0 : i32
    %c0_i32_0 = arith.constant 0 : i32
    %c0_i32_1 = arith.constant 0 : i32
    return %c0_i32, %c0_i32_0 : i32, i32
  }
  func.func @transform_8(%arg0: i32) -> (i32, i32) {
    %c0_i32 = arith.constant 0 : i32
    %c0_i32_0 = arith.constant 0 : i32
    %c0_i32_1 = arith.constant 0 : i32
    return %c0_i32, %c0_i32_0 : i32, i32
  }
  func.func @transform_9(%arg0: i32) -> (i32, i32) {
    %c0_i32 = arith.constant 0 : i32
    %c0_i32_0 = arith.constant 0 : i32
    %c0_i32_1 = arith.constant 0 : i32
    return %c0_i32, %c0_i32_0 : i32, i32
  }
  func.func @transform_10(%arg0: i32) -> (i32, i32) {
    %c0_i32 = arith.constant 0 : i32
    %c0_i32_0 = arith.constant 0 : i32
    %c0_i32_1 = arith.constant 0 : i32
    return %c0_i32, %c0_i32_0 : i32, i32
  }
  func.func @transform_11(%arg0: i32) -> (i32, i32) {
    %c0_i32 = arith.constant 0 : i32
    %c0_i32_0 = arith.constant 0 : i32
    %c0_i32_1 = arith.constant 0 : i32
    return %c0_i32, %c0_i32_0 : i32, i32
  }
  func.func @transform_12(%arg0: i32) -> (i32, i32) {
    %c0_i32 = arith.constant 0 : i32
    %c0_i32_0 = arith.constant 0 : i32
    %c0_i32_1 = arith.constant 0 : i32
    return %c0_i32, %c0_i32_0 : i32, i32
  }
  func.func @transform_13(%arg0: i32) -> (i32, i32) {
    %c0_i32 = arith.constant 0 : i32
    %c0_i32_0 = arith.constant 0 : i32
    return %arg0, %c0_i32 : i32, i32
  }
  func.func @transform_14(%arg0: i32) -> (i32, i32) {
    %c0_i32 = arith.constant 0 : i32
    %c0_i32_0 = arith.constant 0 : i32
    return %arg0, %c0_i32 : i32, i32
  }
}

module attributes {stable_mosaic.version = 14 : i64} {
  func.func @_pair_body(%arg0: i32, %arg1: memref<4x128xf32, #tpu.memory_space<vmem>>, %arg2: memref<128x1xf32, #tpu.memory_space<vmem>>, %arg3: memref<1x1xf32, #tpu.memory_space<vmem>>, %arg4: memref<2048x128xf32, #tpu.memory_space<vmem>>, %arg5: memref<1x8x2048xf32, #tpu.memory_space<vmem>>, %arg6: memref<2048x1xf32, #tpu.memory_space<vmem>>) attributes {dimension_semantics = [#tpu.dimension_semantics<arbitrary>], iteration_bounds = array<i64: 160>, scalar_prefetch = 0 : i64, scratch_operands = 0 : i64, tpu.core_type = #tpu.core_type<tc>, window_params = [{pipeline_mode = #tpu.pipeline_mode<synchronous>, transform_indices = @transform_0, window_bounds = array<i64: 4, 128>}, {pipeline_mode = #tpu.pipeline_mode<synchronous>, transform_indices = @transform_1, window_bounds = array<i64: 128, 1>}, {pipeline_mode = #tpu.pipeline_mode<synchronous>, transform_indices = @transform_2, window_bounds = array<i64: 1, 1>}, {transform_indices = @transform_3, window_bounds = array<i64: 2048, 128>}, {transform_indices = @transform_4, window_bounds = array<i64: 1, 8, 2048>}, {transform_indices = @transform_5, window_bounds = array<i64: 2048, 1>}]} {
    %get3A = arith.constant 0 : index
    %get3A_0 = arith.constant 0 : index
    %get3A_1 = arith.constant 0 : index
    %get3A_2 = vector.load %arg5[%get3A, %get3A_0, %get3A_1] : memref<1x8x2048xf32, #tpu.memory_space<vmem>>, vector<1x8x2048xf32>
    %get3A_3 = vector.shape_cast %get3A_2 : vector<1x8x2048xf32> to vector<8x2048xf32>
    %transpose3A = tpu.transpose %get3A_3, [1, 0] : vector<8x2048xf32> -> vector<2048x8xf32>
    %slice3A = vector.extract_strided_slice %transpose3A {offsets = [0, 0], sizes = [2048, 1], strides = [1, 1]} : vector<2048x8xf32> to vector<2048x1xf32>
    %add3A = arith.constant 9.99999993E-9 : f32
    %add3A_4 = vector.broadcast %add3A : f32 to vector<2048x1xf32>
    %add3A_5 = arith.addf %slice3A, %add3A_4 : vector<2048x1xf32>
    %sqrt3A = math.sqrt %add3A_5 : vector<2048x1xf32>
    %slice3A_6 = vector.extract_strided_slice %transpose3A {offsets = [0, 1], sizes = [2048, 1], strides = [1, 1]} : vector<2048x8xf32> to vector<2048x1xf32>
    %slice3A_7 = vector.extract_strided_slice %transpose3A {offsets = [0, 2], sizes = [2048, 1], strides = [1, 1]} : vector<2048x8xf32> to vector<2048x1xf32>
    %sub3A = arith.subf %slice3A_6, %slice3A_7 : vector<2048x1xf32>
    %abs3A = math.absf %sub3A : vector<2048x1xf32>
    %concatenate3A = tpu.concatenate %slice3A_6, %slice3A_7, %sqrt3A, %abs3A in 1 : vector<2048x1xf32>, vector<2048x1xf32>, vector<2048x1xf32>, vector<2048x1xf32> -> vector<2048x4xf32>
    %get3A_8 = arith.constant 0 : index
    %get3A_9 = arith.constant 0 : index
    %get3A_10 = vector.load %arg1[%get3A_8, %get3A_9] : memref<4x128xf32, #tpu.memory_space<vmem>>, vector<4x128xf32>
    %dot_general3A = arith.constant dense<0.000000e+00> : vector<2048x128xf32>
    %dot_general3A_11 = tpu.matmul %concatenate3A, %get3A_10, %dot_general3A {dimension_numbers = #tpu.dot_dimension_numbers<[1], [0], [0], [1], [0, 0, 1, 1], [], []>, transpose_lhs_hint = false} : vector<2048x4xf32>, vector<4x128xf32>, vector<2048x128xf32> -> vector<2048x128xf32>
    %get3A_12 = arith.constant 0 : index
    %get3A_13 = arith.constant 0 : index
    %get3A_14 = vector.load %arg4[%get3A_12, %get3A_13] : memref<2048x128xf32, #tpu.memory_space<vmem>>, vector<2048x128xf32>
    %add3A_15 = arith.addf %get3A_14, %dot_general3A_11 : vector<2048x128xf32>
    %max3A = arith.constant 0.000000e+00 : f32
    %max3A_16 = vector.broadcast %max3A : f32 to vector<2048x128xf32>
    %max3A_17 = arith.maximumf %add3A_15, %max3A_16 : vector<2048x128xf32>
    %get3A_18 = arith.constant 0 : index
    %get3A_19 = arith.constant 0 : index
    %get3A_20 = vector.load %arg2[%get3A_18, %get3A_19] : memref<128x1xf32, #tpu.memory_space<vmem>>, vector<128x1xf32>
    %dot_general3A_21 = arith.constant dense<0.000000e+00> : vector<2048x1xf32>
    %dot_general3A_22 = tpu.matmul %max3A_17, %get3A_20, %dot_general3A_21 {dimension_numbers = #tpu.dot_dimension_numbers<[1], [0], [0], [1], [0, 0, 1, 1], [], []>, transpose_lhs_hint = false} : vector<2048x128xf32>, vector<128x1xf32>, vector<2048x1xf32> -> vector<2048x1xf32>
    %get3A_23 = arith.constant 0 : index
    %get3A_24 = arith.constant 0 : index
    %get3A_25 = vector.load %arg3[%get3A_23, %get3A_24] : memref<1x1xf32, #tpu.memory_space<vmem>>, vector<1x1xf32>
    %add3A_26 = vector.broadcast %get3A_25 : vector<1x1xf32> to vector<2048x1xf32>
    %add3A_27 = arith.addf %dot_general3A_22, %add3A_26 : vector<2048x1xf32>
    %swap3A = arith.constant 0 : index
    %swap3A_28 = arith.constant 0 : index
    %swap3A_29 = vector.load %arg6[%swap3A, %swap3A_28] : memref<2048x1xf32, #tpu.memory_space<vmem>>, vector<2048x1xf32>
    tpu.vector_store %arg6[%swap3A, %swap3A_28], %add3A_27 {strides = array<i32>} : memref<2048x1xf32, #tpu.memory_space<vmem>>, vector<2048x1xf32>,
    return
  }
  func.func @transform_0(%arg0: i32) -> (i32, i32) {
    %c0_i32 = arith.constant 0 : i32
    %c0_i32_0 = arith.constant 0 : i32
    %c0_i32_1 = arith.constant 0 : i32
    return %c0_i32, %c0_i32_0 : i32, i32
  }
  func.func @transform_1(%arg0: i32) -> (i32, i32) {
    %c0_i32 = arith.constant 0 : i32
    %c0_i32_0 = arith.constant 0 : i32
    %c0_i32_1 = arith.constant 0 : i32
    return %c0_i32, %c0_i32_0 : i32, i32
  }
  func.func @transform_2(%arg0: i32) -> (i32, i32) {
    %c0_i32 = arith.constant 0 : i32
    %c0_i32_0 = arith.constant 0 : i32
    %c0_i32_1 = arith.constant 0 : i32
    return %c0_i32, %c0_i32_0 : i32, i32
  }
  func.func @transform_3(%arg0: i32) -> (i32, i32) {
    %c0_i32 = arith.constant 0 : i32
    %c0_i32_0 = arith.constant 0 : i32
    return %arg0, %c0_i32 : i32, i32
  }
  func.func @transform_4(%arg0: i32) -> (i32, i32, i32) {
    %c0_i32 = arith.constant 0 : i32
    %c0_i32_0 = arith.constant 0 : i32
    %c0_i32_1 = arith.constant 0 : i32
    return %arg0, %c0_i32, %c0_i32_0 : i32, i32, i32
  }
  func.func @transform_5(%arg0: i32) -> (i32, i32) {
    %c0_i32 = arith.constant 0 : i32
    %c0_i32_0 = arith.constant 0 : i32
    return %arg0, %c0_i32 : i32, i32
  }
}

</mosaic_0001>

<sc_bundles>
// kernel: kernel.12.cloned.1.call-start
scs
__scs_entry_jumppad:
0x0: {  	(pc) =	sbr.rel $0x88, $3  }
0x1: {  	(tag) =	ssettag $0x0;
	lr =	simm.s32 $0x1  }
0x2: {  	[smem:$0x3F8C] =	sst lr;
	_ =	strace $0xD0000000  }
0x3: {  	_ = 	snop  }
0x4: {  	_ = 	snop  }
0x5: {  	_ = 	snop  }
0x6: {  	_ = 	snop  }
0x7: {  	_ = 	snop  }
__scs_overlays_trampoline_lowered:
0x8: {  	[smem:$0x3F9B] =	sst s0  }
0x9: {  	[smem:$0x3F9C] =	sst s1  }
0xa: {  	[smem:$0x3F9D] =	sst s2  }
0xb: {  	[smem:$0x3F9E] =	sst s3  }
0xc: {  	[smem:$0x3F9F] =	sst s4  }
0xd: {  	[smem:$0x3FA0] =	sst s5  }
0xe: {  	[smem:$0x3FA1] =	sst s6  }
0xf: {  	[smem:$0x3FA2] =	sst s7  }
0x10: {  	[smem:$0x3FA3] =	sst s8  }
0x11: {  	[smem:$0x3FA4] =	sst s9;
	s0 =	simm.s32 @!p0 $0x0  }
0x12: {  	s1 =	sld [smem:$0x3F8A];
	s0 =	simm.s32 @p0 $0x1  }
0x13: {  	[smem:$0x3FA5] =	sst s0;
	s0 =	simm.s32 @!p1 $0x0  }
0x14: {  	s2 =	sld [smem:$0x3F89];
	s0 =	simm.s32 @p1 $0x1  }
0x15: {  	[smem:$0x3FA6] =	sst s0;
	s0 =	simm.s32 @!p2 $0x0  }
0x16: {  	s3 =	sld [smem:$0x3FDB];
	s0 =	simm.s32 @p2 $0x1  }
0x17: {  	s4 =	simm.s32 $0x1BF5;
	[smem:$0x3FA8] =	sst s0  }
0x18: {  	s0 =	sld [smem:$0x3F8B];
	_ =	swait.ge [sflag:s4], $0x0  }
0x19: {  	s7 =	sld [smem:$0x3F8C]  }
0x1a: {  	s8 =	sadd.s32 $0xFFFFE003, lr  }
0x1b: {  	s9 =	sadd.s32 $0xFFFFFEF7, lr;
	s5 =	simm.s32 $0xFFFFFFFF;
	p2 =	slt.u32 s8, $0xFFFFF086  }
0x1c: {  	p1 =	slt.u32 s9, $0xF7A;
	s5 =	simm.s32 @!p2 $0x0  }
0x1d: {  	s5 =	simm.s32 @p1 $0x1;
	p0 =	seq.s32 s7, s2  }
0x1e: {  	s7 =	smul.u32 @!p0 $0xF7A, s2;
	p2 =	seq.s32 @!p0 s5, $0x0  }
0x1f: {  	s9 =	smul.u32 $0xF7A, s1;
	s8 =	simm.s32 @!p0 $0x1BF5;
	p2 =	por !p2, p0  }
0x20: {  	[sflag:s8] =	ssyncset.s32 @!p0 $0xFFFFF086;
	s6 =	sadd.s32 @!p0 s3, s7;
	s7 =	simm.s32 @!p0 $0x108  }
0x21: {  	s3 =	sadd.s32 s3, s9;
	s6 =	sadd.s32 @!p0 $0x88, s6;
	s7 =	simm.s32 @p2 $0x1082  }
0x22: {  	[simem:s7], [sflag:s8] =	dma.local @!p0 [hbm:s6], $0xF7A  }
0x23: {  	s9 =	sor.u32 $0xD0000000, s2;
	s6 =	simm.s32 $0x108;
	_ =	swait.ge @!p0 [sflag:s8], $0x0  }
0x24: {  	s3 =	sadd.s32 $0x88, s3;
	s6 =	simm.s32 @!p1 $0x1082;
	[sflag:s4] =	ssyncset.s32 $0xFFFFF086  }
0x25: {  	[simem:s6], [sflag:s4] =	dma.local [hbm:s3], $0xF7A  }
0x26: {  	[smem:$0x3F8C] =	sst s1;
	(tag) =	ssettag s2;
	_ =	strace s9  }
0x27: {  	s1 =	sld [smem:$0x3F9C]  }
0x28: {  	s2 =	sld [smem:$0x3F9D]  }
0x29: {  	s4 =	sld [smem:$0x3F9F]  }
0x2a: {  	p0 =	seq.s32 s5, $0x0;
	s5 =	sld [smem:$0x3FA0]  }
0x2b: {  	s6 =	sld [smem:$0x3FA1]  }
0x2c: {  	s7 =	sld [smem:$0x3FA2]  }
0x2d: {  	s3 =	simm.s32 $0x108;
	s8 =	sld [smem:$0x3FA3]  }
0x2e: {  	s3 =	simm.s32 @!p0 $0x1082;
	s9 =	sld [smem:$0x3FA4]  }
0x2f: {  	lr =	sadd.s32 s0, s3;
	s0 =	sld [smem:$0x3F9B]  }
0x30: {  	s3 =	sld [smem:$0x3F9E]  }
0x31: {  	[smem:$0x3FA7] =	sst s10  }
0x32: {  	s10 =	sld [smem:$0x3FA5];
	_ =	sdelay $0x3  }
0x33: {  	p0 =	seq.s32 s10, $0x1;
	s10 =	sld [smem:$0x3FA7];
	_ =	sdelay $0x3  }
0x34: {  	[smem:$0x3FA7] =	sst s10  }
0x35: {  	s10 =	sld [smem:$0x3FA6];
	_ =	sdelay $0x3  }
0x36: {  	p1 =	seq.s32 s10, $0x1;
	s10 =	sld [smem:$0x3FA7];
	_ =	sdelay $0x3  }
0x37: {  	[smem:$0x3FA7] =	sst s10  }
0x38: {  	s10 =	sld [smem:$0x3FA8]  }
0x39: {  	_ = 	snop;
	(pc) =	sbr.ind lr, $3  }
0x3a: {  	_ = 	snop  }
0x3b: {  	_ = 	snop  }
0x3c: {  	p2 =	seq.s32 s10, $0x1;
	s10 =	sld [smem:$0x3FA7]  }
0x3d: {  	_ =	shalt  }
0x3e: {  	_ =	shalt  }
0x3f: {  	_ =	shalt  }
0x40: {  	_ =	shalt  }
0x41: {  	_ =	shalt  }
0x42: {  	_ =	shalt  }
0x43: {  	_ =	shalt  }
0x44: {  	_ =	shalt  }
0x45: {  	_ =	shalt  }
0x46: {  	_ =	shalt  }
0x47: {  	_ =	shalt  }
0x48: {  	_ =	shalt  }
0x49: {  	_ =	shalt  }
0x4a: {  	_ =	shalt  }
0x4b: {  	_ =	shalt  }
0x4c: {  	_ =	shalt  }
0x4d: {  	_ =	shalt  }
0x4e: {  	_ =	shalt  }
0x4f: {  	_ =	shalt  }
0x50: {  	_ =	shalt  }
0x51: {  	_ =	shalt  }
0x52: {  	_ =	shalt  }
0x53: {  	_ =	shalt  }
0x54: {  	_ =	shalt  }
0x55: {  	_ =	shalt  }
0x56: {  	_ =	shalt  }
0x57: {  	_ =	shalt  }
0x58: {  	_ =	shalt  }
0x59: {  	_ =	shalt  }
0x5a: {  	_ =	shalt  }
0x5b: {  	_ =	shalt  }
0x5c: {  	_ =	shalt  }
0x5d: {  	_ =	shalt  }
0x5e: {  	_ =	shalt  }
0x5f: {  	_ =	shalt  }
0x60: {  	_ =	shalt  }
0x61: {  	_ =	shalt  }
0x62: {  	_ =	shalt  }
0x63: {  	_ =	shalt  }
0x64: {  	_ =	shalt  }
0x65: {  	_ =	shalt  }
0x66: {  	_ =	shalt  }
0x67: {  	_ =	shalt  }
0x68: {  	_ =	shalt  }
0x69: {  	_ =	shalt  }
0x6a: {  	_ =	shalt  }
0x6b: {  	_ =	shalt  }
0x6c: {  	_ =	shalt  }
0x6d: {  	_ =	shalt  }
0x6e: {  	_ =	shalt  }
0x6f: {  	_ =	shalt  }
0x70: {  	_ =	shalt  }
0x71: {  	_ =	shalt  }
0x72: {  	_ =	shalt  }
0x73: {  	_ =	shalt  }
0x74: {  	_ =	shalt  }
0x75: {  	_ =	shalt  }
0x76: {  	_ =	shalt  }
0x77: {  	_ =	shalt  }
0x78: {  	_ =	shalt  }
0x79: {  	_ =	shalt  }
0x7a: {  	_ =	shalt  }
0x7b: {  	_ =	shalt  }
0x7c: {  	_ =	shalt  }
0x7d: {  	_ =	shalt  }
0x7e: {  	_ =	shalt  }
0x7f: {  	_ =	shalt  }
0x80: {  	_ =	shalt  }
0x81: {  	_ =	shalt  }
0x82: {  	_ =	shalt  }
0x83: {  	_ =	shalt  }
0x84: {  	_ =	shalt  }
0x85: {  	_ =	shalt  }
0x86: {  	_ =	shalt  }
0x87: {  	_ =	shalt  }
.Lfunc_end0:
.L_simem_size_0:
called_computation.1_lowered:
.L_overlay_start_0:
0x88: {  	s2 =	sld [smem:$0x3FD9]  }
0x89: {  	s3 =	sld [smem:$0x3FFE];
	_ =	sdelay $0x1  }
0x8a: {  	s1 =	srdreg.scid  }
0x8b: {  	s0 =	sand.u32 $0x1, s1  }
0x8c: {  	s17 =	sshll.u32 s0, $0xA;
	s2 =	sadd.s32 s3, s2  }
0x8d: {  	s2 =	sadd.s32 s2, s17  }
0x8e: {  	[smem:$0x3FB3] =	sst s2  }
0x8f: {  	_ = 	snop  }
0x90: {  	s2 =	sld [smem:$0x3FD0];
	(tm) =	ssettm $0x1  }
0x91: {  	s18 =	sld [smem:$0x3FFB];
	_ =	sdelay $0x3  }
0x92: {  	_ =	strace s18  }
0x93: {  	s3 =	sld [smem:$0x3FFC];
	_ =	sdelay $0x3  }
0x94: {  	_ =	strace s3  }
0x95: {  	s3 =	sld [smem:$0x3FFD];
	_ =	sdelay $0x3  }
0x96: {  	_ =	strace s3  }
0x97: {  	_ =	strace $0x8FFFFFFF  }
0x98: {  	s19 =	sld [smem:$0x3FDB];
	_ =	sdelay $0x1  }
0x99: {  	s4 =	simm.s32 $_scs_section_size  }
0x9a: {  	s5 =	simm.s32 $_size__tile_overlayer_lowered;
	s6 =	simm.s32 $_tile_overlayer_lowered  }
0x9b: {  	s22 =	simm.s32 $0x1BFF;
	s21 =	sshll.u32 s6, $0x1;
	s3 =	sadd.s32 s4, s19  }
0x9c: {  	s7 =	simm.s32 $0x0;
	s20 =	sshll.u32 s5, $0x1;
	s5 =	sadd.s32 s21, s3  }
0x9d: {  	[timem:s7], [sflag:s22] =	dma.local [hbm:s5], s20  }
0x9e: {  	_ =	swait.ge [sflag:s22], s20  }
0x9f: {  	s4 =	ssub.s32 $0x0, s20;
	[sflag:s22] =	ssyncset.done $0x0  }
0xa0: {  	[sflag:s22] =	ssyncadd.s32 s4;
	_ =	sdelay $0x1  }
0xa1: {  	s23 =	simm.s32 $0x1B8B  }
0xa2: {  	_ =	swait.ge [sflag:s23], $0x1  }
0xa3: {  	[sflag:s23] =	ssyncset.done $0x0  }
0xa4: {  	s25 =	simm.s32 $0x1B8E;
	s24 =	sld [smem:$0x3FFE];
	[sflag:s23] =	ssyncadd.s32 $0xFFFFFFFF  }
0xa5: {  	s26 =	simm.s32 $execute0_lowered;
	[smem:$0x3FD2] =	sst s25  }
0xa6: {  	s5 =	sshll.u32 s26, $0x1;
	_ =	strace $0x80000049;
	[dreg:$0x1] =	wrdreg $0xFFFFFFFF  }
0xa7: {  	s28 =	simm.s32 $_size_execute0_lowered;
	s3 =	sadd.s32 s3, s5;
	[dreg:$0x0] =	wrdreg $0x0  }
0xa8: {  	s5 =	sshll.u32 s28, $0x1;
	[dreg:$0x2] =	wrdreg s3  }
0xa9: {  	[dreg:$0x3] =	wrdreg s5  }
0xaa: {  	[dreg:$0x4] =	wrdreg $0xC0  }
0xab: {  	_ =	task [dreg:s7], $0x5FFFF  }
0xac: {  	[dreg:$0x1] =	wrdreg $0xFFFFFFFF  }
0xad: {  	[dreg:$0x0] =	wrdreg $0x60  }
0xae: {  	[dreg:$0x2] =	wrdreg s24  }
0xaf: {  	[dreg:$0x3] =	wrdreg s2  }
0xb0: {  	[dreg:$0x4] =	wrdreg $0xA8000  }
0xb1: {  	[dreg:$0x5] =	wrdreg $0x9  }
0xb2: {  	_ =	task.clear_ibuf [dreg:s7], $0x6FFFF;
	_ =	strace $0x90000049  }
0xb3: {  	s29 =	simm.s32 $0x9;
	_ =	strace $0x8000004B  }
0xb4: {  	_ =	swait.ge [sflag:s29], $0x1  }
0xb5: {  	[sflag:s29] =	ssyncadd.s32 $0xFFFFFFFF  }
0xb6: {  	_ =	strace $0x9000004B  }
0xb7: {  	_ =	sfence  }
0xb8: {  	s30 =	sld [smem:$0x0];
	_ =	sdelay $0x2  }
0xb9: {  	s31 =	sshll.u32 s1, $0xD;
	s1 =	sshrl.u32 s1, $0x2  }
0xba: {  	s3 =	sand.u32 $0x4000, s31;
	s1 =	sadd.s32 s1, s30  }
0xbb: {  	s0 =	sor.u32 s3, s0;
	s1 =	sshll.u32 s1, $0x11  }
0xbc: {  	s0 =	sor.u32 s1, s0  }
0xbd: {  	s0 =	sadd.s32 $0x8F2B, s0  }
0xbe: {  	[sflag:s0] =	ssyncadd.remote.s32 $0x1  }
0xbf: {  	_ =	sfence.sel $0xFFFF  }
0xc0: {  	[dreg:$0x0] =	wrdreg $0xFFFFFFFF;
	(pc) =	sbr.abs _section_cstart, $3  }
0xc1: {  	[dreg:$0x1] =	wrdreg $0xFFFFFFFF  }
0xc2: {  	_ =	task.clear_ibuf [dreg:s7], $0x2FFFF;
	_ =	strace $0x9FFFFFFF  }
0xc3: {  	(tm) =	ssettm $0x7FFFFFFF  }
tec
execute0_lowered:
.L_overlay_start_1:
0x0: {  	(tag) =	ssettag $0x1  }
0x1: {  	s5 =	rddreg [dreg:$0x0]  }
0x2: {  	s1 =	srdreg.scid;
	s2 =	rddreg [dreg:$0x1]  }
0x3: {  	s0 =	stileid.u32;
	s3 =	rddreg [dreg:$0x2]  }
0x4: {  	s4 =	simm.s32 $0x0;
	s16 =	simm.s32 $0x6800;
	s10 =	smul.u32 $0x13C00, s0  }
0x5: {  	s17 =	simm.s32 $0x1;
	s18 =	simm.s32 $0x80;
	s24 =	smul.u32 $0x4F000, s0  }
0x6: {  	s19 =	simm.s32 $0x2;
	s20 =	simm.s32 $0x2700;
	s13 =	smul.u32 $0x280000, s0  }
0x7: {  	s21 =	simm.s32 $0x2780;
	s9 =	sand.u32 $0x1, s1;
	s28 =	smul.u32 $0x50000, s0  }
0x8: {  	s22 =	simm.s32 $0x0;
	s1 =	rddreg [dreg:$0x3];
	s8 =	smul.u32 $0x13C000, s9  }
0x9: {  	s23 =	sshll.u32 s0, $0x1;
	[smem:$0x7FF] =	sst s4;
	s14 =	smul.u32 $0x140000, s9  }
0xa: {  	s11 =	sadd.s32 $0x5E0000, s5;
	s6 =	sor.u32 s9, s23;
	s29 =	smul.u32 $0x28000, s9  }
0xb: {  	s31 =	sshll.u32 s0, $0x6;
	s12 =	ssub.s32 $0x2, s9;
	s7 =	smul.u32 $0x2800, s6  }
0xc: {  	_ =	strace $0x8000004A;
	s6 =	smul.u32 $0x28000, s6;
	s25 =	sshrl.u32 s12, $0x1  }
0xd: {  	s8 =	sadd.s32 s10, s8;
	s12 =	ssub.s32 s12, s25;
	s10 =	sshrl.u32 s24, $0x2  }
0xe: {  	s26 =	sadd.s32 s14, s13;
	s13 =	sadd.s32 s28, s11;
	s7 =	sshrl.u32 s7, $0x3  }
0xf: {  	s8 =	sshrl.u32 s8, $0x3;
	s15 =	sadd.s32 s10, s3;
	s6 =	sadd.s32 s11, s6  }
0x10: {  	s10 =	sor.u32 $0x8000, s26;
	s30 =	sadd.s32 s29, s13;
	s13 =	sor.u32 $0x1C03, s31  }
0x11: {  	s7 =	sadd.s32 s7, s5;
	s8 =	sadd.s32 s8, s5;
	s9 =	sadd.s32 $0x27800, s6  }
0x12: {  	s10 =	sshrl.u32 s10, $0x3;
	s14 =	sshrl.u32 s15, $0x3;
	s15 =	simm.s32 $0x2800  }
0x13: {  	s5 =	sadd.s32 $0x4000, s7;
	s7 =	sadd.s32 $0xE000, s8;
	s8 =	smax.u32 s12, $0x1  }
0x14: {  	s10 =	sadd.s32 s10, s11;
	s11 =	sadd.s32 $0x800, s30;
	s12 =	simm.s32 $0x3  }
.LBB2_1:
0x15: {  	[tilespmem:s4], [sflag:$0x3] =	stream.linear.gather [hbm4b:s5+s4], $0x2800, $0x38;
	[tilespmem:$0x1E400] =	vst v63  }
0x16: {  	_ =	swait.ge [sflag:s12], $0x2800  }
0x17: {  	[sflag:s12] =	ssyncset.done $0x0  }
0x18: {  	[sflag:s12] =	ssyncadd.s32 $0xFFFFD800  }
0x19: {  	[spmem:s14], [sflag:s13] =	dma.local [hbm:s2], $0x2780  }
0x1a: {  	_ =	swait.ge [sflag:s12], $0x2780  }
0x1b: {  	[sflag:s12] =	ssyncset.done $0x0  }
0x1c: {  	[sflag:s12] =	ssyncadd.s32 $0xFFFFD880  }
0x1d: {  	[bflag:$0x0] =	sbarrier.arrive $0xFFFF  }
0x1e: {  	[tilespmem:s15], [sflag:$0x1] =	stream.linear.gather [hbm4b:s6+s4], $0x4000, $0x38;
	[tilespmem:$0x1E400] =	vst v63  }
0x1f: {  	s23 =	sadd.s32 $0x0, s11  }
0x20: {  	[tilespmem:s16], [sflag:$0x2] =	stream.linear.gather [hbm4b:s23+s4], $0x4000, $0x38;
	[tilespmem:$0x1E400] =	vst v63  }
0x21: {  	_ =	swait.ge [sflag:s17], $0x4000  }
0x22: {  	[sflag:s17] =	ssyncset.done $0x0  }
0x23: {  	[sflag:s17] =	ssyncadd.s32 $0xFFFFC000  }
0x24: {  	[spmem:s3] =	stream.indirect.scatter.add.f32 [tilespmem:s15], [sflag:$0x3], $0x80, s4, s18, $0xb8;
	[tilespmem:$0x1E400] =	vst v63  }
0x25: {  	_ =	swait.ge [sflag:s12], $0x4000  }
0x26: {  	[sflag:s12] =	ssyncset.done $0x0  }
0x27: {  	s30 =	sadd.s32 $0x0, s10;
	[sflag:s12] =	ssyncadd.s32 $0xFFFFC000  }
0x28: {  	[tilespmem:s15], [sflag:$0x1] =	stream.linear.gather [hbm4b:s30+s4], $0x4000, $0x38;
	[tilespmem:$0x1E400] =	vst v63  }
0x29: {  	_ =	swait.ge [sflag:s19], $0x4000  }
0x2a: {  	[sflag:s19] =	ssyncset.done $0x0  }
0x2b: {  	s31 =	simm.s32 $0x80;
	[sflag:s19] =	ssyncadd.s32 $0xFFFFC000  }
0x2c: {  	[spmem:s3] =	stream.indirect.scatter.add.f32 [tilespmem:s16], [sflag:$0x3], $0x80, s31, s18, $0xb8;
	[tilespmem:$0x1E400] =	vst v63  }
0x2d: {  	s24 =	simm.s32 $0x1000;
	_ =	swait.ge [sflag:s12], $0x4000  }
0x2e: {  	s25 =	simm.s32 $0x2000;
	s23 =	simm.s32 $0x100;
	[sflag:s12] =	ssyncset.done $0x0  }
.LBB2_2:
0x2f: {  	s26 =	sadd.s32 s24, s11  }
0x30: {  	[sflag:s12] =	ssyncadd.s32 $0xFFFFC000;
	s28 =	smov.u32 s25;
	s29 =	sadd.s32 $0x1000, s25  }
0x31: {  	[tilespmem:s16], [sflag:$0x2] =	stream.linear.gather [hbm4b:s26+s4], $0x4000, $0x38;
	[tilespmem:$0x1E400] =	vst v63  }
0x32: {  	p0 =	sne.s32 s25, $0x26000;
	_ =	swait.ge [sflag:s17], $0x4000  }
0x33: {  	[sflag:s17] =	ssyncset.done $0x0  }
0x34: {  	[sflag:s17] =	ssyncadd.s32 $0xFFFFC000  }
0x35: {  	[spmem:s3] =	stream.indirect.scatter.add.f32 [tilespmem:s15], [sflag:$0x3], $0x80, s23, s18, $0xb8;
	[tilespmem:$0x1E400] =	vst v63  }
0x36: {  	_ =	swait.ge [sflag:s12], $0x4000  }
0x37: {  	[sflag:s12] =	ssyncset.done $0x0  }
0x38: {  	s25 =	sadd.s32 s24, s10;
	s24 =	smov.u32 s28;
	[sflag:s12] =	ssyncadd.s32 $0xFFFFC000  }
0x39: {  	[tilespmem:s15], [sflag:$0x1] =	stream.linear.gather [hbm4b:s25+s4], $0x4000, $0x38;
	[tilespmem:$0x1E400] =	vst v63  }
0x3a: {  	_ =	swait.ge [sflag:s19], $0x4000  }
.Ltmp0:
0x3b: {  	[sflag:s19] =	ssyncset.done $0x0;
	(pc) =	sbr.rel @p0 .LBB2_2-.Ltmp0, $4  }
0x3c: {  	s25 =	sadd.s32 $0x80, s23;
	[sflag:s19] =	ssyncadd.s32 $0xFFFFC000  }
0x3d: {  	[spmem:s3] =	stream.indirect.scatter.add.f32 [tilespmem:s16], [sflag:$0x3], $0x80, s25, s18, $0xb8;
	[tilespmem:$0x1E400] =	vst v63  }
0x3e: {  	_ =	swait.ge [sflag:s12], $0x4000  }
0x3f: {  	s23 =	sadd.s32 $0x100, s23;
	s25 =	smov.u32 s29;
	[sflag:s12] =	ssyncset.done $0x0  }
0x40: {  	s25 =	sadd.s32 s24, s11;
	[sflag:s12] =	ssyncadd.s32 $0xFFFFC000  }
0x41: {  	[tilespmem:s16], [sflag:$0x2] =	stream.linear.gather [hbm4b:s25+s4], $0x4000, $0x38;
	[tilespmem:$0x1E400] =	vst v63  }
0x42: {  	_ =	swait.ge [sflag:s17], $0x4000  }
0x43: {  	[sflag:s17] =	ssyncset.done $0x0  }
0x44: {  	[sflag:s17] =	ssyncadd.s32 $0xFFFFC000  }
0x45: {  	[spmem:s3] =	stream.indirect.scatter.add.f32 [tilespmem:s15], [sflag:$0x3], $0x80, s23, s18, $0xb8;
	[tilespmem:$0x1E400] =	vst v63  }
0x46: {  	_ =	swait.ge [sflag:s12], $0x4000  }
0x47: {  	[sflag:s12] =	ssyncset.done $0x0  }
0x48: {  	s30 =	sadd.s32 s24, s10;
	[sflag:s12] =	ssyncadd.s32 $0xFFFFC000  }
0x49: {  	[tilespmem:s15], [sflag:$0x1] =	stream.linear.gather [hbm4b:s30+s4], $0x4000, $0x38;
	[tilespmem:$0x1E400] =	vst v63  }
0x4a: {  	_ =	swait.ge [sflag:s19], $0x4000  }
0x4b: {  	[sflag:s19] =	ssyncset.done $0x0  }
0x4c: {  	s31 =	sadd.s32 $0x80, s23;
	[sflag:s19] =	ssyncadd.s32 $0xFFFFC000  }
0x4d: {  	[spmem:s3] =	stream.indirect.scatter.add.f32 [tilespmem:s16], [sflag:$0x3], $0x80, s31, s18, $0xb8;
	[tilespmem:$0x1E400] =	vst v63  }
0x4e: {  	_ =	swait.ge [sflag:s12], $0x4000  }
0x4f: {  	[sflag:s12] =	ssyncset.done $0x0  }
0x50: {  	[sflag:s12] =	ssyncadd.s32 $0xFFFFC000  }
0x51: {  	[tilespmem:s16], [sflag:$0x2] =	stream.linear.gather [hbm4b:s9+s4], $0x4000, $0x38;
	[tilespmem:$0x1E400] =	vst v63  }
0x52: {  	_ =	swait.ge [sflag:s17], $0x4000  }
0x53: {  	[sflag:s17] =	ssyncset.done $0x0  }
0x54: {  	[sflag:s17] =	ssyncadd.s32 $0xFFFFC000  }
0x55: {  	[spmem:s3] =	stream.indirect.scatter.add.f32 [tilespmem:s15], [sflag:$0x3], $0x80, s20, s18, $0xb8;
	[tilespmem:$0x1E400] =	vst v63  }
0x56: {  	_ =	swait.ge [sflag:s12], $0x4000  }
0x57: {  	[sflag:s12] =	ssyncset.done $0x0  }
0x58: {  	[sflag:s12] =	ssyncadd.s32 $0xFFFFC000  }
0x59: {  	_ =	swait.ge [sflag:s19], $0x4000  }
0x5a: {  	[sflag:s19] =	ssyncset.done $0x0  }
0x5b: {  	[sflag:s19] =	ssyncadd.s32 $0xFFFFC000  }
0x5c: {  	[spmem:s3] =	stream.indirect.scatter.add.f32 [tilespmem:s16], [sflag:$0x3], $0x80, s21, s18, $0xb8;
	[tilespmem:$0x1E400] =	vst v63  }
0x5d: {  	_ =	swait.ge [sflag:s12], $0x4000  }
0x5e: {  	s22 =	sadd.s32 $0x1, s22;
	[sflag:s12] =	ssyncset.done $0x0  }
0x5f: {  	p0 =	sne.s32 s22, s8;
	[sflag:s12] =	ssyncadd.s32 $0xFFFFC000  }
.Ltmp1:
0x60: {  	[bflag:$0x0] =	sbarrier.arrive $0xFFFF;
	(pc) =	sbr.rel @p0 .LBB2_1-.Ltmp1, $4  }
0x61: {  	[hbm:s7], [sflag:s13] =	dma.local [spmem:s14], $0x2780  }
0x62: {  	_ =	swait.ge [sflag:s12], $0x2780  }
0x63: {  	[sflag:s12] =	ssyncset.done $0x0  }
0x64: {  	[sflag:s12] =	ssyncadd.s32 $0xFFFFD880  }
0x65: {  	_ =	sfence.sel $0x180000  }
0x66: {  	[bflag:$0x0] =	sbarrier.arrive $0xFFFF  }
0x67: {  	p0 =	sne.s32 s0, $0x0;
	_ =	strace $0x9000004A  }
0x68: {  	s0 =	sadd.s32 @!p0 $0x100000, s1;
	[bflag:$0x2] =	sbarrier.arrive $0xFFFF  }
0x69: {  	[sflag:s0] =	ssyncadd.tile.s32 @!p0 $0x1;
	_ =	shalt  }
.Lfunc_end2:
_tile_overlayer_lowered:
.L_overlay_start_2:
0x6a: {  	(tag) =	ssettag $0x2  }
0x6b: {  	s0 =	rddreg [dreg:$0x0];
	s2 =	stileid.u32  }
0x6c: {  	s1 =	rddreg [dreg:$0x1];
	p0 =	sne.s32 s2, $0x0  }
0x6d: {  	s3 =	rddreg [dreg:$0x2];
	[bflag:$0x3] =	sbarrier.arrive $0xFFFF;
	s2 =	simm.s32 @!p0 $0x1C03  }
0x6e: {  	[timem:s3], [sflag:s2] =	dma.local @!p0 [hbm:s0], s1  }
0x6f: {  	s0 =	simm.s32 @!p0 $0x3  }
0x70: {  	_ =	swait.ge @!p0 [sflag:s0], s1  }
0x71: {  	s1 =	ssub.s32 @!p0 $0x0, s1;
	[sflag:s0] =	ssyncset.done @!p0 $0x0  }
0x72: {  	[sflag:s0] =	ssyncadd.s32 @!p0 s1  }
0x73: {  	[bflag:$0x3] =	sbarrier.arrive $0xFFFF  }
0x74: {  	_ =	shalt  }

// kernel: kernel.15.cloned.1.call-start
scs
__scs_entry_jumppad:
0x0: {  	(pc) =	sbr.rel $0x88, $3  }
0x1: {  	(tag) =	ssettag $0x0;
	lr =	simm.s32 $0x1  }
0x2: {  	[smem:$0x3F8C] =	sst lr;
	_ =	strace $0xD0000000  }
0x3: {  	_ = 	snop  }
0x4: {  	_ = 	snop  }
0x5: {  	_ = 	snop  }
0x6: {  	_ = 	snop  }
0x7: {  	_ = 	snop  }
__scs_overlays_trampoline_lowered:
0x8: {  	[smem:$0x3F9B] =	sst s0  }
0x9: {  	[smem:$0x3F9C] =	sst s1  }
0xa: {  	[smem:$0x3F9D] =	sst s2  }
0xb: {  	[smem:$0x3F9E] =	sst s3  }
0xc: {  	[smem:$0x3F9F] =	sst s4  }
0xd: {  	[smem:$0x3FA0] =	sst s5  }
0xe: {  	[smem:$0x3FA1] =	sst s6  }
0xf: {  	[smem:$0x3FA2] =	sst s7  }
0x10: {  	[smem:$0x3FA3] =	sst s8  }
0x11: {  	[smem:$0x3FA4] =	sst s9;
	s0 =	simm.s32 @!p0 $0x0  }
0x12: {  	s1 =	sld [smem:$0x3F8A];
	s0 =	simm.s32 @p0 $0x1  }
0x13: {  	[smem:$0x3FA5] =	sst s0;
	s0 =	simm.s32 @!p1 $0x0  }
0x14: {  	s2 =	sld [smem:$0x3F89];
	s0 =	simm.s32 @p1 $0x1  }
0x15: {  	[smem:$0x3FA6] =	sst s0;
	s0 =	simm.s32 @!p2 $0x0  }
0x16: {  	s3 =	sld [smem:$0x3FDB];
	s0 =	simm.s32 @p2 $0x1  }
0x17: {  	s4 =	simm.s32 $0x1BF5;
	[smem:$0x3FA8] =	sst s0  }
0x18: {  	s0 =	sld [smem:$0x3F8B];
	_ =	swait.ge [sflag:s4], $0x0  }
0x19: {  	s7 =	sld [smem:$0x3F8C]  }
0x1a: {  	s8 =	sadd.s32 $0xFFFFE003, lr  }
0x1b: {  	s9 =	sadd.s32 $0xFFFFFEF7, lr;
	s5 =	simm.s32 $0xFFFFFFFF;
	p2 =	slt.u32 s8, $0xFFFFF086  }
0x1c: {  	p1 =	slt.u32 s9, $0xF7A;
	s5 =	simm.s32 @!p2 $0x0  }
0x1d: {  	s5 =	simm.s32 @p1 $0x1;
	p0 =	seq.s32 s7, s2  }
0x1e: {  	s7 =	smul.u32 @!p0 $0xF7A, s2;
	p2 =	seq.s32 @!p0 s5, $0x0  }
0x1f: {  	s9 =	smul.u32 $0xF7A, s1;
	s8 =	simm.s32 @!p0 $0x1BF5;
	p2 =	por !p2, p0  }
0x20: {  	[sflag:s8] =	ssyncset.s32 @!p0 $0xFFFFF086;
	s6 =	sadd.s32 @!p0 s3, s7;
	s7 =	simm.s32 @!p0 $0x108  }
0x21: {  	s3 =	sadd.s32 s3, s9;
	s6 =	sadd.s32 @!p0 $0x88, s6;
	s7 =	simm.s32 @p2 $0x1082  }
0x22: {  	[simem:s7], [sflag:s8] =	dma.local @!p0 [hbm:s6], $0xF7A  }
0x23: {  	s9 =	sor.u32 $0xD0000000, s2;
	s6 =	simm.s32 $0x108;
	_ =	swait.ge @!p0 [sflag:s8], $0x0  }
0x24: {  	s3 =	sadd.s32 $0x88, s3;
	s6 =	simm.s32 @!p1 $0x1082;
	[sflag:s4] =	ssyncset.s32 $0xFFFFF086  }
0x25: {  	[simem:s6], [sflag:s4] =	dma.local [hbm:s3], $0xF7A  }
0x26: {  	[smem:$0x3F8C] =	sst s1;
	(tag) =	ssettag s2;
	_ =	strace s9  }
0x27: {  	s1 =	sld [smem:$0x3F9C]  }
0x28: {  	s2 =	sld [smem:$0x3F9D]  }
0x29: {  	s4 =	sld [smem:$0x3F9F]  }
0x2a: {  	p0 =	seq.s32 s5, $0x0;
	s5 =	sld [smem:$0x3FA0]  }
0x2b: {  	s6 =	sld [smem:$0x3FA1]  }
0x2c: {  	s7 =	sld [smem:$0x3FA2]  }
0x2d: {  	s3 =	simm.s32 $0x108;
	s8 =	sld [smem:$0x3FA3]  }
0x2e: {  	s3 =	simm.s32 @!p0 $0x1082;
	s9 =	sld [smem:$0x3FA4]  }
0x2f: {  	lr =	sadd.s32 s0, s3;
	s0 =	sld [smem:$0x3F9B]  }
0x30: {  	s3 =	sld [smem:$0x3F9E]  }
0x31: {  	[smem:$0x3FA7] =	sst s10  }
0x32: {  	s10 =	sld [smem:$0x3FA5];
	_ =	sdelay $0x3  }
0x33: {  	p0 =	seq.s32 s10, $0x1;
	s10 =	sld [smem:$0x3FA7];
	_ =	sdelay $0x3  }
0x34: {  	[smem:$0x3FA7] =	sst s10  }
0x35: {  	s10 =	sld [smem:$0x3FA6];
	_ =	sdelay $0x3  }
0x36: {  	p1 =	seq.s32 s10, $0x1;
	s10 =	sld [smem:$0x3FA7];
	_ =	sdelay $0x3  }
0x37: {  	[smem:$0x3FA7] =	sst s10  }
0x38: {  	s10 =	sld [smem:$0x3FA8]  }
0x39: {  	_ = 	snop;
	(pc) =	sbr.ind lr, $3  }
0x3a: {  	_ = 	snop  }
0x3b: {  	_ = 	snop  }
0x3c: {  	p2 =	seq.s32 s10, $0x1;
	s10 =	sld [smem:$0x3FA7]  }
0x3d: {  	_ =	shalt  }
0x3e: {  	_ =	shalt  }
0x3f: {  	_ =	shalt  }
0x40: {  	_ =	shalt  }
0x41: {  	_ =	shalt  }
0x42: {  	_ =	shalt  }
0x43: {  	_ =	shalt  }
0x44: {  	_ =	shalt  }
0x45: {  	_ =	shalt  }
0x46: {  	_ =	shalt  }
0x47: {  	_ =	shalt  }
0x48: {  	_ =	shalt  }
0x49: {  	_ =	shalt  }
0x4a: {  	_ =	shalt  }
0x4b: {  	_ =	shalt  }
0x4c: {  	_ =	shalt  }
0x4d: {  	_ =	shalt  }
0x4e: {  	_ =	shalt  }
0x4f: {  	_ =	shalt  }
0x50: {  	_ =	shalt  }
0x51: {  	_ =	shalt  }
0x52: {  	_ =	shalt  }
0x53: {  	_ =	shalt  }
0x54: {  	_ =	shalt  }
0x55: {  	_ =	shalt  }
0x56: {  	_ =	shalt  }
0x57: {  	_ =	shalt  }
0x58: {  	_ =	shalt  }
0x59: {  	_ =	shalt  }
0x5a: {  	_ =	shalt  }
0x5b: {  	_ =	shalt  }
0x5c: {  	_ =	shalt  }
0x5d: {  	_ =	shalt  }
0x5e: {  	_ =	shalt  }
0x5f: {  	_ =	shalt  }
0x60: {  	_ =	shalt  }
0x61: {  	_ =	shalt  }
0x62: {  	_ =	shalt  }
0x63: {  	_ =	shalt  }
0x64: {  	_ =	shalt  }
0x65: {  	_ =	shalt  }
0x66: {  	_ =	shalt  }
0x67: {  	_ =	shalt  }
0x68: {  	_ =	shalt  }
0x69: {  	_ =	shalt  }
0x6a: {  	_ =	shalt  }
0x6b: {  	_ =	shalt  }
0x6c: {  	_ =	shalt  }
0x6d: {  	_ =	shalt  }
0x6e: {  	_ =	shalt  }
0x6f: {  	_ =	shalt  }
0x70: {  	_ =	shalt  }
0x71: {  	_ =	shalt  }
0x72: {  	_ =	shalt  }
0x73: {  	_ =	shalt  }
0x74: {  	_ =	shalt  }
0x75: {  	_ =	shalt  }
0x76: {  	_ =	shalt  }
0x77: {  	_ =	shalt  }
0x78: {  	_ =	shalt  }
0x79: {  	_ =	shalt  }
0x7a: {  	_ =	shalt  }
0x7b: {  	_ =	shalt  }
0x7c: {  	_ =	shalt  }
0x7d: {  	_ =	shalt  }
0x7e: {  	_ =	shalt  }
0x7f: {  	_ =	shalt  }
0x80: {  	_ =	shalt  }
0x81: {  	_ =	shalt  }
0x82: {  	_ =	shalt  }
0x83: {  	_ =	shalt  }
0x84: {  	_ =	shalt  }
0x85: {  	_ =	shalt  }
0x86: {  	_ =	shalt  }
0x87: {  	_ =	shalt  }
.Lfunc_end0:
.L_simem_size_0:
called_computation.2_lowered:
.L_overlay_start_0:
0x88: {  	s2 =	sld [smem:$0x3FD9]  }
0x89: {  	s3 =	sld [smem:$0x3FFE];
	_ =	sdelay $0x1  }
0x8a: {  	s1 =	srdreg.scid  }
0x8b: {  	s0 =	sand.u32 $0x1, s1  }
0x8c: {  	s16 =	sshll.u32 s0, $0xA;
	s2 =	sadd.s32 s3, s2  }
0x8d: {  	s2 =	sadd.s32 s2, s16  }
0x8e: {  	[smem:$0x3FB3] =	sst s2  }
0x8f: {  	_ = 	snop  }
0x90: {  	(tm) =	ssettm $0x1  }
0x91: {  	s17 =	sld [smem:$0x3FFB];
	_ =	sdelay $0x3  }
0x92: {  	_ =	strace s17  }
0x93: {  	s2 =	sld [smem:$0x3FFC];
	_ =	sdelay $0x3  }
0x94: {  	_ =	strace s2  }
0x95: {  	s2 =	sld [smem:$0x3FFD];
	_ =	sdelay $0x3  }
0x96: {  	_ =	strace s2  }
0x97: {  	_ =	strace $0x8FFFFFFF  }
0x98: {  	s18 =	sld [smem:$0x3FDB];
	_ =	sdelay $0x1  }
0x99: {  	s19 =	simm.s32 $_scs_section_size  }
0x9a: {  	s4 =	simm.s32 $_size__tile_overlayer_lowered;
	s5 =	simm.s32 $_tile_overlayer_lowered  }
0x9b: {  	s22 =	simm.s32 $0x1BFF;
	s21 =	sshll.u32 s5, $0x1;
	s2 =	sadd.s32 s19, s18  }
0x9c: {  	s6 =	simm.s32 $0x0;
	s20 =	sshll.u32 s4, $0x1;
	s4 =	sadd.s32 s21, s2  }
0x9d: {  	[timem:s6], [sflag:s22] =	dma.local [hbm:s4], s20  }
0x9e: {  	_ =	swait.ge [sflag:s22], s20  }
0x9f: {  	s3 =	ssub.s32 $0x0, s20;
	[sflag:s22] =	ssyncset.done $0x0  }
0xa0: {  	[sflag:s22] =	ssyncadd.s32 s3;
	_ =	sdelay $0x1  }
0xa1: {  	s23 =	simm.s32 $0x1B8B  }
0xa2: {  	_ =	swait.ge [sflag:s23], $0x1  }
0xa3: {  	[sflag:s23] =	ssyncset.done $0x0  }
0xa4: {  	s25 =	simm.s32 $0x1B8E;
	s24 =	sld [smem:$0x3FFE];
	[sflag:s23] =	ssyncadd.s32 $0xFFFFFFFF  }
0xa5: {  	s26 =	simm.s32 $execute0_lowered;
	[smem:$0x3FD2] =	sst s25  }
0xa6: {  	s4 =	sshll.u32 s26, $0x1;
	_ =	strace $0x8000004C;
	[dreg:$0x1] =	wrdreg $0xFFFFFFFF  }
0xa7: {  	s28 =	simm.s32 $_size_execute0_lowered;
	s2 =	sadd.s32 s2, s4;
	[dreg:$0x0] =	wrdreg $0x0  }
0xa8: {  	s4 =	sshll.u32 s28, $0x1;
	[dreg:$0x2] =	wrdreg s2  }
0xa9: {  	[dreg:$0x3] =	wrdreg s4  }
0xaa: {  	[dreg:$0x4] =	wrdreg $0xC0  }
0xab: {  	_ =	task [dreg:s6], $0x5FFFF  }
0xac: {  	[dreg:$0x1] =	wrdreg $0xFFFFFFFF  }
0xad: {  	[dreg:$0x0] =	wrdreg $0x60  }
0xae: {  	[dreg:$0x2] =	wrdreg s24  }
0xaf: {  	[dreg:$0x3] =	wrdreg $0x1CA000  }
0xb0: {  	[dreg:$0x4] =	wrdreg $0x9  }
0xb1: {  	_ =	task.clear_ibuf [dreg:s6], $0x5FFFF;
	_ =	strace $0x9000004C  }
0xb2: {  	s29 =	simm.s32 $0x9;
	_ =	strace $0x8000004E  }
0xb3: {  	_ =	swait.ge [sflag:s29], $0x1  }
0xb4: {  	[sflag:s29] =	ssyncadd.s32 $0xFFFFFFFF  }
0xb5: {  	_ =	strace $0x9000004E  }
0xb6: {  	_ =	sfence  }
0xb7: {  	s30 =	sld [smem:$0x0];
	_ =	sdelay $0x2  }
0xb8: {  	s31 =	sshll.u32 s1, $0xD;
	s1 =	sshrl.u32 s1, $0x2  }
0xb9: {  	s3 =	sand.u32 $0x4000, s31;
	s1 =	sadd.s32 s1, s30  }
0xba: {  	s0 =	sor.u32 s3, s0;
	s1 =	sshll.u32 s1, $0x11  }
0xbb: {  	s0 =	sor.u32 s1, s0  }
0xbc: {  	s0 =	sadd.s32 $0x8F2B, s0  }
0xbd: {  	[sflag:s0] =	ssyncadd.remote.s32 $0x1  }
0xbe: {  	_ =	sfence.sel $0xFFFF  }
0xbf: {  	[dreg:$0x0] =	wrdreg $0xFFFFFFFF;
	(pc) =	sbr.abs _section_cstart, $3  }
0xc0: {  	[dreg:$0x1] =	wrdreg $0xFFFFFFFF  }
0xc1: {  	_ =	task.clear_ibuf [dreg:s6], $0x2FFFF;
	_ =	strace $0x9FFFFFFF  }
0xc2: {  	(tm) =	ssettm $0x7FFFFFFF  }
0xc3: {  	_ =	shalt  }
tec
execute0_lowered:
.L_overlay_start_1:
0x0: {  	(tag) =	ssettag $0x1  }
0x1: {  	s0 =	srdreg.scid;
	s1 =	rddreg [dreg:$0x0]  }
0x2: {  	s11 =	stileid.u32;
	s2 =	rddreg [dreg:$0x1];
	s24 =	simm.s32 $0x7000  }
0x3: {  	s26 =	simm.s32 $0xF000;
	s28 =	simm.s32 $0xB000;
	s29 =	simm.s32 $0x13000  }
0x4: {  	s31 =	simm.s32 $0x5000;
	s0 =	sand.u32 $0x1, s0;
	s3 =	sshll.u32 s11, $0x1  }
0x5: {  	s5 =	sadd.s32 $0x4000, s1;
	s7 =	sadd.s32 $0x3400, s1;
	s8 =	sadd.s32 $0x3A00, s1  }
0x6: {  	s10 =	sadd.s32 $0xEA000, s1;
	s13 =	smul.u32 $0x5000, s11;
	s30 =	sshll.u32 s11, $0x6  }
0x7: {  	s14 =	sadd.s32 $0x9A100, s1;
	s17 =	smul.u32 $0x50000, s11;
	s19 =	sshll.u32 s11, $0xD  }
0x8: {  	s11 =	smul.u32 $0x14000, s11;
	s4 =	sor.u32 s0, s3;
	s3 =	simm.s32 $0x0  }
0x9: {  	s15 =	sadd.s32 $0x9A200, s1;
	s16 =	smul.u32 $0x2800, s0;
	[smem:$0x7FF] =	sst s3  }
0xa: {  	s18 =	smul.u32 $0x28000, s0;
	_ =	strace $0x8000004D;
	[dreg:$0xa] =	wrdreg s7  }
0xb: {  	s9 =	ssub.s32 $0x2, s0;
	s0 =	smul.u32 $0xA000, s0;
	[dreg:$0xb] =	wrdreg s8  }
0xc: {  	s4 =	smul.u32 $0x2800, s4;
	s12 =	sshrl.u32 s9, $0x1;
	[dreg:$0xd] =	wrdreg s10  }
0xd: {  	s8 =	sadd.s32 $0x2E00, s1;
	s10 =	sadd.s32 $0x9A000, s1;
	[dreg:$0x6] =	wrdreg s24  }
0xe: {  	s7 =	ssub.s32 s9, s12;
	s25 =	sadd.s32 s16, s13;
	[dreg:$0x7] =	wrdreg s26  }
0xf: {  	s0 =	sadd.s32 s0, s11;
	[dreg:$0x8] =	wrdreg s28;
	s24 =	simm.s32 $0x1A000  }
0x10: {  	[dreg:$0x9] =	wrdreg s29;
	s13 =	simm.s32 $0xD000;
	s11 =	simm.s32 $0x1C980  }
0x11: {  	s6 =	sshrl.u32 s4, $0x3;
	s4 =	sadd.s32 $0x67000, s1;
	[dreg:$0xc] =	wrdreg s8  }
0x12: {  	s8 =	sor.u32 $0x80, s25;
	s22 =	smax.u32 s7, $0x1;
	[dreg:$0x5] =	wrdreg s0  }
0x13: {  	s7 =	simm.s32 $0x11000;
	s6 =	sadd.s32 s6, s1;
	s1 =	sadd.s32 s18, s17  }
0x14: {  	v0 =	vmov s30;
	s20 =	sshll.u32 s8, $0x4;
	s17 =	sadd.s32 s19, s2;
	[dreg:$0x10] =	wrdreg s22  }
0x15: {  	v1 =	vor.u32 $0x10, v0;
	s23 =	sshll.u32 s8, $0x3;
	s22 =	simm.s32 $0x15000;
	[dreg:$0x3] =	wrdreg s1  }
0x16: {  	v2 =	vor.u32 $0x20, v0;
	v0 =	vor.u32 $0x30, v0;
	v1 =	vbroadcast v1, $0x0;
	s8 =	simm.s32 $0x40;
	s9 =	sadd.s32 $0x5D000, s6;
	[dreg:$0x11] =	wrdreg s23  }
0x17: {  	v3 =	vlaneseq.u32;
	v2 =	vbroadcast v2, $0x0;
	v4 =	vbroadcast v0, $0x0;
	s6 =	sadd.s32 $0x90000, s6;
	s21 =	sor.u32 $0x400, s20;
	[dreg:$0xe] =	wrdreg s9  }
0x18: {  	v0 =	vor.u32 s30, v3;
	s20 =	simm.s32 $0x5;
	s23 =	simm.s32 $0x17800;
	[dreg:$0xf] =	wrdreg s6  }
0x19: {  	v1 =	vor.u32 v3, v1;
	v2 =	vor.u32 v3, v2;
	v3 =	vor.u32 v3, v4;
	s1 =	simm.s32 $0x0;
	[dreg:$0x4] =	wrdreg s21;
	s6 =	simm.s32 $0x80  }
.LBB2_1:
0x1a: {  	[dreg:$0x12] =	wrdreg s1  }
0x1b: {  	s0 =	rddreg [dreg:$0xe]  }
0x1c: {  	[tilespmem:s3], [sflag:$0x5] =	stream.linear.gather [hbm4b:s0+s3], $0x2800, $0x38;
	[tilespmem:$0x1EA00] =	vst v63  }
0x1d: {  	_ =	swait.ge [sflag:s20], $0x2800  }
0x1e: {  	[sflag:s20] =	ssyncset.done $0x0  }
0x1f: {  	s21 =	simm.s32 $0x2800;
	s19 =	rddreg [dreg:$0xf];
	[sflag:s20] =	ssyncadd.s32 $0xFFFFD800  }
0x20: {  	[tilespmem:s21], [sflag:$0x5] =	stream.linear.gather [hbm4b:s19+s3], $0x2800, $0x38;
	[tilespmem:$0x1EA00] =	vst v63  }
0x21: {  	_ =	swait.ge [sflag:s20], $0x2800  }
0x22: {  	[sflag:s20] =	ssyncset.done $0x0  }
0x23: {  	s26 =	rddreg [dreg:$0xa];
	[sflag:s20] =	ssyncadd.s32 $0xFFFFD800  }
0x24: {  	[tilespmem:s22], [sflag:$0x5] =	stream.linear.gather [hbm4b:s26+s3], $0x2800, $0x38;
	[tilespmem:$0x1EA00] =	vst v63  }
0x25: {  	_ =	swait.ge [sflag:s20], $0x2800  }
0x26: {  	[sflag:s20] =	ssyncset.done $0x0  }
0x27: {  	s28 =	rddreg [dreg:$0xb];
	[sflag:s20] =	ssyncadd.s32 $0xFFFFD800  }
0x28: {  	[tilespmem:s23], [sflag:$0x5] =	stream.linear.gather [hbm4b:s28+s3], $0x2800, $0x38;
	[tilespmem:$0x1EA00] =	vst v63  }
0x29: {  	_ =	swait.ge [sflag:s20], $0x2800  }
0x2a: {  	[sflag:s20] =	ssyncset.done $0x0  }
0x2b: {  	s29 =	rddreg [dreg:$0xc];
	[sflag:s20] =	ssyncadd.s32 $0xFFFFD800  }
0x2c: {  	[tilespmem:s24], [sflag:$0x5] =	stream.linear.gather [hbm4b:s29+s3], $0x2800, $0x38;
	[tilespmem:$0x1EA00] =	vst v63  }
0x2d: {  	_ =	swait.ge [sflag:s20], $0x2800  }
0x2e: {  	[sflag:s20] =	ssyncset.done $0x0  }
0x2f: {  	[sflag:s20] =	ssyncadd.s32 $0xFFFFD800  }
0x30: {  	[tilespmem:$0x1C980] =	vst v0  }
0x31: {  	[tilespmem:$0x1C990] =	vst v1  }
0x32: {  	[tilespmem:$0x1C9A0] =	vst v2  }
0x33: {  	[tilespmem:$0x1C9B0] =	vst v3  }
0x34: {  	[tilespmem:s31], [sflag:$0x1] =	stream.indirect.gather [hbm4b:s4+s6], $0x80, s3, s6, $0xb8;
	[tilespmem:$0x1EA00] =	vst v63  }
0x35: {  	s1 =	simm.s32 $0x9000;
	s19 =	rddreg [dreg:$0x11]  }
0x36: {  	[tilespmem:s13], [sflag:$0x3] =	stream.indirect.gather [hbm4b:s5+s6], $0x80, s21, s6, $0xb8;
	[tilespmem:$0x1EA00] =	vst v63  }
0x37: {  	s26 =	simm.s32 $0x0;
	s18 =	rddreg [dreg:$0xd];
	s21 =	simm.s32 $0x0  }
.LBB2_2:
0x38: {  	s28 =	sshra.s32 s26, $0x2  }
0x39: {  	s13 =	sadd.s32 $0x80, s28  }
0x3a: {  	[tilespmem:s1], [sflag:$0x2] =	stream.indirect.gather [hbm4b:s4+s6], $0x80, s13, s6, $0xb8;
	[tilespmem:$0x1EA00] =	vst v63  }
0x3b: {  	s29 =	sadd.s32 $0x2880, s28  }
0x3c: {  	[tilespmem:s7], [sflag:$0x4] =	stream.indirect.gather [hbm4b:s5+s6], $0x80, s29, s6, $0xb8;
	[tilespmem:$0x1EA00] =	vst v63  }
0x3d: {  	v4 =	vld [tilespmem:s28+$0x0]  }
0x3e: {  	v5 =	vld [tilespmem:s28+$0x2800];
	_ =	sdelay $0x6  }
0x3f: {  	v6 =	vld.idx.msk [tilespmem:v4+s22+$0x0], $0xffff  }
0x40: {  	v7 =	vld.idx.msk [tilespmem:v5+s22+$0x0], $0xffff  }
0x41: {  	v8 =	vld.idx.msk [tilespmem:v4+s23+$0x0], $0xffff  }
0x42: {  	v9 =	vld.idx.msk [tilespmem:v5+s23+$0x0], $0xffff;
	_ =	sdelay $0x4  }
0x43: {  	v6 =	vsub.f32 v6, v7;
	v54 =	vsub.f32 v8, v9;
	_ =	sdelay $0x1  }
0x44: {  	v6 =	vmul.f32 v6, v6;
	v7 =	vmul.f32 v54, v54;
	_ =	sdelay $0x1  }
0x45: {  	v6 =	vadd.f32 v7, v6;
	_ =	sdelay $0x1  }
0x46: {  	[tilespmem:$0x1C800] =	vst v6  }
0x47: {  	v4 =	vld.idx.msk [tilespmem:v4+s24+$0x0], $0xffff;
	_ =	sdelay $0x4  }
0x48: {  	[tilespmem:$0x1C880] =	vst v4  }
0x49: {  	v4 =	vld.idx.msk [tilespmem:v5+s24+$0x0], $0xffff;
	_ =	sdelay $0x4  }
0x4a: {  	[tilespmem:$0x1C900] =	vst v4  }
0x4b: {  	v4 =	vld [tilespmem:s28+$0x10]  }
0x4c: {  	v5 =	vld [tilespmem:s28+$0x2810];
	_ =	sdelay $0x6  }
0x4d: {  	v6 =	vld.idx.msk [tilespmem:v4+s22+$0x0], $0xffff  }
0x4e: {  	v55 =	vld.idx.msk [tilespmem:v5+s22+$0x0], $0xffff  }
0x4f: {  	v56 =	vld.idx.msk [tilespmem:v4+s23+$0x0], $0xffff  }
0x50: {  	v57 =	vld.idx.msk [tilespmem:v5+s23+$0x0], $0xffff;
	_ =	sdelay $0x4  }
0x51: {  	v6 =	vsub.f32 v6, v55;
	v58 =	vsub.f32 v56, v57;
	_ =	sdelay $0x1  }
0x52: {  	v6 =	vmul.f32 v6, v6;
	v7 =	vmul.f32 v58, v58;
	_ =	sdelay $0x1  }
0x53: {  	v6 =	vadd.f32 v7, v6;
	_ =	sdelay $0x1  }
0x54: {  	[tilespmem:$0x1C810] =	vst v6  }
0x55: {  	v4 =	vld.idx.msk [tilespmem:v4+s24+$0x0], $0xffff;
	_ =	sdelay $0x4  }
0x56: {  	[tilespmem:$0x1C890] =	vst v4  }
0x57: {  	v4 =	vld.idx.msk [tilespmem:v5+s24+$0x0], $0xffff;
	_ =	sdelay $0x4  }
0x58: {  	[tilespmem:$0x1C910] =	vst v4  }
0x59: {  	v4 =	vld [tilespmem:s28+$0x20]  }
0x5a: {  	v5 =	vld [tilespmem:s28+$0x2820];
	_ =	sdelay $0x6  }
0x5b: {  	v6 =	vld.idx.msk [tilespmem:v4+s22+$0x0], $0xffff  }
0x5c: {  	v59 =	vld.idx.msk [tilespmem:v5+s22+$0x0], $0xffff  }
0x5d: {  	v60 =	vld.idx.msk [tilespmem:v4+s23+$0x0], $0xffff  }
0x5e: {  	v61 =	vld.idx.msk [tilespmem:v5+s23+$0x0], $0xffff;
	_ =	sdelay $0x4  }
0x5f: {  	v6 =	vsub.f32 v6, v59;
	v62 =	vsub.f32 v60, v61;
	_ =	sdelay $0x1  }
0x60: {  	v6 =	vmul.f32 v6, v6;
	v7 =	vmul.f32 v62, v62;
	_ =	sdelay $0x1  }
0x61: {  	v6 =	vadd.f32 v7, v6;
	_ =	sdelay $0x1  }
0x62: {  	[tilespmem:$0x1C820] =	vst v6  }
0x63: {  	v4 =	vld.idx.msk [tilespmem:v4+s24+$0x0], $0xffff;
	_ =	sdelay $0x4  }
0x64: {  	[tilespmem:$0x1C8A0] =	vst v4  }
0x65: {  	v4 =	vld.idx.msk [tilespmem:v5+s24+$0x0], $0xffff;
	_ =	sdelay $0x4  }
0x66: {  	[tilespmem:$0x1C920] =	vst v4  }
0x67: {  	v4 =	vld [tilespmem:s28+$0x30]  }
0x68: {  	v5 =	vld [tilespmem:s28+$0x2830];
	_ =	sdelay $0x6  }
0x69: {  	v6 =	vld.idx.msk [tilespmem:v4+s22+$0x0], $0xffff  }
0x6a: {  	v63 =	vld.idx.msk [tilespmem:v5+s22+$0x0], $0xffff  }
0x6b: {  	v12 =	vld.idx.msk [tilespmem:v4+s23+$0x0], $0xffff  }
0x6c: {  	v13 =	vld.idx.msk [tilespmem:v5+s23+$0x0], $0xffff;
	_ =	sdelay $0x4  }
0x6d: {  	v6 =	vsub.f32 v6, v63;
	v14 =	vsub.f32 v12, v13;
	_ =	sdelay $0x1  }
0x6e: {  	v6 =	vmul.f32 v6, v6;
	v7 =	vmul.f32 v14, v14;
	_ =	sdelay $0x1  }
0x6f: {  	v6 =	vadd.f32 v7, v6;
	_ =	sdelay $0x1  }
0x70: {  	[tilespmem:$0x1C830] =	vst v6  }
0x71: {  	v4 =	vld.idx.msk [tilespmem:v4+s24+$0x0], $0xffff;
	_ =	sdelay $0x4  }
0x72: {  	[tilespmem:$0x1C8B0] =	vst v4  }
0x73: {  	v4 =	vld.idx.msk [tilespmem:v5+s24+$0x0], $0xffff;
	_ =	sdelay $0x4  }
0x74: {  	[tilespmem:$0x1C930] =	vst v4  }
0x75: {  	v4 =	vld [tilespmem:s28+$0x40]  }
0x76: {  	v5 =	vld [tilespmem:s28+$0x2840];
	_ =	sdelay $0x6  }
0x77: {  	v6 =	vld.idx.msk [tilespmem:v4+s22+$0x0], $0xffff  }
0x78: {  	v15 =	vld.idx.msk [tilespmem:v5+s22+$0x0], $0xffff  }
0x79: {  	v16 =	vld.idx.msk [tilespmem:v4+s23+$0x0], $0xffff  }
0x7a: {  	v17 =	vld.idx.msk [tilespmem:v5+s23+$0x0], $0xffff;
	_ =	sdelay $0x4  }
0x7b: {  	v6 =	vsub.f32 v6, v15;
	v18 =	vsub.f32 v16, v17;
	_ =	sdelay $0x1  }
0x7c: {  	v6 =	vmul.f32 v6, v6;
	v7 =	vmul.f32 v18, v18;
	_ =	sdelay $0x1  }
0x7d: {  	v6 =	vadd.f32 v7, v6;
	_ =	sdelay $0x1  }
0x7e: {  	[tilespmem:$0x1C840] =	vst v6  }
0x7f: {  	v4 =	vld.idx.msk [tilespmem:v4+s24+$0x0], $0xffff;
	_ =	sdelay $0x4  }
0x80: {  	[tilespmem:$0x1C8C0] =	vst v4  }
0x81: {  	v4 =	vld.idx.msk [tilespmem:v5+s24+$0x0], $0xffff;
	_ =	sdelay $0x4  }
0x82: {  	[tilespmem:$0x1C940] =	vst v4  }
0x83: {  	v4 =	vld [tilespmem:s28+$0x50]  }
0x84: {  	v5 =	vld [tilespmem:s28+$0x2850];
	_ =	sdelay $0x6  }
0x85: {  	v6 =	vld.idx.msk [tilespmem:v4+s22+$0x0], $0xffff  }
0x86: {  	v19 =	vld.idx.msk [tilespmem:v5+s22+$0x0], $0xffff  }
0x87: {  	v20 =	vld.idx.msk [tilespmem:v4+s23+$0x0], $0xffff  }
0x88: {  	v21 =	vld.idx.msk [tilespmem:v5+s23+$0x0], $0xffff;
	_ =	sdelay $0x4  }
0x89: {  	v6 =	vsub.f32 v6, v19;
	v22 =	vsub.f32 v20, v21;
	_ =	sdelay $0x1  }
0x8a: {  	v6 =	vmul.f32 v6, v6;
	v7 =	vmul.f32 v22, v22;
	_ =	sdelay $0x1  }
0x8b: {  	v6 =	vadd.f32 v7, v6;
	_ =	sdelay $0x1  }
0x8c: {  	[tilespmem:$0x1C850] =	vst v6  }
0x8d: {  	v4 =	vld.idx.msk [tilespmem:v4+s24+$0x0], $0xffff;
	_ =	sdelay $0x4  }
0x8e: {  	[tilespmem:$0x1C8D0] =	vst v4  }
0x8f: {  	v4 =	vld.idx.msk [tilespmem:v5+s24+$0x0], $0xffff;
	_ =	sdelay $0x4  }
0x90: {  	[tilespmem:$0x1C950] =	vst v4  }
0x91: {  	v4 =	vld [tilespmem:s28+$0x60]  }
0x92: {  	v5 =	vld [tilespmem:s28+$0x2860];
	_ =	sdelay $0x6  }
0x93: {  	v6 =	vld.idx.msk [tilespmem:v4+s22+$0x0], $0xffff  }
0x94: {  	v23 =	vld.idx.msk [tilespmem:v5+s22+$0x0], $0xffff  }
0x95: {  	v24 =	vld.idx.msk [tilespmem:v4+s23+$0x0], $0xffff  }
0x96: {  	v25 =	vld.idx.msk [tilespmem:v5+s23+$0x0], $0xffff;
	_ =	sdelay $0x4  }
0x97: {  	v6 =	vsub.f32 v6, v23;
	v26 =	vsub.f32 v24, v25;
	_ =	sdelay $0x1  }
0x98: {  	v6 =	vmul.f32 v6, v6;
	v7 =	vmul.f32 v26, v26;
	_ =	sdelay $0x1  }
0x99: {  	v6 =	vadd.f32 v7, v6;
	_ =	sdelay $0x1  }
0x9a: {  	[tilespmem:$0x1C860] =	vst v6  }
0x9b: {  	v4 =	vld.idx.msk [tilespmem:v4+s24+$0x0], $0xffff;
	_ =	sdelay $0x4  }
0x9c: {  	[tilespmem:$0x1C8E0] =	vst v4  }
0x9d: {  	v4 =	vld.idx.msk [tilespmem:v5+s24+$0x0], $0xffff;
	_ =	sdelay $0x4  }
0x9e: {  	[tilespmem:$0x1C960] =	vst v4  }
0x9f: {  	v4 =	vld [tilespmem:s28+$0x70]  }
0xa0: {  	v5 =	vld [tilespmem:s28+$0x2870];
	_ =	sdelay $0x6  }
0xa1: {  	v6 =	vld.idx.msk [tilespmem:v4+s22+$0x0], $0xffff  }
0xa2: {  	v27 =	vld.idx.msk [tilespmem:v5+s22+$0x0], $0xffff  }
0xa3: {  	v28 =	vld.idx.msk [tilespmem:v4+s23+$0x0], $0xffff  }
0xa4: {  	v29 =	vld.idx.msk [tilespmem:v5+s23+$0x0], $0xffff;
	_ =	sdelay $0x4  }
0xa5: {  	v6 =	vsub.f32 v6, v27;
	v30 =	vsub.f32 v28, v29;
	_ =	sdelay $0x1  }
0xa6: {  	v6 =	vmul.f32 v6, v6;
	v7 =	vmul.f32 v30, v30;
	_ =	sdelay $0x1  }
0xa7: {  	v6 =	vadd.f32 v7, v6;
	_ =	sdelay $0x1  }
0xa8: {  	[tilespmem:$0x1C870] =	vst v6  }
0xa9: {  	v4 =	vld.idx.msk [tilespmem:v4+s24+$0x0], $0xffff  }
0xaa: {  	s1 =	rddreg [dreg:$0x5]  }
0xab: {  	s16 =	sand.u32 $0x700, s21;
	s13 =	sadd.s32 s26, s1  }
0xac: {  	p1 =	sne.s32 s16, $0x0;
	p0 =	seq.s32 s13, $0x0  }
0xad: {  	p0 =	por !p0, !p1  }
0xae: {  	s6 =	sadd.s32 s21, s25;
	s29 =	simm.s32 $0x1;
	p0 =	por !p0, !p0;
	[tilespmem:$0x1C8F0] =	vst v4  }
0xaf: {  	s13 =	sshrl.u32 s6, $0xB;
	s29 =	simm.s32 @!p0 $0x0;
	v4 =	vld.idx.msk [tilespmem:v5+s24+$0x0], $0xffff  }
0xb0: {  	s13 =	ssub.s32 s13, s29  }
0xb1: {  	s13 =	sshll.u32 s13, $0xE  }
0xb2: {  	s13 =	sor.u32 s16, s13  }
0xb3: {  	s13 =	sshrl.u32 s13, $0x3  }
0xb4: {  	s0 =	simm.s32 $0x1C800;
	s1 =	sadd.s32 s10, s13;
	[tilespmem:$0x1C970] =	vst v4  }
0xb5: {  	[hbm4b:s1+s3] =	stream.linear.scatter [tilespmem:s0], [sflag:$0x5], $0x80, $0x38;
	[tilespmem:$0x1EA00] =	vst v63  }
0xb6: {  	_ =	swait.ge [sflag:s20], $0x80  }
0xb7: {  	[sflag:s20] =	ssyncset.done $0x0  }
0xb8: {  	s12 =	simm.s32 $0x1C880;
	s6 =	sadd.s32 s13, s14;
	[sflag:s20] =	ssyncadd.s32 $0xFFFFFF80  }
0xb9: {  	[hbm4b:s6+s3] =	stream.linear.scatter [tilespmem:s12], [sflag:$0x5], $0x80, $0x38;
	[tilespmem:$0x1EA00] =	vst v63  }
0xba: {  	_ =	swait.ge [sflag:s20], $0x80  }
0xbb: {  	[sflag:s20] =	ssyncset.done $0x0  }
0xbc: {  	s9 =	simm.s32 $0x1C900;
	s13 =	sadd.s32 s13, s15;
	[sflag:s20] =	ssyncadd.s32 $0xFFFFFF80  }
0xbd: {  	[hbm4b:s13+s3] =	stream.linear.scatter [tilespmem:s9], [sflag:$0x5], $0x80, $0x38;
	[tilespmem:$0x1EA00] =	vst v63  }
0xbe: {  	_ =	swait.ge [sflag:s20], $0x80  }
0xbf: {  	[sflag:s20] =	ssyncset.done $0x0  }
0xc0: {  	s29 =	simm.s32 $0x1;
	[sflag:s20] =	ssyncadd.s32 $0xFFFFFF80  }
0xc1: {  	_ =	swait.ge [sflag:s29], $0x4000  }
0xc2: {  	[sflag:s29] =	ssyncset.done $0x0  }
0xc3: {  	s1 =	simm.s32 $0x3;
	[sflag:s29] =	ssyncadd.s32 $0xFFFFC000  }
0xc4: {  	_ =	swait.ge [sflag:s1], $0x4000  }
0xc5: {  	[sflag:s1] =	ssyncset.done $0x0  }
0xc6: {  	[sflag:s1] =	ssyncadd.s32 $0xFFFFC000  }
0xc7: {  	[spmem:s17] =	stream.linear.scatter [tilespmem:s31], [sflag:$0x5], $0x2000, $0x38;
	[tilespmem:$0x1EA00] =	vst v63  }
0xc8: {  	_ =	swait.ge [sflag:s20], $0x2000  }
0xc9: {  	[sflag:s20] =	ssyncset.done $0x0  }
0xca: {  	s6 =	simm.s32 $0xD000;
	[sflag:s20] =	ssyncadd.s32 $0xFFFFE000  }
0xcb: {  	[spmem:s2] =	stream.indirect.scatter.add.f32 [tilespmem:s6], [sflag:$0x5], $0x80, s11, s8, $0xb8;
	[tilespmem:$0x1EA00] =	vst v63  }
0xcc: {  	_ =	swait.ge [sflag:s20], $0x2000  }
0xcd: {  	s16 =	sshrl.u32 s17, $0x3;
	s9 =	rddreg [dreg:$0x3];
	[sflag:s20] =	ssyncset.done $0x0  }
0xce: {  	s13 =	sor.u32 $0x1C05, s30;
	[sflag:s20] =	ssyncadd.s32 $0xFFFFE000;
	s29 =	sadd.s32 s18, s9  }
0xcf: {  	[hbm:s29], [sflag:s13] =	dma.local [spmem:s16], $0x400  }
0xd0: {  	_ =	swait.ge [sflag:s20], $0x400  }
0xd1: {  	[sflag:s20] =	ssyncset.done $0x0  }
0xd2: {  	s12 =	smov.u32 s30;
	s30 =	rddreg [dreg:$0x6];
	[sflag:s20] =	ssyncadd.s32 $0xFFFFFC00  }
0xd3: {  	[spmem:s17] =	stream.linear.scatter [tilespmem:s30], [sflag:$0x5], $0x2000, $0x38;
	[tilespmem:$0x1EA00] =	vst v63  }
0xd4: {  	_ =	swait.ge [sflag:s20], $0x2000  }
0xd5: {  	[sflag:s20] =	ssyncset.done $0x0  }
0xd6: {  	s30 =	rddreg [dreg:$0x7];
	[sflag:s20] =	ssyncadd.s32 $0xFFFFE000  }
0xd7: {  	[spmem:s2] =	stream.indirect.scatter.add.f32 [tilespmem:s30], [sflag:$0x5], $0x80, s11, s8, $0xb8;
	[tilespmem:$0x1EA00] =	vst v63  }
0xd8: {  	_ =	swait.ge [sflag:s20], $0x2000  }
0xd9: {  	[sflag:s20] =	ssyncset.done $0x0  }
0xda: {  	s30 =	sadd.s32 $0x400, s29;
	[sflag:s20] =	ssyncadd.s32 $0xFFFFE000  }
0xdb: {  	[hbm:s30], [sflag:s13] =	dma.local [spmem:s16], $0x400  }
0xdc: {  	p0 =	seq.s32 s26, $0x9C00;
	_ =	swait.ge [sflag:s20], $0x400  }
0xdd: {  	s0 =	simm.s32 @!p0 $0x80;
	s30 =	sshra.s32 @!p0 s26, $0x2;
	[sflag:s20] =	ssyncset.done $0x0  }
0xde: {  	s6 =	simm.s32 @!p0 $0x5000;
	s1 =	sadd.s32 @!p0 $0x100, s30;
	[sflag:s20] =	ssyncadd.s32 $0xFFFFFC00  }
0xdf: {  	[tilespmem:s6], [sflag:$0x1] =	stream.indirect.gather @!p0 [hbm4b:s4+s0], $0x80, s1, s0, $0xb8;
	[tilespmem:$0x1EA00] =	vst v63  }
0xe0: {  	s1 =	sadd.s32 @!p0 $0x2900, s30;
	s6 =	simm.s32 @!p0 $0xD000  }
0xe1: {  	[tilespmem:s6], [sflag:$0x3] =	stream.indirect.gather @!p0 [hbm4b:s5+s0], $0x80, s1, s0, $0xb8;
	[tilespmem:$0x1EA00] =	vst v63  }
0xe2: {  	v4 =	vld [tilespmem:s28+$0x80]  }
0xe3: {  	v5 =	vld [tilespmem:s28+$0x2880];
	_ =	sdelay $0x6  }
0xe4: {  	v31 =	vld.idx.msk [tilespmem:v4+s22+$0x0], $0xffff  }
0xe5: {  	v32 =	vld.idx.msk [tilespmem:v5+s22+$0x0], $0xffff  }
0xe6: {  	v33 =	vld.idx.msk [tilespmem:v4+s23+$0x0], $0xffff  }
0xe7: {  	v34 =	vld.idx.msk [tilespmem:v5+s23+$0x0], $0xffff;
	_ =	sdelay $0x4  }
0xe8: {  	v6 =	vsub.f32 v31, v32;
	v35 =	vsub.f32 v33, v34;
	_ =	sdelay $0x1  }
0xe9: {  	v6 =	vmul.f32 v6, v6;
	v7 =	vmul.f32 v35, v35;
	_ =	sdelay $0x1  }
0xea: {  	v6 =	vadd.f32 v7, v6;
	_ =	sdelay $0x1  }
0xeb: {  	[tilespmem:$0x1C800] =	vst v6  }
0xec: {  	v4 =	vld.idx.msk [tilespmem:v4+s24+$0x0], $0xffff;
	_ =	sdelay $0x4  }
0xed: {  	[tilespmem:$0x1C880] =	vst v4  }
0xee: {  	v4 =	vld.idx.msk [tilespmem:v5+s24+$0x0], $0xffff;
	_ =	sdelay $0x4  }
0xef: {  	[tilespmem:$0x1C900] =	vst v4  }
0xf0: {  	v4 =	vld [tilespmem:s28+$0x90]  }
0xf1: {  	v5 =	vld [tilespmem:s28+$0x2890];
	_ =	sdelay $0x6  }
0xf2: {  	v6 =	vld.idx.msk [tilespmem:v4+s22+$0x0], $0xffff  }
0xf3: {  	v36 =	vld.idx.msk [tilespmem:v5+s22+$0x0], $0xffff  }
0xf4: {  	v37 =	vld.idx.msk [tilespmem:v4+s23+$0x0], $0xffff  }
0xf5: {  	v38 =	vld.idx.msk [tilespmem:v5+s23+$0x0], $0xffff;
	_ =	sdelay $0x4  }
0xf6: {  	v6 =	vsub.f32 v6, v36;
	v39 =	vsub.f32 v37, v38;
	_ =	sdelay $0x1  }
0xf7: {  	v6 =	vmul.f32 v6, v6;
	v7 =	vmul.f32 v39, v39;
	_ =	sdelay $0x1  }
0xf8: {  	v6 =	vadd.f32 v7, v6;
	_ =	sdelay $0x1  }
0xf9: {  	[tilespmem:$0x1C810] =	vst v6  }
0xfa: {  	v4 =	vld.idx.msk [tilespmem:v4+s24+$0x0], $0xffff;
	_ =	sdelay $0x4  }
0xfb: {  	[tilespmem:$0x1C890] =	vst v4  }
0xfc: {  	v4 =	vld.idx.msk [tilespmem:v5+s24+$0x0], $0xffff;
	_ =	sdelay $0x4  }
0xfd: {  	[tilespmem:$0x1C910] =	vst v4  }
0xfe: {  	v4 =	vld [tilespmem:s28+$0xA0]  }
0xff: {  	v5 =	vld [tilespmem:s28+$0x28A0];
	_ =	sdelay $0x6  }
0x100: {  	v6 =	vld.idx.msk [tilespmem:v4+s22+$0x0], $0xffff  }
0x101: {  	v40 =	vld.idx.msk [tilespmem:v5+s22+$0x0], $0xffff  }
0x102: {  	v41 =	vld.idx.msk [tilespmem:v4+s23+$0x0], $0xffff  }
0x103: {  	v42 =	vld.idx.msk [tilespmem:v5+s23+$0x0], $0xffff;
	_ =	sdelay $0x4  }
0x104: {  	v6 =	vsub.f32 v6, v40;
	v43 =	vsub.f32 v41, v42;
	_ =	sdelay $0x1  }
0x105: {  	v6 =	vmul.f32 v6, v6;
	v7 =	vmul.f32 v43, v43;
	_ =	sdelay $0x1  }
0x106: {  	v6 =	vadd.f32 v7, v6;
	_ =	sdelay $0x1  }
0x107: {  	[tilespmem:$0x1C820] =	vst v6  }
0x108: {  	v4 =	vld.idx.msk [tilespmem:v4+s24+$0x0], $0xffff;
	_ =	sdelay $0x4  }
0x109: {  	[tilespmem:$0x1C8A0] =	vst v4  }
0x10a: {  	v4 =	vld.idx.msk [tilespmem:v5+s24+$0x0], $0xffff;
	_ =	sdelay $0x4  }
0x10b: {  	[tilespmem:$0x1C920] =	vst v4  }
0x10c: {  	v4 =	vld [tilespmem:s28+$0xB0]  }
0x10d: {  	v5 =	vld [tilespmem:s28+$0x28B0];
	_ =	sdelay $0x6  }
0x10e: {  	v6 =	vld.idx.msk [tilespmem:v4+s22+$0x0], $0xffff  }
0x10f: {  	v44 =	vld.idx.msk [tilespmem:v5+s22+$0x0], $0xffff  }
0x110: {  	v45 =	vld.idx.msk [tilespmem:v4+s23+$0x0], $0xffff  }
0x111: {  	v46 =	vld.idx.msk [tilespmem:v5+s23+$0x0], $0xffff;
	_ =	sdelay $0x4  }
0x112: {  	v6 =	vsub.f32 v6, v44;
	v47 =	vsub.f32 v45, v46;
	_ =	sdelay $0x1  }
0x113: {  	v6 =	vmul.f32 v6, v6;
	v7 =	vmul.f32 v47, v47;
	_ =	sdelay $0x1  }
0x114: {  	v6 =	vadd.f32 v7, v6;
	_ =	sdelay $0x1  }
0x115: {  	[tilespmem:$0x1C830] =	vst v6  }
0x116: {  	v4 =	vld.idx.msk [tilespmem:v4+s24+$0x0], $0xffff;
	_ =	sdelay $0x4  }
0x117: {  	[tilespmem:$0x1C8B0] =	vst v4  }
0x118: {  	v4 =	vld.idx.msk [tilespmem:v5+s24+$0x0], $0xffff;
	_ =	sdelay $0x4  }
0x119: {  	[tilespmem:$0x1C930] =	vst v4  }
0x11a: {  	v4 =	vld [tilespmem:s28+$0xC0]  }
0x11b: {  	v5 =	vld [tilespmem:s28+$0x28C0];
	_ =	sdelay $0x6  }
0x11c: {  	v6 =	vld.idx.msk [tilespmem:v4+s22+$0x0], $0xffff  }
0x11d: {  	v48 =	vld.idx.msk [tilespmem:v5+s22+$0x0], $0xffff  }
0x11e: {  	v49 =	vld.idx.msk [tilespmem:v4+s23+$0x0], $0xffff  }
0x11f: {  	v50 =	vld.idx.msk [tilespmem:v5+s23+$0x0], $0xffff;
	_ =	sdelay $0x4  }
0x120: {  	v6 =	vsub.f32 v6, v48;
	v51 =	vsub.f32 v49, v50;
	_ =	sdelay $0x1  }
0x121: {  	v6 =	vmul.f32 v6, v6;
	v7 =	vmul.f32 v51, v51;
	_ =	sdelay $0x1  }
0x122: {  	v6 =	vadd.f32 v7, v6;
	_ =	sdelay $0x1  }
0x123: {  	[tilespmem:$0x1C840] =	vst v6  }
0x124: {  	v4 =	vld.idx.msk [tilespmem:v4+s24+$0x0], $0xffff;
	_ =	sdelay $0x4  }
0x125: {  	[tilespmem:$0x1C8C0] =	vst v4  }
0x126: {  	v4 =	vld.idx.msk [tilespmem:v5+s24+$0x0], $0xffff;
	_ =	sdelay $0x4  }
0x127: {  	[tilespmem:$0x1C940] =	vst v4  }
0x128: {  	v4 =	vld [tilespmem:s28+$0xD0]  }
0x129: {  	v5 =	vld [tilespmem:s28+$0x28D0];
	_ =	sdelay $0x6  }
0x12a: {  	v6 =	vld.idx.msk [tilespmem:v4+s22+$0x0], $0xffff  }
0x12b: {  	v52 =	vld.idx.msk [tilespmem:v5+s22+$0x0], $0xffff  }
0x12c: {  	v53 =	vld.idx.msk [tilespmem:v4+s23+$0x0], $0xffff  }
0x12d: {  	v54 =	vld.idx.msk [tilespmem:v5+s23+$0x0], $0xffff;
	_ =	sdelay $0x4  }
0x12e: {  	v6 =	vsub.f32 v6, v52;
	v55 =	vsub.f32 v53, v54;
	_ =	sdelay $0x1  }
0x12f: {  	v6 =	vmul.f32 v6, v6;
	v7 =	vmul.f32 v55, v55;
	_ =	sdelay $0x1  }
0x130: {  	v6 =	vadd.f32 v7, v6;
	_ =	sdelay $0x1  }
0x131: {  	[tilespmem:$0x1C850] =	vst v6  }
0x132: {  	v4 =	vld.idx.msk [tilespmem:v4+s24+$0x0], $0xffff;
	_ =	sdelay $0x4  }
0x133: {  	[tilespmem:$0x1C8D0] =	vst v4  }
0x134: {  	v4 =	vld.idx.msk [tilespmem:v5+s24+$0x0], $0xffff;
	_ =	sdelay $0x4  }
0x135: {  	[tilespmem:$0x1C950] =	vst v4  }
0x136: {  	v4 =	vld [tilespmem:s28+$0xE0]  }
0x137: {  	v5 =	vld [tilespmem:s28+$0x28E0];
	_ =	sdelay $0x6  }
0x138: {  	v6 =	vld.idx.msk [tilespmem:v4+s22+$0x0], $0xffff  }
0x139: {  	v56 =	vld.idx.msk [tilespmem:v5+s22+$0x0], $0xffff  }
0x13a: {  	v57 =	vld.idx.msk [tilespmem:v4+s23+$0x0], $0xffff  }
0x13b: {  	v58 =	vld.idx.msk [tilespmem:v5+s23+$0x0], $0xffff;
	_ =	sdelay $0x4  }
0x13c: {  	v6 =	vsub.f32 v6, v56;
	v59 =	vsub.f32 v57, v58;
	_ =	sdelay $0x1  }
0x13d: {  	v6 =	vmul.f32 v6, v6;
	v7 =	vmul.f32 v59, v59;
	_ =	sdelay $0x1  }
0x13e: {  	v6 =	vadd.f32 v7, v6;
	_ =	sdelay $0x1  }
0x13f: {  	[tilespmem:$0x1C860] =	vst v6  }
0x140: {  	v4 =	vld.idx.msk [tilespmem:v4+s24+$0x0], $0xffff;
	_ =	sdelay $0x4  }
0x141: {  	[tilespmem:$0x1C8E0] =	vst v4  }
0x142: {  	v4 =	vld.idx.msk [tilespmem:v5+s24+$0x0], $0xffff;
	_ =	sdelay $0x4  }
0x143: {  	[tilespmem:$0x1C960] =	vst v4  }
0x144: {  	v4 =	vld [tilespmem:s28+$0xF0]  }
0x145: {  	v5 =	vld [tilespmem:s28+$0x28F0];
	_ =	sdelay $0x6  }
0x146: {  	v6 =	vld.idx.msk [tilespmem:v4+s22+$0x0], $0xffff  }
0x147: {  	v60 =	vld.idx.msk [tilespmem:v5+s22+$0x0], $0xffff  }
0x148: {  	v61 =	vld.idx.msk [tilespmem:v4+s23+$0x0], $0xffff  }
0x149: {  	v62 =	vld.idx.msk [tilespmem:v5+s23+$0x0], $0xffff;
	_ =	sdelay $0x4  }
0x14a: {  	v6 =	vsub.f32 v6, v60;
	v63 =	vsub.f32 v61, v62;
	_ =	sdelay $0x1  }
0x14b: {  	v6 =	vmul.f32 v6, v6;
	v7 =	vmul.f32 v63, v63;
	_ =	sdelay $0x1  }
0x14c: {  	v6 =	vadd.f32 v7, v6;
	_ =	sdelay $0x1  }
0x14d: {  	[tilespmem:$0x1C870] =	vst v6  }
0x14e: {  	v4 =	vld.idx.msk [tilespmem:v4+s24+$0x0], $0xffff;
	_ =	sdelay $0x4  }
0x14f: {  	[tilespmem:$0x1C8F0] =	vst v4  }
0x150: {  	v4 =	vld.idx.msk [tilespmem:v5+s24+$0x0], $0xffff  }
0x151: {  	s1 =	sadd.s32 $0x80, s21  }
0x152: {  	s9 =	sand.u32 $0x7FFFC000, s19;
	s0 =	sand.u32 $0x780, s1  }
0x153: {  	s0 =	sor.u32 s0, s9  }
0x154: {  	s0 =	sshrl.u32 s0, $0x3  }
0x155: {  	s30 =	smov.u32 s12;
	s12 =	sadd.s32 s10, s0;
	s28 =	simm.s32 $0x1C800;
	[tilespmem:$0x1C970] =	vst v4  }
0x156: {  	[hbm4b:s12+s3] =	stream.linear.scatter [tilespmem:s28], [sflag:$0x5], $0x80, $0x38;
	[tilespmem:$0x1EA00] =	vst v63  }
0x157: {  	_ =	swait.ge [sflag:s20], $0x80  }
0x158: {  	[sflag:s20] =	ssyncset.done $0x0  }
0x159: {  	s1 =	simm.s32 $0x1C880;
	s9 =	sadd.s32 s0, s14;
	[sflag:s20] =	ssyncadd.s32 $0xFFFFFF80  }
0x15a: {  	[hbm4b:s9+s3] =	stream.linear.scatter [tilespmem:s1], [sflag:$0x5], $0x80, $0x38;
	[tilespmem:$0x1EA00] =	vst v63  }
0x15b: {  	_ =	swait.ge [sflag:s20], $0x80  }
0x15c: {  	[sflag:s20] =	ssyncset.done $0x0  }
0x15d: {  	s0 =	sadd.s32 s0, s15;
	s28 =	simm.s32 $0x1C900;
	[sflag:s20] =	ssyncadd.s32 $0xFFFFFF80  }
0x15e: {  	[hbm4b:s0+s3] =	stream.linear.scatter [tilespmem:s28], [sflag:$0x5], $0x80, $0x38;
	[tilespmem:$0x1EA00] =	vst v63  }
0x15f: {  	_ =	swait.ge [sflag:s20], $0x80  }
0x160: {  	[sflag:s20] =	ssyncset.done $0x0  }
0x161: {  	s28 =	simm.s32 $0x2;
	[sflag:s20] =	ssyncadd.s32 $0xFFFFFF80  }
0x162: {  	_ =	swait.ge [sflag:s28], $0x4000  }
0x163: {  	[sflag:s28] =	ssyncset.done $0x0  }
0x164: {  	s12 =	simm.s32 $0x4;
	[sflag:s28] =	ssyncadd.s32 $0xFFFFC000  }
0x165: {  	_ =	swait.ge [sflag:s12], $0x4000  }
0x166: {  	[sflag:s12] =	ssyncset.done $0x0  }
0x167: {  	s1 =	simm.s32 $0x9000;
	[sflag:s12] =	ssyncadd.s32 $0xFFFFC000  }
0x168: {  	[spmem:s17] =	stream.linear.scatter [tilespmem:s1], [sflag:$0x5], $0x2000, $0x38;
	[tilespmem:$0x1EA00] =	vst v63  }
0x169: {  	_ =	swait.ge [sflag:s20], $0x2000  }
0x16a: {  	[sflag:s20] =	ssyncset.done $0x0  }
0x16b: {  	s7 =	simm.s32 $0x11000;
	[sflag:s20] =	ssyncadd.s32 $0xFFFFE000  }
0x16c: {  	[spmem:s2] =	stream.indirect.scatter.add.f32 [tilespmem:s7], [sflag:$0x5], $0x80, s11, s8, $0xb8;
	[tilespmem:$0x1EA00] =	vst v63  }
0x16d: {  	_ =	swait.ge [sflag:s20], $0x2000  }
0x16e: {  	[sflag:s20] =	ssyncset.done $0x0  }
0x16f: {  	s9 =	sadd.s32 $0x800, s29;
	[sflag:s20] =	ssyncadd.s32 $0xFFFFE000  }
0x170: {  	[hbm:s9], [sflag:s13] =	dma.local [spmem:s16], $0x400  }
0x171: {  	_ =	swait.ge [sflag:s20], $0x400  }
0x172: {  	[sflag:s20] =	ssyncset.done $0x0  }
0x173: {  	s12 =	rddreg [dreg:$0x8];
	[sflag:s20] =	ssyncadd.s32 $0xFFFFFC00  }
0x174: {  	[spmem:s17] =	stream.linear.scatter [tilespmem:s12], [sflag:$0x5], $0x2000, $0x38;
	[tilespmem:$0x1EA00] =	vst v63  }
0x175: {  	_ =	swait.ge [sflag:s20], $0x2000  }
0x176: {  	[sflag:s20] =	ssyncset.done $0x0  }
0x177: {  	s31 =	smov.u32 s25;
	s28 =	rddreg [dreg:$0x9];
	[sflag:s20] =	ssyncadd.s32 $0xFFFFE000  }
0x178: {  	[spmem:s2] =	stream.indirect.scatter.add.f32 [tilespmem:s28], [sflag:$0x5], $0x80, s11, s8, $0xb8;
	[tilespmem:$0x1EA00] =	vst v63  }
0x179: {  	s25 =	smov.u32 s31;
	s26 =	sadd.s32 $0x400, s26;
	_ =	swait.ge [sflag:s20], $0x2000  }
0x17a: {  	p0 =	sne.s32 s26, $0xA000;
	s29 =	rddreg [dreg:$0x4];
	[sflag:s20] =	ssyncset.done $0x0  }
.Ltmp0:
0x17b: {  	[sflag:s20] =	ssyncadd.s32 $0xFFFFE000;
	s0 =	sadd.s32 s18, s29;
	(pc) =	sbr.rel @p0 .LBB2_2-.Ltmp0, $4  }
0x17c: {  	[hbm:s0], [sflag:s13] =	dma.local [spmem:s16], $0x400  }
0x17d: {  	s31 =	simm.s32 $0x5000;
	s19 =	sadd.s32 $0x800, s19;
	_ =	swait.ge [sflag:s20], $0x400  }
0x17e: {  	s6 =	simm.s32 $0x80;
	s21 =	sadd.s32 $0x100, s21;
	[sflag:s20] =	ssyncset.done $0x0  }
0x17f: {  	s7 =	simm.s32 $0x11000;
	s18 =	sadd.s32 $0x1000, s18;
	[sflag:s20] =	ssyncadd.s32 $0xFFFFFC00  }
0x180: {  	s1 =	rddreg [dreg:$0x12]  }
0x181: {  	s0 =	rddreg [dreg:$0x10];
	s1 =	sadd.s32 $0x1, s1  }
0x182: {  	p0 =	sne.s32 s1, s0  }
.Ltmp1:
0x183: {  	_ = 	snop;
	(pc) =	sbr.rel @p0 .LBB2_1-.Ltmp1, $2  }
0x184: {  	_ =	sdelay $0x2  }
0x185: {  	s13 =	simm.s32 $0xD000  }
0x186: {  	_ =	sfence.sel $0x180000  }
0x187: {  	[bflag:$0x0] =	sbarrier.arrive $0xFFFF  }
0x188: {  	_ =	strace $0x9000004D  }
0x189: {  	s0 =	stileid.u32;
	[bflag:$0x2] =	sbarrier.arrive $0xFFFF  }
0x18a: {  	p0 =	sne.s32 s0, $0x0;
	s0 =	rddreg [dreg:$0x2]  }
0x18b: {  	s0 =	sadd.s32 @!p0 $0x100000, s0  }
0x18c: {  	[sflag:s0] =	ssyncadd.tile.s32 @!p0 $0x1;
	_ =	shalt  }
.Lfunc_end2:
_tile_overlayer_lowered:
.L_overlay_start_2:
0x18d: {  	(tag) =	ssettag $0x2  }
0x18e: {  	s0 =	rddreg [dreg:$0x0];
	s2 =	stileid.u32  }
0x18f: {  	s1 =	rddreg [dreg:$0x1];
	p0 =	sne.s32 s2, $0x0  }
0x190: {  	s3 =	rddreg [dreg:$0x2];
	[bflag:$0x3] =	sbarrier.arrive $0xFFFF;
	s2 =	simm.s32 @!p0 $0x1C05  }
0x191: {  	[timem:s3], [sflag:s2] =	dma.local @!p0 [hbm:s0], s1  }
0x192: {  	s0 =	simm.s32 @!p0 $0x5  }
0x193: {  	_ =	swait.ge @!p0 [sflag:s0], s1  }
0x194: {  	s1 =	ssub.s32 @!p0 $0x0, s1;
	[sflag:s0] =	ssyncset.done @!p0 $0x0  }
0x195: {  	[sflag:s0] =	ssyncadd.s32 @!p0 s1  }
0x196: {  	[bflag:$0x3] =	sbarrier.arrive $0xFFFF  }
0x197: {  	_ =	shalt  }

// kernel: kernel.9.cloned.1.call-start
scs
__scs_entry_jumppad:
0x0: {  	(pc) =	sbr.rel $0x88, $3  }
0x1: {  	(tag) =	ssettag $0x0;
	lr =	simm.s32 $0x1  }
0x2: {  	[smem:$0x3F8C] =	sst lr;
	_ =	strace $0xD0000000  }
0x3: {  	_ = 	snop  }
0x4: {  	_ = 	snop  }
0x5: {  	_ = 	snop  }
0x6: {  	_ = 	snop  }
0x7: {  	_ = 	snop  }
__scs_overlays_trampoline_lowered:
0x8: {  	[smem:$0x3F9B] =	sst s0  }
0x9: {  	[smem:$0x3F9C] =	sst s1  }
0xa: {  	[smem:$0x3F9D] =	sst s2  }
0xb: {  	[smem:$0x3F9E] =	sst s3  }
0xc: {  	[smem:$0x3F9F] =	sst s4  }
0xd: {  	[smem:$0x3FA0] =	sst s5  }
0xe: {  	[smem:$0x3FA1] =	sst s6  }
0xf: {  	[smem:$0x3FA2] =	sst s7  }
0x10: {  	[smem:$0x3FA3] =	sst s8  }
0x11: {  	[smem:$0x3FA4] =	sst s9;
	s0 =	simm.s32 @!p0 $0x0  }
0x12: {  	s1 =	sld [smem:$0x3F8A];
	s0 =	simm.s32 @p0 $0x1  }
0x13: {  	[smem:$0x3FA5] =	sst s0;
	s0 =	simm.s32 @!p1 $0x0  }
0x14: {  	s2 =	sld [smem:$0x3F89];
	s0 =	simm.s32 @p1 $0x1  }
0x15: {  	[smem:$0x3FA6] =	sst s0;
	s0 =	simm.s32 @!p2 $0x0  }
0x16: {  	s3 =	sld [smem:$0x3FDB];
	s0 =	simm.s32 @p2 $0x1  }
0x17: {  	s4 =	simm.s32 $0x1BF5;
	[smem:$0x3FA8] =	sst s0  }
0x18: {  	s0 =	sld [smem:$0x3F8B];
	_ =	swait.ge [sflag:s4], $0x0  }
0x19: {  	s7 =	sld [smem:$0x3F8C]  }
0x1a: {  	s8 =	sadd.s32 $0xFFFFE003, lr  }
0x1b: {  	s9 =	sadd.s32 $0xFFFFFEF7, lr;
	s5 =	simm.s32 $0xFFFFFFFF;
	p2 =	slt.u32 s8, $0xFFFFF086  }
0x1c: {  	p1 =	slt.u32 s9, $0xF7A;
	s5 =	simm.s32 @!p2 $0x0  }
0x1d: {  	s5 =	simm.s32 @p1 $0x1;
	p0 =	seq.s32 s7, s2  }
0x1e: {  	s7 =	smul.u32 @!p0 $0xF7A, s2;
	p2 =	seq.s32 @!p0 s5, $0x0  }
0x1f: {  	s9 =	smul.u32 $0xF7A, s1;
	s8 =	simm.s32 @!p0 $0x1BF5;
	p2 =	por !p2, p0  }
0x20: {  	[sflag:s8] =	ssyncset.s32 @!p0 $0xFFFFF086;
	s6 =	sadd.s32 @!p0 s3, s7;
	s7 =	simm.s32 @!p0 $0x108  }
0x21: {  	s3 =	sadd.s32 s3, s9;
	s6 =	sadd.s32 @!p0 $0x88, s6;
	s7 =	simm.s32 @p2 $0x1082  }
0x22: {  	[simem:s7], [sflag:s8] =	dma.local @!p0 [hbm:s6], $0xF7A  }
0x23: {  	s9 =	sor.u32 $0xD0000000, s2;
	s6 =	simm.s32 $0x108;
	_ =	swait.ge @!p0 [sflag:s8], $0x0  }
0x24: {  	s3 =	sadd.s32 $0x88, s3;
	s6 =	simm.s32 @!p1 $0x1082;
	[sflag:s4] =	ssyncset.s32 $0xFFFFF086  }
0x25: {  	[simem:s6], [sflag:s4] =	dma.local [hbm:s3], $0xF7A  }
0x26: {  	[smem:$0x3F8C] =	sst s1;
	(tag) =	ssettag s2;
	_ =	strace s9  }
0x27: {  	s1 =	sld [smem:$0x3F9C]  }
0x28: {  	s2 =	sld [smem:$0x3F9D]  }
0x29: {  	s4 =	sld [smem:$0x3F9F]  }
0x2a: {  	p0 =	seq.s32 s5, $0x0;
	s5 =	sld [smem:$0x3FA0]  }
0x2b: {  	s6 =	sld [smem:$0x3FA1]  }
0x2c: {  	s7 =	sld [smem:$0x3FA2]  }
0x2d: {  	s3 =	simm.s32 $0x108;
	s8 =	sld [smem:$0x3FA3]  }
0x2e: {  	s3 =	simm.s32 @!p0 $0x1082;
	s9 =	sld [smem:$0x3FA4]  }
0x2f: {  	lr =	sadd.s32 s0, s3;
	s0 =	sld [smem:$0x3F9B]  }
0x30: {  	s3 =	sld [smem:$0x3F9E]  }
0x31: {  	[smem:$0x3FA7] =	sst s10  }
0x32: {  	s10 =	sld [smem:$0x3FA5];
	_ =	sdelay $0x3  }
0x33: {  	p0 =	seq.s32 s10, $0x1;
	s10 =	sld [smem:$0x3FA7];
	_ =	sdelay $0x3  }
0x34: {  	[smem:$0x3FA7] =	sst s10  }
0x35: {  	s10 =	sld [smem:$0x3FA6];
	_ =	sdelay $0x3  }
0x36: {  	p1 =	seq.s32 s10, $0x1;
	s10 =	sld [smem:$0x3FA7];
	_ =	sdelay $0x3  }
0x37: {  	[smem:$0x3FA7] =	sst s10  }
0x38: {  	s10 =	sld [smem:$0x3FA8]  }
0x39: {  	_ = 	snop;
	(pc) =	sbr.ind lr, $3  }
0x3a: {  	_ = 	snop  }
0x3b: {  	_ = 	snop  }
0x3c: {  	p2 =	seq.s32 s10, $0x1;
	s10 =	sld [smem:$0x3FA7]  }
0x3d: {  	_ =	shalt  }
0x3e: {  	_ =	shalt  }
0x3f: {  	_ =	shalt  }
0x40: {  	_ =	shalt  }
0x41: {  	_ =	shalt  }
0x42: {  	_ =	shalt  }
0x43: {  	_ =	shalt  }
0x44: {  	_ =	shalt  }
0x45: {  	_ =	shalt  }
0x46: {  	_ =	shalt  }
0x47: {  	_ =	shalt  }
0x48: {  	_ =	shalt  }
0x49: {  	_ =	shalt  }
0x4a: {  	_ =	shalt  }
0x4b: {  	_ =	shalt  }
0x4c: {  	_ =	shalt  }
0x4d: {  	_ =	shalt  }
0x4e: {  	_ =	shalt  }
0x4f: {  	_ =	shalt  }
0x50: {  	_ =	shalt  }
0x51: {  	_ =	shalt  }
0x52: {  	_ =	shalt  }
0x53: {  	_ =	shalt  }
0x54: {  	_ =	shalt  }
0x55: {  	_ =	shalt  }
0x56: {  	_ =	shalt  }
0x57: {  	_ =	shalt  }
0x58: {  	_ =	shalt  }
0x59: {  	_ =	shalt  }
0x5a: {  	_ =	shalt  }
0x5b: {  	_ =	shalt  }
0x5c: {  	_ =	shalt  }
0x5d: {  	_ =	shalt  }
0x5e: {  	_ =	shalt  }
0x5f: {  	_ =	shalt  }
0x60: {  	_ =	shalt  }
0x61: {  	_ =	shalt  }
0x62: {  	_ =	shalt  }
0x63: {  	_ =	shalt  }
0x64: {  	_ =	shalt  }
0x65: {  	_ =	shalt  }
0x66: {  	_ =	shalt  }
0x67: {  	_ =	shalt  }
0x68: {  	_ =	shalt  }
0x69: {  	_ =	shalt  }
0x6a: {  	_ =	shalt  }
0x6b: {  	_ =	shalt  }
0x6c: {  	_ =	shalt  }
0x6d: {  	_ =	shalt  }
0x6e: {  	_ =	shalt  }
0x6f: {  	_ =	shalt  }
0x70: {  	_ =	shalt  }
0x71: {  	_ =	shalt  }
0x72: {  	_ =	shalt  }
0x73: {  	_ =	shalt  }
0x74: {  	_ =	shalt  }
0x75: {  	_ =	shalt  }
0x76: {  	_ =	shalt  }
0x77: {  	_ =	shalt  }
0x78: {  	_ =	shalt  }
0x79: {  	_ =	shalt  }
0x7a: {  	_ =	shalt  }
0x7b: {  	_ =	shalt  }
0x7c: {  	_ =	shalt  }
0x7d: {  	_ =	shalt  }
0x7e: {  	_ =	shalt  }
0x7f: {  	_ =	shalt  }
0x80: {  	_ =	shalt  }
0x81: {  	_ =	shalt  }
0x82: {  	_ =	shalt  }
0x83: {  	_ =	shalt  }
0x84: {  	_ =	shalt  }
0x85: {  	_ =	shalt  }
0x86: {  	_ =	shalt  }
0x87: {  	_ =	shalt  }
.Lfunc_end0:
.L_simem_size_0:
called_computation_lowered:
.L_overlay_start_0:
0x88: {  	s2 =	sld [smem:$0x3FD9]  }
0x89: {  	s3 =	sld [smem:$0x3FFE];
	_ =	sdelay $0x1  }
0x8a: {  	s1 =	srdreg.scid  }
0x8b: {  	s0 =	sand.u32 $0x1, s1  }
0x8c: {  	s16 =	sshll.u32 s0, $0xA;
	s2 =	sadd.s32 s3, s2  }
0x8d: {  	s2 =	sadd.s32 s2, s16  }
0x8e: {  	[smem:$0x3FB3] =	sst s2  }
0x8f: {  	_ = 	snop  }
0x90: {  	(tm) =	ssettm $0x1  }
0x91: {  	s17 =	sld [smem:$0x3FFB];
	_ =	sdelay $0x3  }
0x92: {  	_ =	strace s17  }
0x93: {  	s2 =	sld [smem:$0x3FFC];
	_ =	sdelay $0x3  }
0x94: {  	_ =	strace s2  }
0x95: {  	s2 =	sld [smem:$0x3FFD];
	_ =	sdelay $0x3  }
0x96: {  	_ =	strace s2  }
0x97: {  	_ =	strace $0x8FFFFFFF  }
0x98: {  	s18 =	sld [smem:$0x3FDB];
	_ =	sdelay $0x1  }
0x99: {  	s19 =	simm.s32 $_scs_section_size  }
0x9a: {  	s4 =	simm.s32 $_size__tile_overlayer_lowered;
	s5 =	simm.s32 $_tile_overlayer_lowered  }
0x9b: {  	s22 =	simm.s32 $0x1BFF;
	s21 =	sshll.u32 s5, $0x1;
	s2 =	sadd.s32 s19, s18  }
0x9c: {  	s6 =	simm.s32 $0x0;
	s20 =	sshll.u32 s4, $0x1;
	s4 =	sadd.s32 s21, s2  }
0x9d: {  	[timem:s6], [sflag:s22] =	dma.local [hbm:s4], s20  }
0x9e: {  	_ =	swait.ge [sflag:s22], s20  }
0x9f: {  	s3 =	ssub.s32 $0x0, s20;
	[sflag:s22] =	ssyncset.done $0x0  }
0xa0: {  	[sflag:s22] =	ssyncadd.s32 s3;
	_ =	sdelay $0x1  }
0xa1: {  	s23 =	simm.s32 $0x1B8B  }
0xa2: {  	_ =	swait.ge [sflag:s23], $0x1  }
0xa3: {  	[sflag:s23] =	ssyncset.done $0x0  }
0xa4: {  	s25 =	simm.s32 $0x1B8E;
	s24 =	sld [smem:$0x3FFE];
	[sflag:s23] =	ssyncadd.s32 $0xFFFFFFFF  }
0xa5: {  	s26 =	simm.s32 $execute0_lowered;
	[smem:$0x3FD2] =	sst s25  }
0xa6: {  	s4 =	sshll.u32 s26, $0x1;
	_ =	strace $0x80000046;
	[dreg:$0x1] =	wrdreg $0xFFFFFFFF  }
0xa7: {  	s28 =	simm.s32 $_size_execute0_lowered;
	s2 =	sadd.s32 s2, s4;
	[dreg:$0x0] =	wrdreg $0x0  }
0xa8: {  	s4 =	sshll.u32 s28, $0x1;
	[dreg:$0x2] =	wrdreg s2  }
0xa9: {  	[dreg:$0x3] =	wrdreg s4  }
0xaa: {  	[dreg:$0x4] =	wrdreg $0xC0  }
0xab: {  	_ =	task [dreg:s6], $0x5FFFF  }
0xac: {  	[dreg:$0x1] =	wrdreg $0xFFFFFFFF  }
0xad: {  	[dreg:$0x0] =	wrdreg $0x60  }
0xae: {  	[dreg:$0x2] =	wrdreg s24  }
0xaf: {  	[dreg:$0x3] =	wrdreg $0x1CA000  }
0xb0: {  	[dreg:$0x4] =	wrdreg $0x9  }
0xb1: {  	_ =	task.clear_ibuf [dreg:s6], $0x5FFFF;
	_ =	strace $0x90000046  }
0xb2: {  	s29 =	simm.s32 $0x9;
	_ =	strace $0x80000048  }
0xb3: {  	_ =	swait.ge [sflag:s29], $0x1  }
0xb4: {  	[sflag:s29] =	ssyncadd.s32 $0xFFFFFFFF  }
0xb5: {  	_ =	strace $0x90000048  }
0xb6: {  	_ =	sfence  }
0xb7: {  	s30 =	sld [smem:$0x0];
	_ =	sdelay $0x2  }
0xb8: {  	s31 =	sshll.u32 s1, $0xD;
	s1 =	sshrl.u32 s1, $0x2  }
0xb9: {  	s3 =	sand.u32 $0x4000, s31;
	s1 =	sadd.s32 s1, s30  }
0xba: {  	s0 =	sor.u32 s3, s0;
	s1 =	sshll.u32 s1, $0x11  }
0xbb: {  	s0 =	sor.u32 s1, s0  }
0xbc: {  	s0 =	sadd.s32 $0x8F2B, s0  }
0xbd: {  	[sflag:s0] =	ssyncadd.remote.s32 $0x1  }
0xbe: {  	_ =	sfence.sel $0xFFFF  }
0xbf: {  	[dreg:$0x0] =	wrdreg $0xFFFFFFFF;
	(pc) =	sbr.abs _section_cstart, $3  }
0xc0: {  	[dreg:$0x1] =	wrdreg $0xFFFFFFFF  }
0xc1: {  	_ =	task.clear_ibuf [dreg:s6], $0x2FFFF;
	_ =	strace $0x9FFFFFFF  }
0xc2: {  	(tm) =	ssettm $0x7FFFFFFF  }
0xc3: {  	_ =	shalt  }
tec
execute0_lowered:
.L_overlay_start_1:
0x0: {  	(tag) =	ssettag $0x1  }
0x1: {  	s0 =	srdreg.scid;
	s1 =	rddreg [dreg:$0x0]  }
0x2: {  	s11 =	stileid.u32;
	s2 =	rddreg [dreg:$0x1];
	s24 =	simm.s32 $0x7000  }
0x3: {  	s26 =	simm.s32 $0xF000;
	s28 =	simm.s32 $0xB000;
	s29 =	simm.s32 $0x13000  }
0x4: {  	s31 =	simm.s32 $0x5000;
	s0 =	sand.u32 $0x1, s0;
	s3 =	sshll.u32 s11, $0x1  }
0x5: {  	s5 =	sadd.s32 $0x40000, s1;
	s7 =	sadd.s32 $0x3400, s1;
	s8 =	sadd.s32 $0x3A00, s1  }
0x6: {  	s10 =	sadd.s32 $0xE0000, s1;
	s13 =	smul.u32 $0x5000, s11;
	s30 =	sshll.u32 s11, $0x6  }
0x7: {  	s14 =	sadd.s32 $0x90100, s1;
	s17 =	smul.u32 $0x50000, s11;
	s19 =	sshll.u32 s11, $0xD  }
0x8: {  	s11 =	smul.u32 $0x14000, s11;
	s4 =	sor.u32 s0, s3;
	s3 =	simm.s32 $0x0  }
0x9: {  	s15 =	sadd.s32 $0x90200, s1;
	s16 =	smul.u32 $0x2800, s0;
	[smem:$0x7FF] =	sst s3  }
0xa: {  	s18 =	smul.u32 $0x28000, s0;
	_ =	strace $0x80000047;
	[dreg:$0xa] =	wrdreg s7  }
0xb: {  	s9 =	ssub.s32 $0x2, s0;
	s0 =	smul.u32 $0xA000, s0;
	[dreg:$0xb] =	wrdreg s8  }
0xc: {  	s4 =	smul.u32 $0x2800, s4;
	s12 =	sshrl.u32 s9, $0x1;
	[dreg:$0xd] =	wrdreg s10  }
0xd: {  	s8 =	sadd.s32 $0x2E00, s1;
	s10 =	sadd.s32 $0x90000, s1;
	[dreg:$0x6] =	wrdreg s24  }
0xe: {  	s7 =	ssub.s32 s9, s12;
	s25 =	sadd.s32 s16, s13;
	[dreg:$0x7] =	wrdreg s26  }
0xf: {  	s0 =	sadd.s32 s0, s11;
	[dreg:$0x8] =	wrdreg s28;
	s24 =	simm.s32 $0x1A000  }
0x10: {  	[dreg:$0x9] =	wrdreg s29;
	s13 =	simm.s32 $0xD000;
	s11 =	simm.s32 $0x1C980  }
0x11: {  	s6 =	sshrl.u32 s4, $0x3;
	s4 =	sadd.s32 $0x18000, s1;
	[dreg:$0xc] =	wrdreg s8  }
0x12: {  	s8 =	sor.u32 $0x80, s25;
	s22 =	smax.u32 s7, $0x1;
	[dreg:$0x5] =	wrdreg s0  }
0x13: {  	s7 =	simm.s32 $0x11000;
	s6 =	sadd.s32 s6, s1;
	s1 =	sadd.s32 s18, s17  }
0x14: {  	v0 =	vmov s30;
	s20 =	sshll.u32 s8, $0x4;
	s17 =	sadd.s32 s19, s2;
	[dreg:$0x10] =	wrdreg s22  }
0x15: {  	v1 =	vor.u32 $0x10, v0;
	s23 =	sshll.u32 s8, $0x3;
	s22 =	simm.s32 $0x15000;
	[dreg:$0x3] =	wrdreg s1  }
0x16: {  	v2 =	vor.u32 $0x20, v0;
	v0 =	vor.u32 $0x30, v0;
	v1 =	vbroadcast v1, $0x0;
	s8 =	simm.s32 $0x40;
	s9 =	sadd.s32 $0xE000, s6;
	[dreg:$0x11] =	wrdreg s23  }
0x17: {  	v3 =	vlaneseq.u32;
	v2 =	vbroadcast v2, $0x0;
	v4 =	vbroadcast v0, $0x0;
	s6 =	sadd.s32 $0x4000, s6;
	s21 =	sor.u32 $0x400, s20;
	[dreg:$0xe] =	wrdreg s9  }
0x18: {  	v0 =	vor.u32 s30, v3;
	s20 =	simm.s32 $0x5;
	s23 =	simm.s32 $0x17800;
	[dreg:$0xf] =	wrdreg s6  }
0x19: {  	v1 =	vor.u32 v3, v1;
	v2 =	vor.u32 v3, v2;
	v3 =	vor.u32 v3, v4;
	s1 =	simm.s32 $0x0;
	[dreg:$0x4] =	wrdreg s21;
	s6 =	simm.s32 $0x80  }
.LBB2_1:
0x1a: {  	[dreg:$0x12] =	wrdreg s1  }
0x1b: {  	s0 =	rddreg [dreg:$0xe]  }
0x1c: {  	[tilespmem:s3], [sflag:$0x5] =	stream.linear.gather [hbm4b:s0+s3], $0x2800, $0x38;
	[tilespmem:$0x1EA00] =	vst v63  }
0x1d: {  	_ =	swait.ge [sflag:s20], $0x2800  }
0x1e: {  	[sflag:s20] =	ssyncset.done $0x0  }
0x1f: {  	s21 =	simm.s32 $0x2800;
	s19 =	rddreg [dreg:$0xf];
	[sflag:s20] =	ssyncadd.s32 $0xFFFFD800  }
0x20: {  	[tilespmem:s21], [sflag:$0x5] =	stream.linear.gather [hbm4b:s19+s3], $0x2800, $0x38;
	[tilespmem:$0x1EA00] =	vst v63  }
0x21: {  	_ =	swait.ge [sflag:s20], $0x2800  }
0x22: {  	[sflag:s20] =	ssyncset.done $0x0  }
0x23: {  	s26 =	rddreg [dreg:$0xa];
	[sflag:s20] =	ssyncadd.s32 $0xFFFFD800  }
0x24: {  	[tilespmem:s22], [sflag:$0x5] =	stream.linear.gather [hbm4b:s26+s3], $0x2800, $0x38;
	[tilespmem:$0x1EA00] =	vst v63  }
0x25: {  	_ =	swait.ge [sflag:s20], $0x2800  }
0x26: {  	[sflag:s20] =	ssyncset.done $0x0  }
0x27: {  	s28 =	rddreg [dreg:$0xb];
	[sflag:s20] =	ssyncadd.s32 $0xFFFFD800  }
0x28: {  	[tilespmem:s23], [sflag:$0x5] =	stream.linear.gather [hbm4b:s28+s3], $0x2800, $0x38;
	[tilespmem:$0x1EA00] =	vst v63  }
0x29: {  	_ =	swait.ge [sflag:s20], $0x2800  }
0x2a: {  	[sflag:s20] =	ssyncset.done $0x0  }
0x2b: {  	s29 =	rddreg [dreg:$0xc];
	[sflag:s20] =	ssyncadd.s32 $0xFFFFD800  }
0x2c: {  	[tilespmem:s24], [sflag:$0x5] =	stream.linear.gather [hbm4b:s29+s3], $0x2800, $0x38;
	[tilespmem:$0x1EA00] =	vst v63  }
0x2d: {  	_ =	swait.ge [sflag:s20], $0x2800  }
0x2e: {  	[sflag:s20] =	ssyncset.done $0x0  }
0x2f: {  	[sflag:s20] =	ssyncadd.s32 $0xFFFFD800  }
0x30: {  	[tilespmem:$0x1C980] =	vst v0  }
0x31: {  	[tilespmem:$0x1C990] =	vst v1  }
0x32: {  	[tilespmem:$0x1C9A0] =	vst v2  }
0x33: {  	[tilespmem:$0x1C9B0] =	vst v3  }
0x34: {  	[tilespmem:s31], [sflag:$0x1] =	stream.indirect.gather [hbm4b:s4+s6], $0x80, s3, s6, $0xb8;
	[tilespmem:$0x1EA00] =	vst v63  }
0x35: {  	s1 =	simm.s32 $0x9000;
	s19 =	rddreg [dreg:$0x11]  }
0x36: {  	[tilespmem:s13], [sflag:$0x3] =	stream.indirect.gather [hbm4b:s5+s6], $0x80, s21, s6, $0xb8;
	[tilespmem:$0x1EA00] =	vst v63  }
0x37: {  	s26 =	simm.s32 $0x0;
	s18 =	rddreg [dreg:$0xd];
	s21 =	simm.s32 $0x0  }
.LBB2_2:
0x38: {  	s28 =	sshra.s32 s26, $0x2  }
0x39: {  	s13 =	sadd.s32 $0x80, s28  }
0x3a: {  	[tilespmem:s1], [sflag:$0x2] =	stream.indirect.gather [hbm4b:s4+s6], $0x80, s13, s6, $0xb8;
	[tilespmem:$0x1EA00] =	vst v63  }
0x3b: {  	s29 =	sadd.s32 $0x2880, s28  }
0x3c: {  	[tilespmem:s7], [sflag:$0x4] =	stream.indirect.gather [hbm4b:s5+s6], $0x80, s29, s6, $0xb8;
	[tilespmem:$0x1EA00] =	vst v63  }
0x3d: {  	v4 =	vld [tilespmem:s28+$0x0]  }
0x3e: {  	v5 =	vld [tilespmem:s28+$0x2800];
	_ =	sdelay $0x6  }
0x3f: {  	v6 =	vld.idx.msk [tilespmem:v4+s22+$0x0], $0xffff  }
0x40: {  	v7 =	vld.idx.msk [tilespmem:v5+s22+$0x0], $0xffff  }
0x41: {  	v8 =	vld.idx.msk [tilespmem:v4+s23+$0x0], $0xffff  }
0x42: {  	v9 =	vld.idx.msk [tilespmem:v5+s23+$0x0], $0xffff;
	_ =	sdelay $0x4  }
0x43: {  	v6 =	vsub.f32 v6, v7;
	v54 =	vsub.f32 v8, v9;
	_ =	sdelay $0x1  }
0x44: {  	v6 =	vmul.f32 v6, v6;
	v7 =	vmul.f32 v54, v54;
	_ =	sdelay $0x1  }
0x45: {  	v6 =	vadd.f32 v7, v6;
	_ =	sdelay $0x1  }
0x46: {  	[tilespmem:$0x1C800] =	vst v6  }
0x47: {  	v4 =	vld.idx.msk [tilespmem:v4+s24+$0x0], $0xffff;
	_ =	sdelay $0x4  }
0x48: {  	[tilespmem:$0x1C880] =	vst v4  }
0x49: {  	v4 =	vld.idx.msk [tilespmem:v5+s24+$0x0], $0xffff;
	_ =	sdelay $0x4  }
0x4a: {  	[tilespmem:$0x1C900] =	vst v4  }
0x4b: {  	v4 =	vld [tilespmem:s28+$0x10]  }
0x4c: {  	v5 =	vld [tilespmem:s28+$0x2810];
	_ =	sdelay $0x6  }
0x4d: {  	v6 =	vld.idx.msk [tilespmem:v4+s22+$0x0], $0xffff  }
0x4e: {  	v55 =	vld.idx.msk [tilespmem:v5+s22+$0x0], $0xffff  }
0x4f: {  	v56 =	vld.idx.msk [tilespmem:v4+s23+$0x0], $0xffff  }
0x50: {  	v57 =	vld.idx.msk [tilespmem:v5+s23+$0x0], $0xffff;
	_ =	sdelay $0x4  }
0x51: {  	v6 =	vsub.f32 v6, v55;
	v58 =	vsub.f32 v56, v57;
	_ =	sdelay $0x1  }
0x52: {  	v6 =	vmul.f32 v6, v6;
	v7 =	vmul.f32 v58, v58;
	_ =	sdelay $0x1  }
0x53: {  	v6 =	vadd.f32 v7, v6;
	_ =	sdelay $0x1  }
0x54: {  	[tilespmem:$0x1C810] =	vst v6  }
0x55: {  	v4 =	vld.idx.msk [tilespmem:v4+s24+$0x0], $0xffff;
	_ =	sdelay $0x4  }
0x56: {  	[tilespmem:$0x1C890] =	vst v4  }
0x57: {  	v4 =	vld.idx.msk [tilespmem:v5+s24+$0x0], $0xffff;
	_ =	sdelay $0x4  }
0x58: {  	[tilespmem:$0x1C910] =	vst v4  }
0x59: {  	v4 =	vld [tilespmem:s28+$0x20]  }
0x5a: {  	v5 =	vld [tilespmem:s28+$0x2820];
	_ =	sdelay $0x6  }
0x5b: {  	v6 =	vld.idx.msk [tilespmem:v4+s22+$0x0], $0xffff  }
0x5c: {  	v59 =	vld.idx.msk [tilespmem:v5+s22+$0x0], $0xffff  }
0x5d: {  	v60 =	vld.idx.msk [tilespmem:v4+s23+$0x0], $0xffff  }
0x5e: {  	v61 =	vld.idx.msk [tilespmem:v5+s23+$0x0], $0xffff;
	_ =	sdelay $0x4  }
0x5f: {  	v6 =	vsub.f32 v6, v59;
	v62 =	vsub.f32 v60, v61;
	_ =	sdelay $0x1  }
0x60: {  	v6 =	vmul.f32 v6, v6;
	v7 =	vmul.f32 v62, v62;
	_ =	sdelay $0x1  }
0x61: {  	v6 =	vadd.f32 v7, v6;
	_ =	sdelay $0x1  }
0x62: {  	[tilespmem:$0x1C820] =	vst v6  }
0x63: {  	v4 =	vld.idx.msk [tilespmem:v4+s24+$0x0], $0xffff;
	_ =	sdelay $0x4  }
0x64: {  	[tilespmem:$0x1C8A0] =	vst v4  }
0x65: {  	v4 =	vld.idx.msk [tilespmem:v5+s24+$0x0], $0xffff;
	_ =	sdelay $0x4  }
0x66: {  	[tilespmem:$0x1C920] =	vst v4  }
0x67: {  	v4 =	vld [tilespmem:s28+$0x30]  }
0x68: {  	v5 =	vld [tilespmem:s28+$0x2830];
	_ =	sdelay $0x6  }
0x69: {  	v6 =	vld.idx.msk [tilespmem:v4+s22+$0x0], $0xffff  }
0x6a: {  	v63 =	vld.idx.msk [tilespmem:v5+s22+$0x0], $0xffff  }
0x6b: {  	v12 =	vld.idx.msk [tilespmem:v4+s23+$0x0], $0xffff  }
0x6c: {  	v13 =	vld.idx.msk [tilespmem:v5+s23+$0x0], $0xffff;
	_ =	sdelay $0x4  }
0x6d: {  	v6 =	vsub.f32 v6, v63;
	v14 =	vsub.f32 v12, v13;
	_ =	sdelay $0x1  }
0x6e: {  	v6 =	vmul.f32 v6, v6;
	v7 =	vmul.f32 v14, v14;
	_ =	sdelay $0x1  }
0x6f: {  	v6 =	vadd.f32 v7, v6;
	_ =	sdelay $0x1  }
0x70: {  	[tilespmem:$0x1C830] =	vst v6  }
0x71: {  	v4 =	vld.idx.msk [tilespmem:v4+s24+$0x0], $0xffff;
	_ =	sdelay $0x4  }
0x72: {  	[tilespmem:$0x1C8B0] =	vst v4  }
0x73: {  	v4 =	vld.idx.msk [tilespmem:v5+s24+$0x0], $0xffff;
	_ =	sdelay $0x4  }
0x74: {  	[tilespmem:$0x1C930] =	vst v4  }
0x75: {  	v4 =	vld [tilespmem:s28+$0x40]  }
0x76: {  	v5 =	vld [tilespmem:s28+$0x2840];
	_ =	sdelay $0x6  }
0x77: {  	v6 =	vld.idx.msk [tilespmem:v4+s22+$0x0], $0xffff  }
0x78: {  	v15 =	vld.idx.msk [tilespmem:v5+s22+$0x0], $0xffff  }
0x79: {  	v16 =	vld.idx.msk [tilespmem:v4+s23+$0x0], $0xffff  }
0x7a: {  	v17 =	vld.idx.msk [tilespmem:v5+s23+$0x0], $0xffff;
	_ =	sdelay $0x4  }
0x7b: {  	v6 =	vsub.f32 v6, v15;
	v18 =	vsub.f32 v16, v17;
	_ =	sdelay $0x1  }
0x7c: {  	v6 =	vmul.f32 v6, v6;
	v7 =	vmul.f32 v18, v18;
	_ =	sdelay $0x1  }
0x7d: {  	v6 =	vadd.f32 v7, v6;
	_ =	sdelay $0x1  }
0x7e: {  	[tilespmem:$0x1C840] =	vst v6  }
0x7f: {  	v4 =	vld.idx.msk [tilespmem:v4+s24+$0x0], $0xffff;
	_ =	sdelay $0x4  }
0x80: {  	[tilespmem:$0x1C8C0] =	vst v4  }
0x81: {  	v4 =	vld.idx.msk [tilespmem:v5+s24+$0x0], $0xffff;
	_ =	sdelay $0x4  }
0x82: {  	[tilespmem:$0x1C940] =	vst v4  }
0x83: {  	v4 =	vld [tilespmem:s28+$0x50]  }
0x84: {  	v5 =	vld [tilespmem:s28+$0x2850];
	_ =	sdelay $0x6  }
0x85: {  	v6 =	vld.idx.msk [tilespmem:v4+s22+$0x0], $0xffff  }
0x86: {  	v19 =	vld.idx.msk [tilespmem:v5+s22+$0x0], $0xffff  }
0x87: {  	v20 =	vld.idx.msk [tilespmem:v4+s23+$0x0], $0xffff  }
0x88: {  	v21 =	vld.idx.msk [tilespmem:v5+s23+$0x0], $0xffff;
	_ =	sdelay $0x4  }
0x89: {  	v6 =	vsub.f32 v6, v19;
	v22 =	vsub.f32 v20, v21;
	_ =	sdelay $0x1  }
0x8a: {  	v6 =	vmul.f32 v6, v6;
	v7 =	vmul.f32 v22, v22;
	_ =	sdelay $0x1  }
0x8b: {  	v6 =	vadd.f32 v7, v6;
	_ =	sdelay $0x1  }
0x8c: {  	[tilespmem:$0x1C850] =	vst v6  }
0x8d: {  	v4 =	vld.idx.msk [tilespmem:v4+s24+$0x0], $0xffff;
	_ =	sdelay $0x4  }
0x8e: {  	[tilespmem:$0x1C8D0] =	vst v4  }
0x8f: {  	v4 =	vld.idx.msk [tilespmem:v5+s24+$0x0], $0xffff;
	_ =	sdelay $0x4  }
0x90: {  	[tilespmem:$0x1C950] =	vst v4  }
0x91: {  	v4 =	vld [tilespmem:s28+$0x60]  }
0x92: {  	v5 =	vld [tilespmem:s28+$0x2860];
	_ =	sdelay $0x6  }
0x93: {  	v6 =	vld.idx.msk [tilespmem:v4+s22+$0x0], $0xffff  }
0x94: {  	v23 =	vld.idx.msk [tilespmem:v5+s22+$0x0], $0xffff  }
0x95: {  	v24 =	vld.idx.msk [tilespmem:v4+s23+$0x0], $0xffff  }
0x96: {  	v25 =	vld.idx.msk [tilespmem:v5+s23+$0x0], $0xffff;
	_ =	sdelay $0x4  }
0x97: {  	v6 =	vsub.f32 v6, v23;
	v26 =	vsub.f32 v24, v25;
	_ =	sdelay $0x1  }
0x98: {  	v6 =	vmul.f32 v6, v6;
	v7 =	vmul.f32 v26, v26;
	_ =	sdelay $0x1  }
0x99: {  	v6 =	vadd.f32 v7, v6;
	_ =	sdelay $0x1  }
0x9a: {  	[tilespmem:$0x1C860] =	vst v6  }
0x9b: {  	v4 =	vld.idx.msk [tilespmem:v4+s24+$0x0], $0xffff;
	_ =	sdelay $0x4  }
0x9c: {  	[tilespmem:$0x1C8E0] =	vst v4  }
0x9d: {  	v4 =	vld.idx.msk [tilespmem:v5+s24+$0x0], $0xffff;
	_ =	sdelay $0x4  }
0x9e: {  	[tilespmem:$0x1C960] =	vst v4  }
0x9f: {  	v4 =	vld [tilespmem:s28+$0x70]  }
0xa0: {  	v5 =	vld [tilespmem:s28+$0x2870];
	_ =	sdelay $0x6  }
0xa1: {  	v6 =	vld.idx.msk [tilespmem:v4+s22+$0x0], $0xffff  }
0xa2: {  	v27 =	vld.idx.msk [tilespmem:v5+s22+$0x0], $0xffff  }
0xa3: {  	v28 =	vld.idx.msk [tilespmem:v4+s23+$0x0], $0xffff  }
0xa4: {  	v29 =	vld.idx.msk [tilespmem:v5+s23+$0x0], $0xffff;
	_ =	sdelay $0x4  }
0xa5: {  	v6 =	vsub.f32 v6, v27;
	v30 =	vsub.f32 v28, v29;
	_ =	sdelay $0x1  }
0xa6: {  	v6 =	vmul.f32 v6, v6;
	v7 =	vmul.f32 v30, v30;
	_ =	sdelay $0x1  }
0xa7: {  	v6 =	vadd.f32 v7, v6;
	_ =	sdelay $0x1  }
0xa8: {  	[tilespmem:$0x1C870] =	vst v6  }
0xa9: {  	v4 =	vld.idx.msk [tilespmem:v4+s24+$0x0], $0xffff  }
0xaa: {  	s1 =	rddreg [dreg:$0x5]  }
0xab: {  	s16 =	sand.u32 $0x700, s21;
	s13 =	sadd.s32 s26, s1  }
0xac: {  	p1 =	sne.s32 s16, $0x0;
	p0 =	seq.s32 s13, $0x0  }
0xad: {  	p0 =	por !p0, !p1  }
0xae: {  	s6 =	sadd.s32 s21, s25;
	s29 =	simm.s32 $0x1;
	p0 =	por !p0, !p0;
	[tilespmem:$0x1C8F0] =	vst v4  }
0xaf: {  	s13 =	sshrl.u32 s6, $0xB;
	s29 =	simm.s32 @!p0 $0x0;
	v4 =	vld.idx.msk [tilespmem:v5+s24+$0x0], $0xffff  }
0xb0: {  	s13 =	ssub.s32 s13, s29  }
0xb1: {  	s13 =	sshll.u32 s13, $0xE  }
0xb2: {  	s13 =	sor.u32 s16, s13  }
0xb3: {  	s13 =	sshrl.u32 s13, $0x3  }
0xb4: {  	s0 =	simm.s32 $0x1C800;
	s1 =	sadd.s32 s10, s13;
	[tilespmem:$0x1C970] =	vst v4  }
0xb5: {  	[hbm4b:s1+s3] =	stream.linear.scatter [tilespmem:s0], [sflag:$0x5], $0x80, $0x38;
	[tilespmem:$0x1EA00] =	vst v63  }
0xb6: {  	_ =	swait.ge [sflag:s20], $0x80  }
0xb7: {  	[sflag:s20] =	ssyncset.done $0x0  }
0xb8: {  	s12 =	simm.s32 $0x1C880;
	s6 =	sadd.s32 s13, s14;
	[sflag:s20] =	ssyncadd.s32 $0xFFFFFF80  }
0xb9: {  	[hbm4b:s6+s3] =	stream.linear.scatter [tilespmem:s12], [sflag:$0x5], $0x80, $0x38;
	[tilespmem:$0x1EA00] =	vst v63  }
0xba: {  	_ =	swait.ge [sflag:s20], $0x80  }
0xbb: {  	[sflag:s20] =	ssyncset.done $0x0  }
0xbc: {  	s9 =	simm.s32 $0x1C900;
	s13 =	sadd.s32 s13, s15;
	[sflag:s20] =	ssyncadd.s32 $0xFFFFFF80  }
0xbd: {  	[hbm4b:s13+s3] =	stream.linear.scatter [tilespmem:s9], [sflag:$0x5], $0x80, $0x38;
	[tilespmem:$0x1EA00] =	vst v63  }
0xbe: {  	_ =	swait.ge [sflag:s20], $0x80  }
0xbf: {  	[sflag:s20] =	ssyncset.done $0x0  }
0xc0: {  	s29 =	simm.s32 $0x1;
	[sflag:s20] =	ssyncadd.s32 $0xFFFFFF80  }
0xc1: {  	_ =	swait.ge [sflag:s29], $0x4000  }
0xc2: {  	[sflag:s29] =	ssyncset.done $0x0  }
0xc3: {  	s1 =	simm.s32 $0x3;
	[sflag:s29] =	ssyncadd.s32 $0xFFFFC000  }
0xc4: {  	_ =	swait.ge [sflag:s1], $0x4000  }
0xc5: {  	[sflag:s1] =	ssyncset.done $0x0  }
0xc6: {  	[sflag:s1] =	ssyncadd.s32 $0xFFFFC000  }
0xc7: {  	[spmem:s17] =	stream.linear.scatter [tilespmem:s31], [sflag:$0x5], $0x2000, $0x38;
	[tilespmem:$0x1EA00] =	vst v63  }
0xc8: {  	_ =	swait.ge [sflag:s20], $0x2000  }
0xc9: {  	[sflag:s20] =	ssyncset.done $0x0  }
0xca: {  	s6 =	simm.s32 $0xD000;
	[sflag:s20] =	ssyncadd.s32 $0xFFFFE000  }
0xcb: {  	[spmem:s2] =	stream.indirect.scatter.add.f32 [tilespmem:s6], [sflag:$0x5], $0x80, s11, s8, $0xb8;
	[tilespmem:$0x1EA00] =	vst v63  }
0xcc: {  	_ =	swait.ge [sflag:s20], $0x2000  }
0xcd: {  	s16 =	sshrl.u32 s17, $0x3;
	s9 =	rddreg [dreg:$0x3];
	[sflag:s20] =	ssyncset.done $0x0  }
0xce: {  	s13 =	sor.u32 $0x1C05, s30;
	[sflag:s20] =	ssyncadd.s32 $0xFFFFE000;
	s29 =	sadd.s32 s18, s9  }
0xcf: {  	[hbm:s29], [sflag:s13] =	dma.local [spmem:s16], $0x400  }
0xd0: {  	_ =	swait.ge [sflag:s20], $0x400  }
0xd1: {  	[sflag:s20] =	ssyncset.done $0x0  }
0xd2: {  	s12 =	smov.u32 s30;
	s30 =	rddreg [dreg:$0x6];
	[sflag:s20] =	ssyncadd.s32 $0xFFFFFC00  }
0xd3: {  	[spmem:s17] =	stream.linear.scatter [tilespmem:s30], [sflag:$0x5], $0x2000, $0x38;
	[tilespmem:$0x1EA00] =	vst v63  }
0xd4: {  	_ =	swait.ge [sflag:s20], $0x2000  }
0xd5: {  	[sflag:s20] =	ssyncset.done $0x0  }
0xd6: {  	s30 =	rddreg [dreg:$0x7];
	[sflag:s20] =	ssyncadd.s32 $0xFFFFE000  }
0xd7: {  	[spmem:s2] =	stream.indirect.scatter.add.f32 [tilespmem:s30], [sflag:$0x5], $0x80, s11, s8, $0xb8;
	[tilespmem:$0x1EA00] =	vst v63  }
0xd8: {  	_ =	swait.ge [sflag:s20], $0x2000  }
0xd9: {  	[sflag:s20] =	ssyncset.done $0x0  }
0xda: {  	s30 =	sadd.s32 $0x400, s29;
	[sflag:s20] =	ssyncadd.s32 $0xFFFFE000  }
0xdb: {  	[hbm:s30], [sflag:s13] =	dma.local [spmem:s16], $0x400  }
0xdc: {  	p0 =	seq.s32 s26, $0x9C00;
	_ =	swait.ge [sflag:s20], $0x400  }
0xdd: {  	s0 =	simm.s32 @!p0 $0x80;
	s30 =	sshra.s32 @!p0 s26, $0x2;
	[sflag:s20] =	ssyncset.done $0x0  }
0xde: {  	s6 =	simm.s32 @!p0 $0x5000;
	s1 =	sadd.s32 @!p0 $0x100, s30;
	[sflag:s20] =	ssyncadd.s32 $0xFFFFFC00  }
0xdf: {  	[tilespmem:s6], [sflag:$0x1] =	stream.indirect.gather @!p0 [hbm4b:s4+s0], $0x80, s1, s0, $0xb8;
	[tilespmem:$0x1EA00] =	vst v63  }
0xe0: {  	s1 =	sadd.s32 @!p0 $0x2900, s30;
	s6 =	simm.s32 @!p0 $0xD000  }
0xe1: {  	[tilespmem:s6], [sflag:$0x3] =	stream.indirect.gather @!p0 [hbm4b:s5+s0], $0x80, s1, s0, $0xb8;
	[tilespmem:$0x1EA00] =	vst v63  }
0xe2: {  	v4 =	vld [tilespmem:s28+$0x80]  }
0xe3: {  	v5 =	vld [tilespmem:s28+$0x2880];
	_ =	sdelay $0x6  }
0xe4: {  	v31 =	vld.idx.msk [tilespmem:v4+s22+$0x0], $0xffff  }
0xe5: {  	v32 =	vld.idx.msk [tilespmem:v5+s22+$0x0], $0xffff  }
0xe6: {  	v33 =	vld.idx.msk [tilespmem:v4+s23+$0x0], $0xffff  }
0xe7: {  	v34 =	vld.idx.msk [tilespmem:v5+s23+$0x0], $0xffff;
	_ =	sdelay $0x4  }
0xe8: {  	v6 =	vsub.f32 v31, v32;
	v35 =	vsub.f32 v33, v34;
	_ =	sdelay $0x1  }
0xe9: {  	v6 =	vmul.f32 v6, v6;
	v7 =	vmul.f32 v35, v35;
	_ =	sdelay $0x1  }
0xea: {  	v6 =	vadd.f32 v7, v6;
	_ =	sdelay $0x1  }
0xeb: {  	[tilespmem:$0x1C800] =	vst v6  }
0xec: {  	v4 =	vld.idx.msk [tilespmem:v4+s24+$0x0], $0xffff;
	_ =	sdelay $0x4  }
0xed: {  	[tilespmem:$0x1C880] =	vst v4  }
0xee: {  	v4 =	vld.idx.msk [tilespmem:v5+s24+$0x0], $0xffff;
	_ =	sdelay $0x4  }
0xef: {  	[tilespmem:$0x1C900] =	vst v4  }
0xf0: {  	v4 =	vld [tilespmem:s28+$0x90]  }
0xf1: {  	v5 =	vld [tilespmem:s28+$0x2890];
	_ =	sdelay $0x6  }
0xf2: {  	v6 =	vld.idx.msk [tilespmem:v4+s22+$0x0], $0xffff  }
0xf3: {  	v36 =	vld.idx.msk [tilespmem:v5+s22+$0x0], $0xffff  }
0xf4: {  	v37 =	vld.idx.msk [tilespmem:v4+s23+$0x0], $0xffff  }
0xf5: {  	v38 =	vld.idx.msk [tilespmem:v5+s23+$0x0], $0xffff;
	_ =	sdelay $0x4  }
0xf6: {  	v6 =	vsub.f32 v6, v36;
	v39 =	vsub.f32 v37, v38;
	_ =	sdelay $0x1  }
0xf7: {  	v6 =	vmul.f32 v6, v6;
	v7 =	vmul.f32 v39, v39;
	_ =	sdelay $0x1  }
0xf8: {  	v6 =	vadd.f32 v7, v6;
	_ =	sdelay $0x1  }
0xf9: {  	[tilespmem:$0x1C810] =	vst v6  }
0xfa: {  	v4 =	vld.idx.msk [tilespmem:v4+s24+$0x0], $0xffff;
	_ =	sdelay $0x4  }
0xfb: {  	[tilespmem:$0x1C890] =	vst v4  }
0xfc: {  	v4 =	vld.idx.msk [tilespmem:v5+s24+$0x0], $0xffff;
	_ =	sdelay $0x4  }
0xfd: {  	[tilespmem:$0x1C910] =	vst v4  }
0xfe: {  	v4 =	vld [tilespmem:s28+$0xA0]  }
0xff: {  	v5 =	vld [tilespmem:s28+$0x28A0];
	_ =	sdelay $0x6  }
0x100: {  	v6 =	vld.idx.msk [tilespmem:v4+s22+$0x0], $0xffff  }
0x101: {  	v40 =	vld.idx.msk [tilespmem:v5+s22+$0x0], $0xffff  }
0x102: {  	v41 =	vld.idx.msk [tilespmem:v4+s23+$0x0], $0xffff  }
0x103: {  	v42 =	vld.idx.msk [tilespmem:v5+s23+$0x0], $0xffff;
	_ =	sdelay $0x4  }
0x104: {  	v6 =	vsub.f32 v6, v40;
	v43 =	vsub.f32 v41, v42;
	_ =	sdelay $0x1  }
0x105: {  	v6 =	vmul.f32 v6, v6;
	v7 =	vmul.f32 v43, v43;
	_ =	sdelay $0x1  }
0x106: {  	v6 =	vadd.f32 v7, v6;
	_ =	sdelay $0x1  }
0x107: {  	[tilespmem:$0x1C820] =	vst v6  }
0x108: {  	v4 =	vld.idx.msk [tilespmem:v4+s24+$0x0], $0xffff;
	_ =	sdelay $0x4  }
0x109: {  	[tilespmem:$0x1C8A0] =	vst v4  }
0x10a: {  	v4 =	vld.idx.msk [tilespmem:v5+s24+$0x0], $0xffff;
	_ =	sdelay $0x4  }
0x10b: {  	[tilespmem:$0x1C920] =	vst v4  }
0x10c: {  	v4 =	vld [tilespmem:s28+$0xB0]  }
0x10d: {  	v5 =	vld [tilespmem:s28+$0x28B0];
	_ =	sdelay $0x6  }
0x10e: {  	v6 =	vld.idx.msk [tilespmem:v4+s22+$0x0], $0xffff  }
0x10f: {  	v44 =	vld.idx.msk [tilespmem:v5+s22+$0x0], $0xffff  }
0x110: {  	v45 =	vld.idx.msk [tilespmem:v4+s23+$0x0], $0xffff  }
0x111: {  	v46 =	vld.idx.msk [tilespmem:v5+s23+$0x0], $0xffff;
	_ =	sdelay $0x4  }
0x112: {  	v6 =	vsub.f32 v6, v44;
	v47 =	vsub.f32 v45, v46;
	_ =	sdelay $0x1  }
0x113: {  	v6 =	vmul.f32 v6, v6;
	v7 =	vmul.f32 v47, v47;
	_ =	sdelay $0x1  }
0x114: {  	v6 =	vadd.f32 v7, v6;
	_ =	sdelay $0x1  }
0x115: {  	[tilespmem:$0x1C830] =	vst v6  }
0x116: {  	v4 =	vld.idx.msk [tilespmem:v4+s24+$0x0], $0xffff;
	_ =	sdelay $0x4  }
0x117: {  	[tilespmem:$0x1C8B0] =	vst v4  }
0x118: {  	v4 =	vld.idx.msk [tilespmem:v5+s24+$0x0], $0xffff;
	_ =	sdelay $0x4  }
0x119: {  	[tilespmem:$0x1C930] =	vst v4  }
0x11a: {  	v4 =	vld [tilespmem:s28+$0xC0]  }
0x11b: {  	v5 =	vld [tilespmem:s28+$0x28C0];
	_ =	sdelay $0x6  }
0x11c: {  	v6 =	vld.idx.msk [tilespmem:v4+s22+$0x0], $0xffff  }
0x11d: {  	v48 =	vld.idx.msk [tilespmem:v5+s22+$0x0], $0xffff  }
0x11e: {  	v49 =	vld.idx.msk [tilespmem:v4+s23+$0x0], $0xffff  }
0x11f: {  	v50 =	vld.idx.msk [tilespmem:v5+s23+$0x0], $0xffff;
	_ =	sdelay $0x4  }
0x120: {  	v6 =	vsub.f32 v6, v48;
	v51 =	vsub.f32 v49, v50;
	_ =	sdelay $0x1  }
0x121: {  	v6 =	vmul.f32 v6, v6;
	v7 =	vmul.f32 v51, v51;
	_ =	sdelay $0x1  }
0x122: {  	v6 =	vadd.f32 v7, v6;
	_ =	sdelay $0x1  }
0x123: {  	[tilespmem:$0x1C840] =	vst v6  }
0x124: {  	v4 =	vld.idx.msk [tilespmem:v4+s24+$0x0], $0xffff;
	_ =	sdelay $0x4  }
0x125: {  	[tilespmem:$0x1C8C0] =	vst v4  }
0x126: {  	v4 =	vld.idx.msk [tilespmem:v5+s24+$0x0], $0xffff;
	_ =	sdelay $0x4  }
0x127: {  	[tilespmem:$0x1C940] =	vst v4  }
0x128: {  	v4 =	vld [tilespmem:s28+$0xD0]  }
0x129: {  	v5 =	vld [tilespmem:s28+$0x28D0];
	_ =	sdelay $0x6  }
0x12a: {  	v6 =	vld.idx.msk [tilespmem:v4+s22+$0x0], $0xffff  }
0x12b: {  	v52 =	vld.idx.msk [tilespmem:v5+s22+$0x0], $0xffff  }
0x12c: {  	v53 =	vld.idx.msk [tilespmem:v4+s23+$0x0], $0xffff  }
0x12d: {  	v54 =	vld.idx.msk [tilespmem:v5+s23+$0x0], $0xffff;
	_ =	sdelay $0x4  }
0x12e: {  	v6 =	vsub.f32 v6, v52;
	v55 =	vsub.f32 v53, v54;
	_ =	sdelay $0x1  }
0x12f: {  	v6 =	vmul.f32 v6, v6;
	v7 =	vmul.f32 v55, v55;
	_ =	sdelay $0x1  }
0x130: {  	v6 =	vadd.f32 v7, v6;
	_ =	sdelay $0x1  }
0x131: {  	[tilespmem:$0x1C850] =	vst v6  }
0x132: {  	v4 =	vld.idx.msk [tilespmem:v4+s24+$0x0], $0xffff;
	_ =	sdelay $0x4  }
0x133: {  	[tilespmem:$0x1C8D0] =	vst v4  }
0x134: {  	v4 =	vld.idx.msk [tilespmem:v5+s24+$0x0], $0xffff;
	_ =	sdelay $0x4  }
0x135: {  	[tilespmem:$0x1C950] =	vst v4  }
0x136: {  	v4 =	vld [tilespmem:s28+$0xE0]  }
0x137: {  	v5 =	vld [tilespmem:s28+$0x28E0];
	_ =	sdelay $0x6  }
0x138: {  	v6 =	vld.idx.msk [tilespmem:v4+s22+$0x0], $0xffff  }
0x139: {  	v56 =	vld.idx.msk [tilespmem:v5+s22+$0x0], $0xffff  }
0x13a: {  	v57 =	vld.idx.msk [tilespmem:v4+s23+$0x0], $0xffff  }
0x13b: {  	v58 =	vld.idx.msk [tilespmem:v5+s23+$0x0], $0xffff;
	_ =	sdelay $0x4  }
0x13c: {  	v6 =	vsub.f32 v6, v56;
	v59 =	vsub.f32 v57, v58;
	_ =	sdelay $0x1  }
0x13d: {  	v6 =	vmul.f32 v6, v6;
	v7 =	vmul.f32 v59, v59;
	_ =	sdelay $0x1  }
0x13e: {  	v6 =	vadd.f32 v7, v6;
	_ =	sdelay $0x1  }
0x13f: {  	[tilespmem:$0x1C860] =	vst v6  }
0x140: {  	v4 =	vld.idx.msk [tilespmem:v4+s24+$0x0], $0xffff;
	_ =	sdelay $0x4  }
0x141: {  	[tilespmem:$0x1C8E0] =	vst v4  }
0x142: {  	v4 =	vld.idx.msk [tilespmem:v5+s24+$0x0], $0xffff;
	_ =	sdelay $0x4  }
0x143: {  	[tilespmem:$0x1C960] =	vst v4  }
0x144: {  	v4 =	vld [tilespmem:s28+$0xF0]  }
0x145: {  	v5 =	vld [tilespmem:s28+$0x28F0];
	_ =	sdelay $0x6  }
0x146: {  	v6 =	vld.idx.msk [tilespmem:v4+s22+$0x0], $0xffff  }
0x147: {  	v60 =	vld.idx.msk [tilespmem:v5+s22+$0x0], $0xffff  }
0x148: {  	v61 =	vld.idx.msk [tilespmem:v4+s23+$0x0], $0xffff  }
0x149: {  	v62 =	vld.idx.msk [tilespmem:v5+s23+$0x0], $0xffff;
	_ =	sdelay $0x4  }
0x14a: {  	v6 =	vsub.f32 v6, v60;
	v63 =	vsub.f32 v61, v62;
	_ =	sdelay $0x1  }
0x14b: {  	v6 =	vmul.f32 v6, v6;
	v7 =	vmul.f32 v63, v63;
	_ =	sdelay $0x1  }
0x14c: {  	v6 =	vadd.f32 v7, v6;
	_ =	sdelay $0x1  }
0x14d: {  	[tilespmem:$0x1C870] =	vst v6  }
0x14e: {  	v4 =	vld.idx.msk [tilespmem:v4+s24+$0x0], $0xffff;
	_ =	sdelay $0x4  }
0x14f: {  	[tilespmem:$0x1C8F0] =	vst v4  }
0x150: {  	v4 =	vld.idx.msk [tilespmem:v5+s24+$0x0], $0xffff  }
0x151: {  	s1 =	sadd.s32 $0x80, s21  }
0x152: {  	s9 =	sand.u32 $0x7FFFC000, s19;
	s0 =	sand.u32 $0x780, s1  }
0x153: {  	s0 =	sor.u32 s0, s9  }
0x154: {  	s0 =	sshrl.u32 s0, $0x3  }
0x155: {  	s30 =	smov.u32 s12;
	s12 =	sadd.s32 s10, s0;
	s28 =	simm.s32 $0x1C800;
	[tilespmem:$0x1C970] =	vst v4  }
0x156: {  	[hbm4b:s12+s3] =	stream.linear.scatter [tilespmem:s28], [sflag:$0x5], $0x80, $0x38;
	[tilespmem:$0x1EA00] =	vst v63  }
0x157: {  	_ =	swait.ge [sflag:s20], $0x80  }
0x158: {  	[sflag:s20] =	ssyncset.done $0x0  }
0x159: {  	s1 =	simm.s32 $0x1C880;
	s9 =	sadd.s32 s0, s14;
	[sflag:s20] =	ssyncadd.s32 $0xFFFFFF80  }
0x15a: {  	[hbm4b:s9+s3] =	stream.linear.scatter [tilespmem:s1], [sflag:$0x5], $0x80, $0x38;
	[tilespmem:$0x1EA00] =	vst v63  }
0x15b: {  	_ =	swait.ge [sflag:s20], $0x80  }
0x15c: {  	[sflag:s20] =	ssyncset.done $0x0  }
0x15d: {  	s0 =	sadd.s32 s0, s15;
	s28 =	simm.s32 $0x1C900;
	[sflag:s20] =	ssyncadd.s32 $0xFFFFFF80  }
0x15e: {  	[hbm4b:s0+s3] =	stream.linear.scatter [tilespmem:s28], [sflag:$0x5], $0x80, $0x38;
	[tilespmem:$0x1EA00] =	vst v63  }
0x15f: {  	_ =	swait.ge [sflag:s20], $0x80  }
0x160: {  	[sflag:s20] =	ssyncset.done $0x0  }
0x161: {  	s28 =	simm.s32 $0x2;
	[sflag:s20] =	ssyncadd.s32 $0xFFFFFF80  }
0x162: {  	_ =	swait.ge [sflag:s28], $0x4000  }
0x163: {  	[sflag:s28] =	ssyncset.done $0x0  }
0x164: {  	s12 =	simm.s32 $0x4;
	[sflag:s28] =	ssyncadd.s32 $0xFFFFC000  }
0x165: {  	_ =	swait.ge [sflag:s12], $0x4000  }
0x166: {  	[sflag:s12] =	ssyncset.done $0x0  }
0x167: {  	s1 =	simm.s32 $0x9000;
	[sflag:s12] =	ssyncadd.s32 $0xFFFFC000  }
0x168: {  	[spmem:s17] =	stream.linear.scatter [tilespmem:s1], [sflag:$0x5], $0x2000, $0x38;
	[tilespmem:$0x1EA00] =	vst v63  }
0x169: {  	_ =	swait.ge [sflag:s20], $0x2000  }
0x16a: {  	[sflag:s20] =	ssyncset.done $0x0  }
0x16b: {  	s7 =	simm.s32 $0x11000;
	[sflag:s20] =	ssyncadd.s32 $0xFFFFE000  }
0x16c: {  	[spmem:s2] =	stream.indirect.scatter.add.f32 [tilespmem:s7], [sflag:$0x5], $0x80, s11, s8, $0xb8;
	[tilespmem:$0x1EA00] =	vst v63  }
0x16d: {  	_ =	swait.ge [sflag:s20], $0x2000  }
0x16e: {  	[sflag:s20] =	ssyncset.done $0x0  }
0x16f: {  	s9 =	sadd.s32 $0x800, s29;
	[sflag:s20] =	ssyncadd.s32 $0xFFFFE000  }
0x170: {  	[hbm:s9], [sflag:s13] =	dma.local [spmem:s16], $0x400  }
0x171: {  	_ =	swait.ge [sflag:s20], $0x400  }
0x172: {  	[sflag:s20] =	ssyncset.done $0x0  }
0x173: {  	s12 =	rddreg [dreg:$0x8];
	[sflag:s20] =	ssyncadd.s32 $0xFFFFFC00  }
0x174: {  	[spmem:s17] =	stream.linear.scatter [tilespmem:s12], [sflag:$0x5], $0x2000, $0x38;
	[tilespmem:$0x1EA00] =	vst v63  }
0x175: {  	_ =	swait.ge [sflag:s20], $0x2000  }
0x176: {  	[sflag:s20] =	ssyncset.done $0x0  }
0x177: {  	s31 =	smov.u32 s25;
	s28 =	rddreg [dreg:$0x9];
	[sflag:s20] =	ssyncadd.s32 $0xFFFFE000  }
0x178: {  	[spmem:s2] =	stream.indirect.scatter.add.f32 [tilespmem:s28], [sflag:$0x5], $0x80, s11, s8, $0xb8;
	[tilespmem:$0x1EA00] =	vst v63  }
0x179: {  	s25 =	smov.u32 s31;
	s26 =	sadd.s32 $0x400, s26;
	_ =	swait.ge [sflag:s20], $0x2000  }
0x17a: {  	p0 =	sne.s32 s26, $0xA000;
	s29 =	rddreg [dreg:$0x4];
	[sflag:s20] =	ssyncset.done $0x0  }
.Ltmp0:
0x17b: {  	[sflag:s20] =	ssyncadd.s32 $0xFFFFE000;
	s0 =	sadd.s32 s18, s29;
	(pc) =	sbr.rel @p0 .LBB2_2-.Ltmp0, $4  }
0x17c: {  	[hbm:s0], [sflag:s13] =	dma.local [spmem:s16], $0x400  }
0x17d: {  	s31 =	simm.s32 $0x5000;
	s19 =	sadd.s32 $0x800, s19;
	_ =	swait.ge [sflag:s20], $0x400  }
0x17e: {  	s6 =	simm.s32 $0x80;
	s21 =	sadd.s32 $0x100, s21;
	[sflag:s20] =	ssyncset.done $0x0  }
0x17f: {  	s7 =	simm.s32 $0x11000;
	s18 =	sadd.s32 $0x1000, s18;
	[sflag:s20] =	ssyncadd.s32 $0xFFFFFC00  }
0x180: {  	s1 =	rddreg [dreg:$0x12]  }
0x181: {  	s0 =	rddreg [dreg:$0x10];
	s1 =	sadd.s32 $0x1, s1  }
0x182: {  	p0 =	sne.s32 s1, s0  }
.Ltmp1:
0x183: {  	_ = 	snop;
	(pc) =	sbr.rel @p0 .LBB2_1-.Ltmp1, $2  }
0x184: {  	_ =	sdelay $0x2  }
0x185: {  	s13 =	simm.s32 $0xD000  }
0x186: {  	_ =	sfence.sel $0x180000  }
0x187: {  	[bflag:$0x0] =	sbarrier.arrive $0xFFFF  }
0x188: {  	_ =	strace $0x90000047  }
0x189: {  	s0 =	stileid.u32;
	[bflag:$0x2] =	sbarrier.arrive $0xFFFF  }
0x18a: {  	p0 =	sne.s32 s0, $0x0;
	s0 =	rddreg [dreg:$0x2]  }
0x18b: {  	s0 =	sadd.s32 @!p0 $0x100000, s0  }
0x18c: {  	[sflag:s0] =	ssyncadd.tile.s32 @!p0 $0x1;
	_ =	shalt  }
.Lfunc_end2:
_tile_overlayer_lowered:
.L_overlay_start_2:
0x18d: {  	(tag) =	ssettag $0x2  }
0x18e: {  	s0 =	rddreg [dreg:$0x0];
	s2 =	stileid.u32  }
0x18f: {  	s1 =	rddreg [dreg:$0x1];
	p0 =	sne.s32 s2, $0x0  }
0x190: {  	s3 =	rddreg [dreg:$0x2];
	[bflag:$0x3] =	sbarrier.arrive $0xFFFF;
	s2 =	simm.s32 @!p0 $0x1C05  }
0x191: {  	[timem:s3], [sflag:s2] =	dma.local @!p0 [hbm:s0], s1  }
0x192: {  	s0 =	simm.s32 @!p0 $0x5  }
0x193: {  	_ =	swait.ge @!p0 [sflag:s0], s1  }
0x194: {  	s1 =	ssub.s32 @!p0 $0x0, s1;
	[sflag:s0] =	ssyncset.done @!p0 $0x0  }
0x195: {  	[sflag:s0] =	ssyncadd.s32 @!p0 s1  }
0x196: {  	[bflag:$0x3] =	sbarrier.arrive $0xFFFF  }
0x197: {  	_ =	shalt  }

</sc_bundles>
